<compile_context>
chip_gen: v7x
topology: tpu7x:2x2x1
jax: 0.10.2.dev20260603
libtpu: 0.0.44.dev20260713+nightly
codegen_flags: <defaults>
</compile_context>

<pallas_src>
import functools

import jax
import jax.numpy as jnp
from jax import lax
from jax.experimental import pallas as pl
from jax.experimental.pallas import tpu as pltpu
from jax.experimental.pallas import tpu_sc as plsc

N = 10000
E = 320000
D = 128

NC = 2
NS = 16
L = 16

CH = 80
EPT = E // NS
NCH = EPT // CH
NCHP = 256
NIT = 16
CPI = NCHP // NIT
RPT = 624
REM = N - NS * RPT
GBYTES = CH * D * 4


def _matmul_body(x_ref, w_ref, y_ref):
    y_ref[0] = jnp.dot(x_ref[...], w_ref[0], preferred_element_type=jnp.float32)


def _projections(x, W2):
    br = N // 25
    return pl.pallas_call(
        _matmul_body,
        grid=(2, 25),
        in_specs=[
            pl.BlockSpec((br, D), lambda g, i: (i, 0)),
            pl.BlockSpec((1, D, D), lambda g, i: (g, 0, 0)),
        ],
        out_specs=pl.BlockSpec((1, br, D), lambda g, i: (g, i, 0)),
        out_shape=jax.ShapeDtypeStruct((2, N, D), jnp.float32),
    )(x, W2)


_BCAST_DN = lax.GatherDimensionNumbers(
    offset_dims=(), collapsed_slice_dims=(0,), start_index_map=(0,))


def _sc_body(y_hbm, e_hbm, v_hbm, part_hbm, ebuf, vbuf, rows2, acc_sh, gsem, ssem):
    c = lax.axis_index("c")
    s = lax.axis_index("s")

    def zrow(r, carry):
        for k in range(D // L):
            rows2[0, r, pl.ds(k * L, L)] = jnp.zeros((L,), jnp.float32)
        return carry
    lax.fori_loop(0, CH, zrow, 0)
    for i in range(RPT // CH):
        pltpu.sync_copy(rows2.at[0], acc_sh.at[pl.ds(s * RPT + i * CH, CH)])
    zr = RPT - (RPT // CH) * CH
    pltpu.sync_copy(rows2.at[0, pl.ds(0, zr)],
                    acc_sh.at[pl.ds(s * RPT + RPT - zr, zr)])

    @pl.when(s == 0)
    def _zero_rem():
        pltpu.sync_copy(rows2.at[0, pl.ds(0, REM)],
                        acc_sh.at[pl.ds(NS * RPT, REM)])

    plsc.subcore_barrier()

    def g_start(j, b):
        pltpu.async_copy(y_hbm.at[ebuf.at[0, j]], rows2.at[b], gsem.at[b])

    def g_wait(j, b):
        pltpu.make_async_copy(
            y_hbm.at[ebuf.at[0, j]], rows2.at[b], gsem.at[b]).wait()

    def s_start(j, b):
        pltpu.async_copy(rows2.at[b], acc_sh.at[ebuf.at[1, j]], ssem.at[b],
                         add=True)

    def s_wait(j, b):
        pltpu.make_async_copy(
            rows2.at[b], acc_sh.at[ebuf.at[1, j]], ssem.at[b]).wait()

    zlane = lax.iota(jnp.int32, L) * 0

    def compute(j, b):
        def group(g, carry):
            vals16 = vbuf[j, pl.ds(g * L, L)]
            for e in range(L):
                vb = lax.gather(
                    vals16, (zlane + e).reshape(L, 1), _BCAST_DN,
                    slice_sizes=(1,),
                    mode=lax.GatherScatterMode.PROMISE_IN_BOUNDS)
                row = g * L + e
                for k in range(D // L):
                    rows2[b, row, pl.ds(k * L, L)] = (
                        rows2[b, row, pl.ds(k * L, L)] * vb)
            return carry
        lax.fori_loop(0, CH // L, group, 0)

    def it_body(it, carry):
        pltpu.sync_copy(e_hbm.at[c, s, it], ebuf)
        pltpu.sync_copy(v_hbm.at[c, s, it], vbuf)
        g_start(0, 0)

        def slot(j, carry2):
            b = jnp.bitwise_and(j, 1)
            nb = 1 - b

            @pl.when(j < CPI - 1)
            def _prefetch():
                @pl.when(j > 0)
                def _drain_prev():
                    s_wait(j - 1, nb)
                g_start(j + 1, nb)

            g_wait(j, b)
            compute(j, b)
            s_start(j, b)
            return carry2
        lax.fori_loop(0, CPI, slot, 0)
        s_wait(CPI - 2, 0)
        s_wait(CPI - 1, 1)
        return carry
    lax.fori_loop(0, NIT, it_body, 0)

    plsc.subcore_barrier()
    pltpu.sync_copy(acc_sh.at[pl.ds(s * RPT, RPT)],
                    part_hbm.at[c, pl.ds(s * RPT, RPT)])

    @pl.when(s == 0)
    def _copy_rem():
        pltpu.sync_copy(acc_sh.at[pl.ds(NS * RPT, REM)],
                        part_hbm.at[c, pl.ds(NS * RPT, REM)])


def _sparse_partials(y2, edges, vals):
    mesh = plsc.VectorSubcoreMesh(
        core_axis_name="c", subcore_axis_name="s", num_cores=NC, num_subcores=NS)
    fn = pl.kernel(
        _sc_body,
        out_type=jax.ShapeDtypeStruct((NC, N, D), jnp.float32),
        mesh=mesh,
        scratch_types=[
            pltpu.VMEM((2, CPI, CH), jnp.int32),
            pltpu.VMEM((CPI, CH), jnp.float32),
            pltpu.VMEM((2, CH, D), jnp.float32),
            pltpu.VMEM_SHARED((N, D), jnp.float32),
            pltpu.SemaphoreType.DMA((2,)),
            pltpu.SemaphoreType.DMA((2,)),
        ],
    )
    return fn(y2.reshape(2 * N, D), edges, vals)


def _add_body(p_ref, o_ref):
    o_ref[...] = p_ref[0] + p_ref[1]


def _sum_partials(part):
    br = N // 25
    return pl.pallas_call(
        _add_body,
        grid=(25,),
        in_specs=[pl.BlockSpec((2, br, D), lambda i: (0, i, 0))],
        out_specs=pl.BlockSpec((br, D), lambda i: (i, 0)),
        out_shape=jax.ShapeDtypeStruct((N, D), jnp.float32),
    )(part)


def _pack_edges(lower_index, lower_values, upper_index, upper_values):
    def one_idx(idx, base):
        arr = jnp.stack([idx[1] + base, idx[0]])
        arr = arr.reshape(2, NS, NCH, CH)
        arr = jnp.pad(arr, ((0, 0), (0, 0), (0, NCHP - NCH), (0, 0)))
        arr = arr.reshape(2, NS, NIT, CPI, CH)
        return arr.transpose(1, 2, 0, 3, 4)

    def one_val(val):
        arr = val.reshape(NS, NCH, CH)
        arr = jnp.pad(arr, ((0, 0), (0, NCHP - NCH), (0, 0)))
        return arr.reshape(NS, NIT, CPI, CH)

    edges = jnp.stack([one_idx(lower_index, 0), one_idx(upper_index, N)])
    vals = jnp.stack([one_val(lower_values), one_val(upper_values)])
    return edges, vals


def kernel(x, lower_index, lower_values, upper_index, upper_values, W_irr, W_sol):
    W2 = jnp.stack([W_irr, W_sol])
    y2 = _projections(x, W2)
    edges, vals = _pack_edges(lower_index, lower_values, upper_index, upper_values)
    part = _sparse_partials(y2, edges, vals)
    return _sum_partials(part)

# --- scband reference (transcript-rebuilt; emitter-appended) ---
"""Pipeline reference for scband-ccnnlayer-3659312136514 (READ-ONLY COPY).

The authoritative reference and input builder live on the scoring server;
editing this copy changes nothing except your own understanding.
"""

import jax, jax.numpy as jnp
import numpy as np

N = 10000
E = 320000
D_IN = 128
D_OUT = 128


def setup_inputs(seed: int = 0) -> dict:
    key = jax.random.key(seed)
    ks = jax.random.split(key, 8)
    x = jax.random.normal(ks[0], (N, D_IN), dtype=jnp.float32)
    lower_index = jax.random.randint(ks[1], (2, E), 0, N, dtype=jnp.int64 if jax.config.jax_enable_x64 else jnp.int32).astype(jnp.int32)
    lower_values = jax.random.uniform(ks[2], (E,), dtype=jnp.float32)
    upper_index = jax.random.randint(ks[3], (2, E), 0, N, dtype=jnp.int64 if jax.config.jax_enable_x64 else jnp.int32).astype(jnp.int32)
    upper_values = jax.random.uniform(ks[4], (E,), dtype=jnp.float32)
    # learned parameters for the two Conv sub-modules (glorot-uniform style init)
    limit = np.sqrt(6.0 / (D_IN + D_OUT)).astype(np.float32)
    W_irr = jax.random.uniform(ks[5], (D_IN, D_OUT), minval=-limit, maxval=limit, dtype=jnp.float32)
    W_sol = jax.random.uniform(ks[6], (D_IN, D_OUT), minval=-limit, maxval=limit, dtype=jnp.float32)
    return {
        "x": x,
        "lower_index": lower_index,
        "lower_values": lower_values,
        "upper_index": upper_index,
        "upper_values": upper_values,
        "W_irr": W_irr,
        "W_sol": W_sol,
    }


def _conv(x, idx, val, W):
    # Conv: out = neighborhood @ (x @ W), with neighborhood given as sparse COO
    # idx[0] = dst (row), idx[1] = src (col), val = nonzero values
    y = x @ W                       # [N, D_OUT] dense matmul
    msg = val[:, None] * jnp.take(y, idx[1], axis=0)   # gather along src
    out = jnp.zeros((x.shape[0], W.shape[1]), dtype=y.dtype).at[idx[0]].add(msg)  # scatter-add to dst
    return out


def reference(x, lower_index, lower_values, upper_index, upper_values, W_irr, W_sol):
    irrotational_x = _conv(x, lower_index, lower_values, W_irr)
    solenoidal_x = _conv(x, upper_index, upper_values, W_sol)
    out = irrotational_x + solenoidal_x
    # harmonic=False -> no harmonic linear term
    return out

if __name__ == "__main__":
    import jax
    _d = setup_inputs()
    print(jax.jit(kernel)(*tuple(_d.values())))

</pallas_src>

<mosaic_0001>
#map = affine_map<(d0, d1) -> (0, 0)>
#map1 = affine_map<(d0, d1) -> (0, 0, 0, 0, 0, 0)>
#map2 = affine_map<(d0, d1) -> (0, 0, 0, 0, 0)>
#map3 = affine_map<(d0, d1) -> (0, 0, 0)>
module attributes {stable_mosaic.version = 14 : i64} {
  func.func @_sc_body(%arg0: i32, %arg1: i32, %arg2: memref<20000x128xf32, #tpu.memory_space<hbm>>, %arg3: memref<2x16x16x2x16x80xi32, #tpu.memory_space<hbm>>, %arg4: memref<2x16x16x16x80xf32, #tpu.memory_space<hbm>>, %arg5: memref<2x10000x128xf32, #tpu.memory_space<hbm>>, %arg6: memref<2x16x80xi32, #tpu.memory_space<vmem>>, %arg7: memref<16x80xf32, #tpu.memory_space<vmem>>, %arg8: memref<2x80x128xf32, #tpu.memory_space<vmem>>, %arg9: memref<10000x128xf32, #tpu.memory_space<vmem_shared>>, %arg10: memref<2x!tpu.dma_semaphore, #tpu.memory_space<semaphore_mem>>, %arg11: memref<2x!tpu.dma_semaphore, #tpu.memory_space<semaphore_mem>>) attributes {dimension_semantics = [#tpu.dimension_semantics<core_parallel>, #tpu.dimension_semantics<subcore_parallel>], iteration_bounds = array<i64: 2, 16>, scalar_prefetch = 0 : i64, scratch_operands = 6 : i64, tpu.core_type = #tpu.core_type<sc_vector_subcore>, window_params = [{transform_indices = #map}, {transform_indices = #map1}, {transform_indices = #map2}, {transform_indices = #map3}]} {
    %scan3A = arith.constant 0 : i32
    %scan3A_0 = arith.constant 0 : i32
    %scan3A_1 = arith.constant 80 : i32
    %scan3A_2 = arith.addi %scan3A_0, %scan3A_1 : i32
    %scan3A_3 = arith.constant 1 : i32
    scf.for %scan3A_64 = %scan3A_0 to %scan3A_2 step %scan3A_3  : i32 {
      %broadcast_in_dim3A = arith.constant 0.000000e+00 : f32
      %broadcast_in_dim3A_65 = vector.broadcast %broadcast_in_dim3A : f32 to vector<16xf32>
      %swap3A = arith.constant 0 : i32
      %swap3A_66 = arith.index_cast %swap3A : i32 to index
      %swap3A_67 = arith.index_cast %scan3A_64 : i32 to index
      %swap3A_68 = arith.constant 0 : index
      %swap3A_69 = tpu.vector_load %arg8[%swap3A_66, %swap3A_67, %swap3A_68] {strides = array<i32>} : memref<2x80x128xf32, #tpu.memory_space<vmem>>, vector<1x1x16xf32>,
      %swap3A_70 = vector.shape_cast %swap3A_69 : vector<1x1x16xf32> to vector<16xf32>
      %swap3A_71 = vector.shape_cast %broadcast_in_dim3A_65 : vector<16xf32> to vector<1x1x16xf32>
      tpu.vector_store %arg8[%swap3A_66, %swap3A_67, %swap3A_68], %swap3A_71 {strides = array<i32>} : memref<2x80x128xf32, #tpu.memory_space<vmem>>, vector<1x1x16xf32>,
      %broadcast_in_dim3A_72 = arith.constant 0.000000e+00 : f32
      %broadcast_in_dim3A_73 = vector.broadcast %broadcast_in_dim3A_72 : f32 to vector<16xf32>
      %swap3A_74 = arith.constant 0 : i32
      %swap3A_75 = arith.index_cast %swap3A_74 : i32 to index
      %swap3A_76 = arith.index_cast %scan3A_64 : i32 to index
      %swap3A_77 = arith.constant 16 : index
      %swap3A_78 = tpu.vector_load %arg8[%swap3A_75, %swap3A_76, %swap3A_77] {strides = array<i32>} : memref<2x80x128xf32, #tpu.memory_space<vmem>>, vector<1x1x16xf32>,
      %swap3A_79 = vector.shape_cast %swap3A_78 : vector<1x1x16xf32> to vector<16xf32>
      %swap3A_80 = vector.shape_cast %broadcast_in_dim3A_73 : vector<16xf32> to vector<1x1x16xf32>
      tpu.vector_store %arg8[%swap3A_75, %swap3A_76, %swap3A_77], %swap3A_80 {strides = array<i32>} : memref<2x80x128xf32, #tpu.memory_space<vmem>>, vector<1x1x16xf32>,
      %broadcast_in_dim3A_81 = arith.constant 0.000000e+00 : f32
      %broadcast_in_dim3A_82 = vector.broadcast %broadcast_in_dim3A_81 : f32 to vector<16xf32>
      %swap3A_83 = arith.constant 0 : i32
      %swap3A_84 = arith.index_cast %swap3A_83 : i32 to index
      %swap3A_85 = arith.index_cast %scan3A_64 : i32 to index
      %swap3A_86 = arith.constant 32 : index
      %swap3A_87 = tpu.vector_load %arg8[%swap3A_84, %swap3A_85, %swap3A_86] {strides = array<i32>} : memref<2x80x128xf32, #tpu.memory_space<vmem>>, vector<1x1x16xf32>,
      %swap3A_88 = vector.shape_cast %swap3A_87 : vector<1x1x16xf32> to vector<16xf32>
      %swap3A_89 = vector.shape_cast %broadcast_in_dim3A_82 : vector<16xf32> to vector<1x1x16xf32>
      tpu.vector_store %arg8[%swap3A_84, %swap3A_85, %swap3A_86], %swap3A_89 {strides = array<i32>} : memref<2x80x128xf32, #tpu.memory_space<vmem>>, vector<1x1x16xf32>,
      %broadcast_in_dim3A_90 = arith.constant 0.000000e+00 : f32
      %broadcast_in_dim3A_91 = vector.broadcast %broadcast_in_dim3A_90 : f32 to vector<16xf32>
      %swap3A_92 = arith.constant 0 : i32
      %swap3A_93 = arith.index_cast %swap3A_92 : i32 to index
      %swap3A_94 = arith.index_cast %scan3A_64 : i32 to index
      %swap3A_95 = arith.constant 48 : index
      %swap3A_96 = tpu.vector_load %arg8[%swap3A_93, %swap3A_94, %swap3A_95] {strides = array<i32>} : memref<2x80x128xf32, #tpu.memory_space<vmem>>, vector<1x1x16xf32>,
      %swap3A_97 = vector.shape_cast %swap3A_96 : vector<1x1x16xf32> to vector<16xf32>
      %swap3A_98 = vector.shape_cast %broadcast_in_dim3A_91 : vector<16xf32> to vector<1x1x16xf32>
      tpu.vector_store %arg8[%swap3A_93, %swap3A_94, %swap3A_95], %swap3A_98 {strides = array<i32>} : memref<2x80x128xf32, #tpu.memory_space<vmem>>, vector<1x1x16xf32>,
      %broadcast_in_dim3A_99 = arith.constant 0.000000e+00 : f32
      %broadcast_in_dim3A_100 = vector.broadcast %broadcast_in_dim3A_99 : f32 to vector<16xf32>
      %swap3A_101 = arith.constant 0 : i32
      %swap3A_102 = arith.index_cast %swap3A_101 : i32 to index
      %swap3A_103 = arith.index_cast %scan3A_64 : i32 to index
      %swap3A_104 = arith.constant 64 : index
      %swap3A_105 = tpu.vector_load %arg8[%swap3A_102, %swap3A_103, %swap3A_104] {strides = array<i32>} : memref<2x80x128xf32, #tpu.memory_space<vmem>>, vector<1x1x16xf32>,
      %swap3A_106 = vector.shape_cast %swap3A_105 : vector<1x1x16xf32> to vector<16xf32>
      %swap3A_107 = vector.shape_cast %broadcast_in_dim3A_100 : vector<16xf32> to vector<1x1x16xf32>
      tpu.vector_store %arg8[%swap3A_102, %swap3A_103, %swap3A_104], %swap3A_107 {strides = array<i32>} : memref<2x80x128xf32, #tpu.memory_space<vmem>>, vector<1x1x16xf32>,
      %broadcast_in_dim3A_108 = arith.constant 0.000000e+00 : f32
      %broadcast_in_dim3A_109 = vector.broadcast %broadcast_in_dim3A_108 : f32 to vector<16xf32>
      %swap3A_110 = arith.constant 0 : i32
      %swap3A_111 = arith.index_cast %swap3A_110 : i32 to index
      %swap3A_112 = arith.index_cast %scan3A_64 : i32 to index
      %swap3A_113 = arith.constant 80 : index
      %swap3A_114 = tpu.vector_load %arg8[%swap3A_111, %swap3A_112, %swap3A_113] {strides = array<i32>} : memref<2x80x128xf32, #tpu.memory_space<vmem>>, vector<1x1x16xf32>,
      %swap3A_115 = vector.shape_cast %swap3A_114 : vector<1x1x16xf32> to vector<16xf32>
      %swap3A_116 = vector.shape_cast %broadcast_in_dim3A_109 : vector<16xf32> to vector<1x1x16xf32>
      tpu.vector_store %arg8[%swap3A_111, %swap3A_112, %swap3A_113], %swap3A_116 {strides = array<i32>} : memref<2x80x128xf32, #tpu.memory_space<vmem>>, vector<1x1x16xf32>,
      %broadcast_in_dim3A_117 = arith.constant 0.000000e+00 : f32
      %broadcast_in_dim3A_118 = vector.broadcast %broadcast_in_dim3A_117 : f32 to vector<16xf32>
      %swap3A_119 = arith.constant 0 : i32
      %swap3A_120 = arith.index_cast %swap3A_119 : i32 to index
      %swap3A_121 = arith.index_cast %scan3A_64 : i32 to index
      %swap3A_122 = arith.constant 96 : index
      %swap3A_123 = tpu.vector_load %arg8[%swap3A_120, %swap3A_121, %swap3A_122] {strides = array<i32>} : memref<2x80x128xf32, #tpu.memory_space<vmem>>, vector<1x1x16xf32>,
      %swap3A_124 = vector.shape_cast %swap3A_123 : vector<1x1x16xf32> to vector<16xf32>
      %swap3A_125 = vector.shape_cast %broadcast_in_dim3A_118 : vector<16xf32> to vector<1x1x16xf32>
      tpu.vector_store %arg8[%swap3A_120, %swap3A_121, %swap3A_122], %swap3A_125 {strides = array<i32>} : memref<2x80x128xf32, #tpu.memory_space<vmem>>, vector<1x1x16xf32>,
      %broadcast_in_dim3A_126 = arith.constant 0.000000e+00 : f32
      %broadcast_in_dim3A_127 = vector.broadcast %broadcast_in_dim3A_126 : f32 to vector<16xf32>
      %swap3A_128 = arith.constant 0 : i32
      %swap3A_129 = arith.index_cast %swap3A_128 : i32 to index
      %swap3A_130 = arith.index_cast %scan3A_64 : i32 to index
      %swap3A_131 = arith.constant 112 : index
      %swap3A_132 = tpu.vector_load %arg8[%swap3A_129, %swap3A_130, %swap3A_131] {strides = array<i32>} : memref<2x80x128xf32, #tpu.memory_space<vmem>>, vector<1x1x16xf32>,
      %swap3A_133 = vector.shape_cast %swap3A_132 : vector<1x1x16xf32> to vector<16xf32>
      %swap3A_134 = vector.shape_cast %broadcast_in_dim3A_127 : vector<16xf32> to vector<1x1x16xf32>
      tpu.vector_store %arg8[%swap3A_129, %swap3A_130, %swap3A_131], %swap3A_134 {strides = array<i32>} : memref<2x80x128xf32, #tpu.memory_space<vmem>>, vector<1x1x16xf32>,
    }
    %scan3A_4 = arith.constant 80 : i32
    %mul3A = arith.constant 624 : i32
    %mul3A_5 = arith.muli %arg1, %mul3A : i32
    %add3A = arith.constant 0 : i32
    %add3A_6 = arith.addi %mul3A_5, %add3A : i32
    %run_scoped3A = arith.constant 0 : i32
    "tpu.region"() ({
      %run_scoped3A_64 = tpu.sem_alloc : memref<!tpu.dma_semaphore, #tpu.memory_space<semaphore_mem>>
      %dma_start3A = arith.constant 0 : i32
      %dma_start3A_65 = arith.constant 0 : i32
      %dma_start3A_66 = tpu.memref_slice %arg8[%run_scoped3A, %dma_start3A, %dma_start3A_65] : memref<2x80x128xf32, #tpu.memory_space<vmem>> -> memref<1x80x128xf32, #tpu.memory_space<vmem>>
      %dma_start3A_67 = tpu.memref_squeeze %dma_start3A_66 : memref<1x80x128xf32, #tpu.memory_space<vmem>> -> memref<80x128xf32, #tpu.memory_space<vmem>>
      %dma_start3A_68 = arith.constant 0 : i32
      %dma_start3A_69 = tpu.memref_slice %arg9[%add3A_6, %dma_start3A_68] : memref<10000x128xf32, #tpu.memory_space<vmem_shared>> -> memref<80x128xf32, #tpu.memory_space<vmem_shared>>
      %dma_start3A_70 = arith.constant 0 : i32
      %dma_start3A_71 = tpu.memref_slice %arg9[%add3A_6, %dma_start3A_70] : memref<10000x128xf32, #tpu.memory_space<vmem_shared>> -> memref<80x128xf32, #tpu.memory_space<vmem_shared>>
      %dma_start3A_72 = arith.constant 0 : i32
      %dma_start3A_73 = arith.constant 0 : i32
      %dma_start3A_74 = tpu.memref_slice %arg8[%run_scoped3A, %dma_start3A_72, %dma_start3A_73] : memref<2x80x128xf32, #tpu.memory_space<vmem>> -> memref<1x80x128xf32, #tpu.memory_space<vmem>>
      %dma_start3A_75 = tpu.memref_squeeze %dma_start3A_74 : memref<1x80x128xf32, #tpu.memory_space<vmem>> -> memref<80x128xf32, #tpu.memory_space<vmem>>
      tpu.enqueue_dma source(%dma_start3A_75 : memref<80x128xf32, #tpu.memory_space<vmem>>) target(%dma_start3A_71 : memref<80x128xf32, #tpu.memory_space<vmem_shared>>) target_semaphore(%run_scoped3A_64 : memref<!tpu.dma_semaphore, #tpu.memory_space<semaphore_mem>>)
      %dma_wait3A = arith.constant 0 : i32
      %dma_wait3A_76 = arith.constant 0 : i32
      %dma_wait3A_77 = tpu.memref_slice %arg8[%run_scoped3A, %dma_wait3A, %dma_wait3A_76] : memref<2x80x128xf32, #tpu.memory_space<vmem>> -> memref<1x80x128xf32, #tpu.memory_space<vmem>>
      %dma_wait3A_78 = tpu.memref_squeeze %dma_wait3A_77 : memref<1x80x128xf32, #tpu.memory_space<vmem>> -> memref<80x128xf32, #tpu.memory_space<vmem>>
      %dma_wait3A_79 = arith.constant 0 : i32
      %dma_wait3A_80 = tpu.memref_slice %arg9[%add3A_6, %dma_wait3A_79] : memref<10000x128xf32, #tpu.memory_space<vmem_shared>> -> memref<80x128xf32, #tpu.memory_space<vmem_shared>>
      %dma_wait3A_81 = arith.constant 0 : i32
      %dma_wait3A_82 = tpu.memref_slice %arg9[%add3A_6, %dma_wait3A_81] : memref<10000x128xf32, #tpu.memory_space<vmem_shared>> -> memref<80x128xf32, #tpu.memory_space<vmem_shared>>
      %dma_wait3A_83 = arith.constant 0 : i32
      %dma_wait3A_84 = arith.constant 0 : i32
      %dma_wait3A_85 = tpu.memref_slice %arg8[%run_scoped3A, %dma_wait3A_83, %dma_wait3A_84] : memref<2x80x128xf32, #tpu.memory_space<vmem>> -> memref<1x80x128xf32, #tpu.memory_space<vmem>>
      %dma_wait3A_86 = tpu.memref_squeeze %dma_wait3A_85 : memref<1x80x128xf32, #tpu.memory_space<vmem>> -> memref<80x128xf32, #tpu.memory_space<vmem>>
      tpu.wait_dma2 semaphore(%run_scoped3A_64 : memref<!tpu.dma_semaphore, #tpu.memory_space<semaphore_mem>>) src(%dma_wait3A_86 : memref<80x128xf32, #tpu.memory_space<vmem>>) dst(%dma_wait3A_82 : memref<80x128xf32, #tpu.memory_space<vmem_shared>>)
      tpu.yield
    }) : () -> ()
    %mul3A_7 = arith.constant 624 : i32
    %mul3A_8 = arith.muli %arg1, %mul3A_7 : i32
    %add3A_9 = arith.constant 80 : i32
    %add3A_10 = arith.addi %mul3A_8, %add3A_9 : i32
    %run_scoped3A_11 = arith.constant 0 : i32
    "tpu.region"() ({
      %run_scoped3A_64 = tpu.sem_alloc : memref<!tpu.dma_semaphore, #tpu.memory_space<semaphore_mem>>
      %dma_start3A = arith.constant 0 : i32
      %dma_start3A_65 = arith.constant 0 : i32
      %dma_start3A_66 = tpu.memref_slice %arg8[%run_scoped3A_11, %dma_start3A, %dma_start3A_65] : memref<2x80x128xf32, #tpu.memory_space<vmem>> -> memref<1x80x128xf32, #tpu.memory_space<vmem>>
      %dma_start3A_67 = tpu.memref_squeeze %dma_start3A_66 : memref<1x80x128xf32, #tpu.memory_space<vmem>> -> memref<80x128xf32, #tpu.memory_space<vmem>>
      %dma_start3A_68 = arith.constant 0 : i32
      %dma_start3A_69 = tpu.memref_slice %arg9[%add3A_10, %dma_start3A_68] : memref<10000x128xf32, #tpu.memory_space<vmem_shared>> -> memref<80x128xf32, #tpu.memory_space<vmem_shared>>
      %dma_start3A_70 = arith.constant 0 : i32
      %dma_start3A_71 = tpu.memref_slice %arg9[%add3A_10, %dma_start3A_70] : memref<10000x128xf32, #tpu.memory_space<vmem_shared>> -> memref<80x128xf32, #tpu.memory_space<vmem_shared>>
      %dma_start3A_72 = arith.constant 0 : i32
      %dma_start3A_73 = arith.constant 0 : i32
      %dma_start3A_74 = tpu.memref_slice %arg8[%run_scoped3A_11, %dma_start3A_72, %dma_start3A_73] : memref<2x80x128xf32, #tpu.memory_space<vmem>> -> memref<1x80x128xf32, #tpu.memory_space<vmem>>
      %dma_start3A_75 = tpu.memref_squeeze %dma_start3A_74 : memref<1x80x128xf32, #tpu.memory_space<vmem>> -> memref<80x128xf32, #tpu.memory_space<vmem>>
      tpu.enqueue_dma source(%dma_start3A_75 : memref<80x128xf32, #tpu.memory_space<vmem>>) target(%dma_start3A_71 : memref<80x128xf32, #tpu.memory_space<vmem_shared>>) target_semaphore(%run_scoped3A_64 : memref<!tpu.dma_semaphore, #tpu.memory_space<semaphore_mem>>)
      %dma_wait3A = arith.constant 0 : i32
      %dma_wait3A_76 = arith.constant 0 : i32
      %dma_wait3A_77 = tpu.memref_slice %arg8[%run_scoped3A_11, %dma_wait3A, %dma_wait3A_76] : memref<2x80x128xf32, #tpu.memory_space<vmem>> -> memref<1x80x128xf32, #tpu.memory_space<vmem>>
      %dma_wait3A_78 = tpu.memref_squeeze %dma_wait3A_77 : memref<1x80x128xf32, #tpu.memory_space<vmem>> -> memref<80x128xf32, #tpu.memory_space<vmem>>
      %dma_wait3A_79 = arith.constant 0 : i32
      %dma_wait3A_80 = tpu.memref_slice %arg9[%add3A_10, %dma_wait3A_79] : memref<10000x128xf32, #tpu.memory_space<vmem_shared>> -> memref<80x128xf32, #tpu.memory_space<vmem_shared>>
      %dma_wait3A_81 = arith.constant 0 : i32
      %dma_wait3A_82 = tpu.memref_slice %arg9[%add3A_10, %dma_wait3A_81] : memref<10000x128xf32, #tpu.memory_space<vmem_shared>> -> memref<80x128xf32, #tpu.memory_space<vmem_shared>>
      %dma_wait3A_83 = arith.constant 0 : i32
      %dma_wait3A_84 = arith.constant 0 : i32
      %dma_wait3A_85 = tpu.memref_slice %arg8[%run_scoped3A_11, %dma_wait3A_83, %dma_wait3A_84] : memref<2x80x128xf32, #tpu.memory_space<vmem>> -> memref<1x80x128xf32, #tpu.memory_space<vmem>>
      %dma_wait3A_86 = tpu.memref_squeeze %dma_wait3A_85 : memref<1x80x128xf32, #tpu.memory_space<vmem>> -> memref<80x128xf32, #tpu.memory_space<vmem>>
      tpu.wait_dma2 semaphore(%run_scoped3A_64 : memref<!tpu.dma_semaphore, #tpu.memory_space<semaphore_mem>>) src(%dma_wait3A_86 : memref<80x128xf32, #tpu.memory_space<vmem>>) dst(%dma_wait3A_82 : memref<80x128xf32, #tpu.memory_space<vmem_shared>>)
      tpu.yield
    }) : () -> ()
    %mul3A_12 = arith.constant 624 : i32
    %mul3A_13 = arith.muli %arg1, %mul3A_12 : i32
    %add3A_14 = arith.constant 160 : i32
    %add3A_15 = arith.addi %mul3A_13, %add3A_14 : i32
    %run_scoped3A_16 = arith.constant 0 : i32
    "tpu.region"() ({
      %run_scoped3A_64 = tpu.sem_alloc : memref<!tpu.dma_semaphore, #tpu.memory_space<semaphore_mem>>
      %dma_start3A = arith.constant 0 : i32
      %dma_start3A_65 = arith.constant 0 : i32
      %dma_start3A_66 = tpu.memref_slice %arg8[%run_scoped3A_16, %dma_start3A, %dma_start3A_65] : memref<2x80x128xf32, #tpu.memory_space<vmem>> -> memref<1x80x128xf32, #tpu.memory_space<vmem>>
      %dma_start3A_67 = tpu.memref_squeeze %dma_start3A_66 : memref<1x80x128xf32, #tpu.memory_space<vmem>> -> memref<80x128xf32, #tpu.memory_space<vmem>>
      %dma_start3A_68 = arith.constant 0 : i32
      %dma_start3A_69 = tpu.memref_slice %arg9[%add3A_15, %dma_start3A_68] : memref<10000x128xf32, #tpu.memory_space<vmem_shared>> -> memref<80x128xf32, #tpu.memory_space<vmem_shared>>
      %dma_start3A_70 = arith.constant 0 : i32
      %dma_start3A_71 = tpu.memref_slice %arg9[%add3A_15, %dma_start3A_70] : memref<10000x128xf32, #tpu.memory_space<vmem_shared>> -> memref<80x128xf32, #tpu.memory_space<vmem_shared>>
      %dma_start3A_72 = arith.constant 0 : i32
      %dma_start3A_73 = arith.constant 0 : i32
      %dma_start3A_74 = tpu.memref_slice %arg8[%run_scoped3A_16, %dma_start3A_72, %dma_start3A_73] : memref<2x80x128xf32, #tpu.memory_space<vmem>> -> memref<1x80x128xf32, #tpu.memory_space<vmem>>
      %dma_start3A_75 = tpu.memref_squeeze %dma_start3A_74 : memref<1x80x128xf32, #tpu.memory_space<vmem>> -> memref<80x128xf32, #tpu.memory_space<vmem>>
      tpu.enqueue_dma source(%dma_start3A_75 : memref<80x128xf32, #tpu.memory_space<vmem>>) target(%dma_start3A_71 : memref<80x128xf32, #tpu.memory_space<vmem_shared>>) target_semaphore(%run_scoped3A_64 : memref<!tpu.dma_semaphore, #tpu.memory_space<semaphore_mem>>)
      %dma_wait3A = arith.constant 0 : i32
      %dma_wait3A_76 = arith.constant 0 : i32
      %dma_wait3A_77 = tpu.memref_slice %arg8[%run_scoped3A_16, %dma_wait3A, %dma_wait3A_76] : memref<2x80x128xf32, #tpu.memory_space<vmem>> -> memref<1x80x128xf32, #tpu.memory_space<vmem>>
      %dma_wait3A_78 = tpu.memref_squeeze %dma_wait3A_77 : memref<1x80x128xf32, #tpu.memory_space<vmem>> -> memref<80x128xf32, #tpu.memory_space<vmem>>
      %dma_wait3A_79 = arith.constant 0 : i32
      %dma_wait3A_80 = tpu.memref_slice %arg9[%add3A_15, %dma_wait3A_79] : memref<10000x128xf32, #tpu.memory_space<vmem_shared>> -> memref<80x128xf32, #tpu.memory_space<vmem_shared>>
      %dma_wait3A_81 = arith.constant 0 : i32
      %dma_wait3A_82 = tpu.memref_slice %arg9[%add3A_15, %dma_wait3A_81] : memref<10000x128xf32, #tpu.memory_space<vmem_shared>> -> memref<80x128xf32, #tpu.memory_space<vmem_shared>>
      %dma_wait3A_83 = arith.constant 0 : i32
      %dma_wait3A_84 = arith.constant 0 : i32
      %dma_wait3A_85 = tpu.memref_slice %arg8[%run_scoped3A_16, %dma_wait3A_83, %dma_wait3A_84] : memref<2x80x128xf32, #tpu.memory_space<vmem>> -> memref<1x80x128xf32, #tpu.memory_space<vmem>>
      %dma_wait3A_86 = tpu.memref_squeeze %dma_wait3A_85 : memref<1x80x128xf32, #tpu.memory_space<vmem>> -> memref<80x128xf32, #tpu.memory_space<vmem>>
      tpu.wait_dma2 semaphore(%run_scoped3A_64 : memref<!tpu.dma_semaphore, #tpu.memory_space<semaphore_mem>>) src(%dma_wait3A_86 : memref<80x128xf32, #tpu.memory_space<vmem>>) dst(%dma_wait3A_82 : memref<80x128xf32, #tpu.memory_space<vmem_shared>>)
      tpu.yield
    }) : () -> ()
    %mul3A_17 = arith.constant 624 : i32
    %mul3A_18 = arith.muli %arg1, %mul3A_17 : i32
    %add3A_19 = arith.constant 240 : i32
    %add3A_20 = arith.addi %mul3A_18, %add3A_19 : i32
    %run_scoped3A_21 = arith.constant 0 : i32
    "tpu.region"() ({
      %run_scoped3A_64 = tpu.sem_alloc : memref<!tpu.dma_semaphore, #tpu.memory_space<semaphore_mem>>
      %dma_start3A = arith.constant 0 : i32
      %dma_start3A_65 = arith.constant 0 : i32
      %dma_start3A_66 = tpu.memref_slice %arg8[%run_scoped3A_21, %dma_start3A, %dma_start3A_65] : memref<2x80x128xf32, #tpu.memory_space<vmem>> -> memref<1x80x128xf32, #tpu.memory_space<vmem>>
      %dma_start3A_67 = tpu.memref_squeeze %dma_start3A_66 : memref<1x80x128xf32, #tpu.memory_space<vmem>> -> memref<80x128xf32, #tpu.memory_space<vmem>>
      %dma_start3A_68 = arith.constant 0 : i32
      %dma_start3A_69 = tpu.memref_slice %arg9[%add3A_20, %dma_start3A_68] : memref<10000x128xf32, #tpu.memory_space<vmem_shared>> -> memref<80x128xf32, #tpu.memory_space<vmem_shared>>
      %dma_start3A_70 = arith.constant 0 : i32
      %dma_start3A_71 = tpu.memref_slice %arg9[%add3A_20, %dma_start3A_70] : memref<10000x128xf32, #tpu.memory_space<vmem_shared>> -> memref<80x128xf32, #tpu.memory_space<vmem_shared>>
      %dma_start3A_72 = arith.constant 0 : i32
      %dma_start3A_73 = arith.constant 0 : i32
      %dma_start3A_74 = tpu.memref_slice %arg8[%run_scoped3A_21, %dma_start3A_72, %dma_start3A_73] : memref<2x80x128xf32, #tpu.memory_space<vmem>> -> memref<1x80x128xf32, #tpu.memory_space<vmem>>
      %dma_start3A_75 = tpu.memref_squeeze %dma_start3A_74 : memref<1x80x128xf32, #tpu.memory_space<vmem>> -> memref<80x128xf32, #tpu.memory_space<vmem>>
      tpu.enqueue_dma source(%dma_start3A_75 : memref<80x128xf32, #tpu.memory_space<vmem>>) target(%dma_start3A_71 : memref<80x128xf32, #tpu.memory_space<vmem_shared>>) target_semaphore(%run_scoped3A_64 : memref<!tpu.dma_semaphore, #tpu.memory_space<semaphore_mem>>)
      %dma_wait3A = arith.constant 0 : i32
      %dma_wait3A_76 = arith.constant 0 : i32
      %dma_wait3A_77 = tpu.memref_slice %arg8[%run_scoped3A_21, %dma_wait3A, %dma_wait3A_76] : memref<2x80x128xf32, #tpu.memory_space<vmem>> -> memref<1x80x128xf32, #tpu.memory_space<vmem>>
      %dma_wait3A_78 = tpu.memref_squeeze %dma_wait3A_77 : memref<1x80x128xf32, #tpu.memory_space<vmem>> -> memref<80x128xf32, #tpu.memory_space<vmem>>
      %dma_wait3A_79 = arith.constant 0 : i32
      %dma_wait3A_80 = tpu.memref_slice %arg9[%add3A_20, %dma_wait3A_79] : memref<10000x128xf32, #tpu.memory_space<vmem_shared>> -> memref<80x128xf32, #tpu.memory_space<vmem_shared>>
      %dma_wait3A_81 = arith.constant 0 : i32
      %dma_wait3A_82 = tpu.memref_slice %arg9[%add3A_20, %dma_wait3A_81] : memref<10000x128xf32, #tpu.memory_space<vmem_shared>> -> memref<80x128xf32, #tpu.memory_space<vmem_shared>>
      %dma_wait3A_83 = arith.constant 0 : i32
      %dma_wait3A_84 = arith.constant 0 : i32
      %dma_wait3A_85 = tpu.memref_slice %arg8[%run_scoped3A_21, %dma_wait3A_83, %dma_wait3A_84] : memref<2x80x128xf32, #tpu.memory_space<vmem>> -> memref<1x80x128xf32, #tpu.memory_space<vmem>>
      %dma_wait3A_86 = tpu.memref_squeeze %dma_wait3A_85 : memref<1x80x128xf32, #tpu.memory_space<vmem>> -> memref<80x128xf32, #tpu.memory_space<vmem>>
      tpu.wait_dma2 semaphore(%run_scoped3A_64 : memref<!tpu.dma_semaphore, #tpu.memory_space<semaphore_mem>>) src(%dma_wait3A_86 : memref<80x128xf32, #tpu.memory_space<vmem>>) dst(%dma_wait3A_82 : memref<80x128xf32, #tpu.memory_space<vmem_shared>>)
      tpu.yield
    }) : () -> ()
    %mul3A_22 = arith.constant 624 : i32
    %mul3A_23 = arith.muli %arg1, %mul3A_22 : i32
    %add3A_24 = arith.constant 320 : i32
    %add3A_25 = arith.addi %mul3A_23, %add3A_24 : i32
    %run_scoped3A_26 = arith.constant 0 : i32
    "tpu.region"() ({
      %run_scoped3A_64 = tpu.sem_alloc : memref<!tpu.dma_semaphore, #tpu.memory_space<semaphore_mem>>
      %dma_start3A = arith.constant 0 : i32
      %dma_start3A_65 = arith.constant 0 : i32
      %dma_start3A_66 = tpu.memref_slice %arg8[%run_scoped3A_26, %dma_start3A, %dma_start3A_65] : memref<2x80x128xf32, #tpu.memory_space<vmem>> -> memref<1x80x128xf32, #tpu.memory_space<vmem>>
      %dma_start3A_67 = tpu.memref_squeeze %dma_start3A_66 : memref<1x80x128xf32, #tpu.memory_space<vmem>> -> memref<80x128xf32, #tpu.memory_space<vmem>>
      %dma_start3A_68 = arith.constant 0 : i32
      %dma_start3A_69 = tpu.memref_slice %arg9[%add3A_25, %dma_start3A_68] : memref<10000x128xf32, #tpu.memory_space<vmem_shared>> -> memref<80x128xf32, #tpu.memory_space<vmem_shared>>
      %dma_start3A_70 = arith.constant 0 : i32
      %dma_start3A_71 = tpu.memref_slice %arg9[%add3A_25, %dma_start3A_70] : memref<10000x128xf32, #tpu.memory_space<vmem_shared>> -> memref<80x128xf32, #tpu.memory_space<vmem_shared>>
      %dma_start3A_72 = arith.constant 0 : i32
      %dma_start3A_73 = arith.constant 0 : i32
      %dma_start3A_74 = tpu.memref_slice %arg8[%run_scoped3A_26, %dma_start3A_72, %dma_start3A_73] : memref<2x80x128xf32, #tpu.memory_space<vmem>> -> memref<1x80x128xf32, #tpu.memory_space<vmem>>
      %dma_start3A_75 = tpu.memref_squeeze %dma_start3A_74 : memref<1x80x128xf32, #tpu.memory_space<vmem>> -> memref<80x128xf32, #tpu.memory_space<vmem>>
      tpu.enqueue_dma source(%dma_start3A_75 : memref<80x128xf32, #tpu.memory_space<vmem>>) target(%dma_start3A_71 : memref<80x128xf32, #tpu.memory_space<vmem_shared>>) target_semaphore(%run_scoped3A_64 : memref<!tpu.dma_semaphore, #tpu.memory_space<semaphore_mem>>)
      %dma_wait3A = arith.constant 0 : i32
      %dma_wait3A_76 = arith.constant 0 : i32
      %dma_wait3A_77 = tpu.memref_slice %arg8[%run_scoped3A_26, %dma_wait3A, %dma_wait3A_76] : memref<2x80x128xf32, #tpu.memory_space<vmem>> -> memref<1x80x128xf32, #tpu.memory_space<vmem>>
      %dma_wait3A_78 = tpu.memref_squeeze %dma_wait3A_77 : memref<1x80x128xf32, #tpu.memory_space<vmem>> -> memref<80x128xf32, #tpu.memory_space<vmem>>
      %dma_wait3A_79 = arith.constant 0 : i32
      %dma_wait3A_80 = tpu.memref_slice %arg9[%add3A_25, %dma_wait3A_79] : memref<10000x128xf32, #tpu.memory_space<vmem_shared>> -> memref<80x128xf32, #tpu.memory_space<vmem_shared>>
      %dma_wait3A_81 = arith.constant 0 : i32
      %dma_wait3A_82 = tpu.memref_slice %arg9[%add3A_25, %dma_wait3A_81] : memref<10000x128xf32, #tpu.memory_space<vmem_shared>> -> memref<80x128xf32, #tpu.memory_space<vmem_shared>>
      %dma_wait3A_83 = arith.constant 0 : i32
      %dma_wait3A_84 = arith.constant 0 : i32
      %dma_wait3A_85 = tpu.memref_slice %arg8[%run_scoped3A_26, %dma_wait3A_83, %dma_wait3A_84] : memref<2x80x128xf32, #tpu.memory_space<vmem>> -> memref<1x80x128xf32, #tpu.memory_space<vmem>>
      %dma_wait3A_86 = tpu.memref_squeeze %dma_wait3A_85 : memref<1x80x128xf32, #tpu.memory_space<vmem>> -> memref<80x128xf32, #tpu.memory_space<vmem>>
      tpu.wait_dma2 semaphore(%run_scoped3A_64 : memref<!tpu.dma_semaphore, #tpu.memory_space<semaphore_mem>>) src(%dma_wait3A_86 : memref<80x128xf32, #tpu.memory_space<vmem>>) dst(%dma_wait3A_82 : memref<80x128xf32, #tpu.memory_space<vmem_shared>>)
      tpu.yield
    }) : () -> ()
    %mul3A_27 = arith.constant 624 : i32
    %mul3A_28 = arith.muli %arg1, %mul3A_27 : i32
    %add3A_29 = arith.constant 400 : i32
    %add3A_30 = arith.addi %mul3A_28, %add3A_29 : i32
    %run_scoped3A_31 = arith.constant 0 : i32
    "tpu.region"() ({
      %run_scoped3A_64 = tpu.sem_alloc : memref<!tpu.dma_semaphore, #tpu.memory_space<semaphore_mem>>
      %dma_start3A = arith.constant 0 : i32
      %dma_start3A_65 = arith.constant 0 : i32
      %dma_start3A_66 = tpu.memref_slice %arg8[%run_scoped3A_31, %dma_start3A, %dma_start3A_65] : memref<2x80x128xf32, #tpu.memory_space<vmem>> -> memref<1x80x128xf32, #tpu.memory_space<vmem>>
      %dma_start3A_67 = tpu.memref_squeeze %dma_start3A_66 : memref<1x80x128xf32, #tpu.memory_space<vmem>> -> memref<80x128xf32, #tpu.memory_space<vmem>>
      %dma_start3A_68 = arith.constant 0 : i32
      %dma_start3A_69 = tpu.memref_slice %arg9[%add3A_30, %dma_start3A_68] : memref<10000x128xf32, #tpu.memory_space<vmem_shared>> -> memref<80x128xf32, #tpu.memory_space<vmem_shared>>
      %dma_start3A_70 = arith.constant 0 : i32
      %dma_start3A_71 = tpu.memref_slice %arg9[%add3A_30, %dma_start3A_70] : memref<10000x128xf32, #tpu.memory_space<vmem_shared>> -> memref<80x128xf32, #tpu.memory_space<vmem_shared>>
      %dma_start3A_72 = arith.constant 0 : i32
      %dma_start3A_73 = arith.constant 0 : i32
      %dma_start3A_74 = tpu.memref_slice %arg8[%run_scoped3A_31, %dma_start3A_72, %dma_start3A_73] : memref<2x80x128xf32, #tpu.memory_space<vmem>> -> memref<1x80x128xf32, #tpu.memory_space<vmem>>
      %dma_start3A_75 = tpu.memref_squeeze %dma_start3A_74 : memref<1x80x128xf32, #tpu.memory_space<vmem>> -> memref<80x128xf32, #tpu.memory_space<vmem>>
      tpu.enqueue_dma source(%dma_start3A_75 : memref<80x128xf32, #tpu.memory_space<vmem>>) target(%dma_start3A_71 : memref<80x128xf32, #tpu.memory_space<vmem_shared>>) target_semaphore(%run_scoped3A_64 : memref<!tpu.dma_semaphore, #tpu.memory_space<semaphore_mem>>)
      %dma_wait3A = arith.constant 0 : i32
      %dma_wait3A_76 = arith.constant 0 : i32
      %dma_wait3A_77 = tpu.memref_slice %arg8[%run_scoped3A_31, %dma_wait3A, %dma_wait3A_76] : memref<2x80x128xf32, #tpu.memory_space<vmem>> -> memref<1x80x128xf32, #tpu.memory_space<vmem>>
      %dma_wait3A_78 = tpu.memref_squeeze %dma_wait3A_77 : memref<1x80x128xf32, #tpu.memory_space<vmem>> -> memref<80x128xf32, #tpu.memory_space<vmem>>
      %dma_wait3A_79 = arith.constant 0 : i32
      %dma_wait3A_80 = tpu.memref_slice %arg9[%add3A_30, %dma_wait3A_79] : memref<10000x128xf32, #tpu.memory_space<vmem_shared>> -> memref<80x128xf32, #tpu.memory_space<vmem_shared>>
      %dma_wait3A_81 = arith.constant 0 : i32
      %dma_wait3A_82 = tpu.memref_slice %arg9[%add3A_30, %dma_wait3A_81] : memref<10000x128xf32, #tpu.memory_space<vmem_shared>> -> memref<80x128xf32, #tpu.memory_space<vmem_shared>>
      %dma_wait3A_83 = arith.constant 0 : i32
      %dma_wait3A_84 = arith.constant 0 : i32
      %dma_wait3A_85 = tpu.memref_slice %arg8[%run_scoped3A_31, %dma_wait3A_83, %dma_wait3A_84] : memref<2x80x128xf32, #tpu.memory_space<vmem>> -> memref<1x80x128xf32, #tpu.memory_space<vmem>>
      %dma_wait3A_86 = tpu.memref_squeeze %dma_wait3A_85 : memref<1x80x128xf32, #tpu.memory_space<vmem>> -> memref<80x128xf32, #tpu.memory_space<vmem>>
      tpu.wait_dma2 semaphore(%run_scoped3A_64 : memref<!tpu.dma_semaphore, #tpu.memory_space<semaphore_mem>>) src(%dma_wait3A_86 : memref<80x128xf32, #tpu.memory_space<vmem>>) dst(%dma_wait3A_82 : memref<80x128xf32, #tpu.memory_space<vmem_shared>>)
      tpu.yield
    }) : () -> ()
    %mul3A_32 = arith.constant 624 : i32
    %mul3A_33 = arith.muli %arg1, %mul3A_32 : i32
    %add3A_34 = arith.constant 480 : i32
    %add3A_35 = arith.addi %mul3A_33, %add3A_34 : i32
    %run_scoped3A_36 = arith.constant 0 : i32
    "tpu.region"() ({
      %run_scoped3A_64 = tpu.sem_alloc : memref<!tpu.dma_semaphore, #tpu.memory_space<semaphore_mem>>
      %dma_start3A = arith.constant 0 : i32
      %dma_start3A_65 = arith.constant 0 : i32
      %dma_start3A_66 = tpu.memref_slice %arg8[%run_scoped3A_36, %dma_start3A, %dma_start3A_65] : memref<2x80x128xf32, #tpu.memory_space<vmem>> -> memref<1x80x128xf32, #tpu.memory_space<vmem>>
      %dma_start3A_67 = tpu.memref_squeeze %dma_start3A_66 : memref<1x80x128xf32, #tpu.memory_space<vmem>> -> memref<80x128xf32, #tpu.memory_space<vmem>>
      %dma_start3A_68 = arith.constant 0 : i32
      %dma_start3A_69 = tpu.memref_slice %arg9[%add3A_35, %dma_start3A_68] : memref<10000x128xf32, #tpu.memory_space<vmem_shared>> -> memref<80x128xf32, #tpu.memory_space<vmem_shared>>
      %dma_start3A_70 = arith.constant 0 : i32
      %dma_start3A_71 = tpu.memref_slice %arg9[%add3A_35, %dma_start3A_70] : memref<10000x128xf32, #tpu.memory_space<vmem_shared>> -> memref<80x128xf32, #tpu.memory_space<vmem_shared>>
      %dma_start3A_72 = arith.constant 0 : i32
      %dma_start3A_73 = arith.constant 0 : i32
      %dma_start3A_74 = tpu.memref_slice %arg8[%run_scoped3A_36, %dma_start3A_72, %dma_start3A_73] : memref<2x80x128xf32, #tpu.memory_space<vmem>> -> memref<1x80x128xf32, #tpu.memory_space<vmem>>
      %dma_start3A_75 = tpu.memref_squeeze %dma_start3A_74 : memref<1x80x128xf32, #tpu.memory_space<vmem>> -> memref<80x128xf32, #tpu.memory_space<vmem>>
      tpu.enqueue_dma source(%dma_start3A_75 : memref<80x128xf32, #tpu.memory_space<vmem>>) target(%dma_start3A_71 : memref<80x128xf32, #tpu.memory_space<vmem_shared>>) target_semaphore(%run_scoped3A_64 : memref<!tpu.dma_semaphore, #tpu.memory_space<semaphore_mem>>)
      %dma_wait3A = arith.constant 0 : i32
      %dma_wait3A_76 = arith.constant 0 : i32
      %dma_wait3A_77 = tpu.memref_slice %arg8[%run_scoped3A_36, %dma_wait3A, %dma_wait3A_76] : memref<2x80x128xf32, #tpu.memory_space<vmem>> -> memref<1x80x128xf32, #tpu.memory_space<vmem>>
      %dma_wait3A_78 = tpu.memref_squeeze %dma_wait3A_77 : memref<1x80x128xf32, #tpu.memory_space<vmem>> -> memref<80x128xf32, #tpu.memory_space<vmem>>
      %dma_wait3A_79 = arith.constant 0 : i32
      %dma_wait3A_80 = tpu.memref_slice %arg9[%add3A_35, %dma_wait3A_79] : memref<10000x128xf32, #tpu.memory_space<vmem_shared>> -> memref<80x128xf32, #tpu.memory_space<vmem_shared>>
      %dma_wait3A_81 = arith.constant 0 : i32
      %dma_wait3A_82 = tpu.memref_slice %arg9[%add3A_35, %dma_wait3A_81] : memref<10000x128xf32, #tpu.memory_space<vmem_shared>> -> memref<80x128xf32, #tpu.memory_space<vmem_shared>>
      %dma_wait3A_83 = arith.constant 0 : i32
      %dma_wait3A_84 = arith.constant 0 : i32
      %dma_wait3A_85 = tpu.memref_slice %arg8[%run_scoped3A_36, %dma_wait3A_83, %dma_wait3A_84] : memref<2x80x128xf32, #tpu.memory_space<vmem>> -> memref<1x80x128xf32, #tpu.memory_space<vmem>>
      %dma_wait3A_86 = tpu.memref_squeeze %dma_wait3A_85 : memref<1x80x128xf32, #tpu.memory_space<vmem>> -> memref<80x128xf32, #tpu.memory_space<vmem>>
      tpu.wait_dma2 semaphore(%run_scoped3A_64 : memref<!tpu.dma_semaphore, #tpu.memory_space<semaphore_mem>>) src(%dma_wait3A_86 : memref<80x128xf32, #tpu.memory_space<vmem>>) dst(%dma_wait3A_82 : memref<80x128xf32, #tpu.memory_space<vmem_shared>>)
      tpu.yield
    }) : () -> ()
    %mul3A_37 = arith.constant 624 : i32
    %mul3A_38 = arith.muli %arg1, %mul3A_37 : i32
    %add3A_39 = arith.constant 624 : i32
    %add3A_40 = arith.addi %mul3A_38, %add3A_39 : i32
    %sub3A = arith.constant 64 : i32
    %sub3A_41 = arith.subi %add3A_40, %sub3A : i32
    %run_scoped3A_42 = arith.constant 0 : i32
    "tpu.region"() ({
      %run_scoped3A_64 = tpu.sem_alloc : memref<!tpu.dma_semaphore, #tpu.memory_space<semaphore_mem>>
      %dma_start3A = arith.constant 0 : i32
      %dma_start3A_65 = arith.constant 0 : i32
      %dma_start3A_66 = tpu.memref_slice %arg8[%run_scoped3A_42, %dma_start3A, %dma_start3A_65] : memref<2x80x128xf32, #tpu.memory_space<vmem>> -> memref<1x64x128xf32, #tpu.memory_space<vmem>>
      %dma_start3A_67 = tpu.memref_squeeze %dma_start3A_66 : memref<1x64x128xf32, #tpu.memory_space<vmem>> -> memref<64x128xf32, #tpu.memory_space<vmem>>
      %dma_start3A_68 = arith.constant 0 : i32
      %dma_start3A_69 = tpu.memref_slice %arg9[%sub3A_41, %dma_start3A_68] : memref<10000x128xf32, #tpu.memory_space<vmem_shared>> -> memref<64x128xf32, #tpu.memory_space<vmem_shared>>
      %dma_start3A_70 = arith.constant 0 : i32
      %dma_start3A_71 = tpu.memref_slice %arg9[%sub3A_41, %dma_start3A_70] : memref<10000x128xf32, #tpu.memory_space<vmem_shared>> -> memref<64x128xf32, #tpu.memory_space<vmem_shared>>
      %dma_start3A_72 = arith.constant 0 : i32
      %dma_start3A_73 = arith.constant 0 : i32
      %dma_start3A_74 = tpu.memref_slice %arg8[%run_scoped3A_42, %dma_start3A_72, %dma_start3A_73] : memref<2x80x128xf32, #tpu.memory_space<vmem>> -> memref<1x64x128xf32, #tpu.memory_space<vmem>>
      %dma_start3A_75 = tpu.memref_squeeze %dma_start3A_74 : memref<1x64x128xf32, #tpu.memory_space<vmem>> -> memref<64x128xf32, #tpu.memory_space<vmem>>
      tpu.enqueue_dma source(%dma_start3A_75 : memref<64x128xf32, #tpu.memory_space<vmem>>) target(%dma_start3A_71 : memref<64x128xf32, #tpu.memory_space<vmem_shared>>) target_semaphore(%run_scoped3A_64 : memref<!tpu.dma_semaphore, #tpu.memory_space<semaphore_mem>>)
      %dma_wait3A = arith.constant 0 : i32
      %dma_wait3A_76 = arith.constant 0 : i32
      %dma_wait3A_77 = tpu.memref_slice %arg8[%run_scoped3A_42, %dma_wait3A, %dma_wait3A_76] : memref<2x80x128xf32, #tpu.memory_space<vmem>> -> memref<1x64x128xf32, #tpu.memory_space<vmem>>
      %dma_wait3A_78 = tpu.memref_squeeze %dma_wait3A_77 : memref<1x64x128xf32, #tpu.memory_space<vmem>> -> memref<64x128xf32, #tpu.memory_space<vmem>>
      %dma_wait3A_79 = arith.constant 0 : i32
      %dma_wait3A_80 = tpu.memref_slice %arg9[%sub3A_41, %dma_wait3A_79] : memref<10000x128xf32, #tpu.memory_space<vmem_shared>> -> memref<64x128xf32, #tpu.memory_space<vmem_shared>>
      %dma_wait3A_81 = arith.constant 0 : i32
      %dma_wait3A_82 = tpu.memref_slice %arg9[%sub3A_41, %dma_wait3A_81] : memref<10000x128xf32, #tpu.memory_space<vmem_shared>> -> memref<64x128xf32, #tpu.memory_space<vmem_shared>>
      %dma_wait3A_83 = arith.constant 0 : i32
      %dma_wait3A_84 = arith.constant 0 : i32
      %dma_wait3A_85 = tpu.memref_slice %arg8[%run_scoped3A_42, %dma_wait3A_83, %dma_wait3A_84] : memref<2x80x128xf32, #tpu.memory_space<vmem>> -> memref<1x64x128xf32, #tpu.memory_space<vmem>>
      %dma_wait3A_86 = tpu.memref_squeeze %dma_wait3A_85 : memref<1x64x128xf32, #tpu.memory_space<vmem>> -> memref<64x128xf32, #tpu.memory_space<vmem>>
      tpu.wait_dma2 semaphore(%run_scoped3A_64 : memref<!tpu.dma_semaphore, #tpu.memory_space<semaphore_mem>>) src(%dma_wait3A_86 : memref<64x128xf32, #tpu.memory_space<vmem>>) dst(%dma_wait3A_82 : memref<64x128xf32, #tpu.memory_space<vmem_shared>>)
      tpu.yield
    }) : () -> ()
    %eq3A = arith.constant 0 : i32
    %eq3A_43 = arith.cmpi eq, %arg1, %eq3A : i32
    %convert_element_type3A = arith.extui %eq3A_43 : i1 to i32
    %cond3A = arith.constant 0 : i32
    %cond3A_44 = arith.cmpi ne, %convert_element_type3A, %cond3A : i32
    scf.if %cond3A_44 {
      %run_scoped3A_64 = arith.constant 0 : i32
      "tpu.region"() ({
        %run_scoped3A_65 = tpu.sem_alloc : memref<!tpu.dma_semaphore, #tpu.memory_space<semaphore_mem>>
        %dma_start3A = arith.constant 0 : i32
        %dma_start3A_66 = arith.constant 0 : i32
        %dma_start3A_67 = tpu.memref_slice %arg8[%run_scoped3A_64, %dma_start3A, %dma_start3A_66] : memref<2x80x128xf32, #tpu.memory_space<vmem>> -> memref<1x16x128xf32, #tpu.memory_space<vmem>>
        %dma_start3A_68 = tpu.memref_squeeze %dma_start3A_67 : memref<1x16x128xf32, #tpu.memory_space<vmem>> -> memref<16x128xf32, #tpu.memory_space<vmem>>
        %dma_start3A_69 = arith.constant 9984 : i32
        %dma_start3A_70 = arith.constant 0 : i32
        %dma_start3A_71 = tpu.memref_slice %arg9[%dma_start3A_69, %dma_start3A_70] : memref<10000x128xf32, #tpu.memory_space<vmem_shared>> -> memref<16x128xf32, #tpu.memory_space<vmem_shared>>
        %dma_start3A_72 = arith.constant 9984 : i32
        %dma_start3A_73 = arith.constant 0 : i32
        %dma_start3A_74 = tpu.memref_slice %arg9[%dma_start3A_72, %dma_start3A_73] : memref<10000x128xf32, #tpu.memory_space<vmem_shared>> -> memref<16x128xf32, #tpu.memory_space<vmem_shared>>
        %dma_start3A_75 = arith.constant 0 : i32
        %dma_start3A_76 = arith.constant 0 : i32
        %dma_start3A_77 = tpu.memref_slice %arg8[%run_scoped3A_64, %dma_start3A_75, %dma_start3A_76] : memref<2x80x128xf32, #tpu.memory_space<vmem>> -> memref<1x16x128xf32, #tpu.memory_space<vmem>>
        %dma_start3A_78 = tpu.memref_squeeze %dma_start3A_77 : memref<1x16x128xf32, #tpu.memory_space<vmem>> -> memref<16x128xf32, #tpu.memory_space<vmem>>
        tpu.enqueue_dma source(%dma_start3A_78 : memref<16x128xf32, #tpu.memory_space<vmem>>) target(%dma_start3A_74 : memref<16x128xf32, #tpu.memory_space<vmem_shared>>) target_semaphore(%run_scoped3A_65 : memref<!tpu.dma_semaphore, #tpu.memory_space<semaphore_mem>>)
        %dma_wait3A = arith.constant 0 : i32
        %dma_wait3A_79 = arith.constant 0 : i32
        %dma_wait3A_80 = tpu.memref_slice %arg8[%run_scoped3A_64, %dma_wait3A, %dma_wait3A_79] : memref<2x80x128xf32, #tpu.memory_space<vmem>> -> memref<1x16x128xf32, #tpu.memory_space<vmem>>
        %dma_wait3A_81 = tpu.memref_squeeze %dma_wait3A_80 : memref<1x16x128xf32, #tpu.memory_space<vmem>> -> memref<16x128xf32, #tpu.memory_space<vmem>>
        %dma_wait3A_82 = arith.constant 9984 : i32
        %dma_wait3A_83 = arith.constant 0 : i32
        %dma_wait3A_84 = tpu.memref_slice %arg9[%dma_wait3A_82, %dma_wait3A_83] : memref<10000x128xf32, #tpu.memory_space<vmem_shared>> -> memref<16x128xf32, #tpu.memory_space<vmem_shared>>
        %dma_wait3A_85 = arith.constant 9984 : i32
        %dma_wait3A_86 = arith.constant 0 : i32
        %dma_wait3A_87 = tpu.memref_slice %arg9[%dma_wait3A_85, %dma_wait3A_86] : memref<10000x128xf32, #tpu.memory_space<vmem_shared>> -> memref<16x128xf32, #tpu.memory_space<vmem_shared>>
        %dma_wait3A_88 = arith.constant 0 : i32
        %dma_wait3A_89 = arith.constant 0 : i32
        %dma_wait3A_90 = tpu.memref_slice %arg8[%run_scoped3A_64, %dma_wait3A_88, %dma_wait3A_89] : memref<2x80x128xf32, #tpu.memory_space<vmem>> -> memref<1x16x128xf32, #tpu.memory_space<vmem>>
        %dma_wait3A_91 = tpu.memref_squeeze %dma_wait3A_90 : memref<1x16x128xf32, #tpu.memory_space<vmem>> -> memref<16x128xf32, #tpu.memory_space<vmem>>
        tpu.wait_dma2 semaphore(%run_scoped3A_65 : memref<!tpu.dma_semaphore, #tpu.memory_space<semaphore_mem>>) src(%dma_wait3A_91 : memref<16x128xf32, #tpu.memory_space<vmem>>) dst(%dma_wait3A_87 : memref<16x128xf32, #tpu.memory_space<vmem_shared>>)
        tpu.yield
      }) : () -> ()
    } else {
    }
    %barrier3A = arith.constant 0 : index
    tpu.barrier barrier_id(%barrier3A)
    %iota3A = tpu.iota {dimensions = array<i32: 0>} : vector<16xi32>
    %mul3A_45 = arith.constant 0 : i32
    %mul3A_46 = vector.broadcast %mul3A_45 : i32 to vector<16xi32>
    %mul3A_47 = arith.muli %iota3A, %mul3A_46 : vector<16xi32>
    %scan3A_48 = arith.constant 0 : i32
    %scan3A_49 = arith.constant 0 : i32
    %scan3A_50 = arith.constant 16 : i32
    %scan3A_51 = arith.addi %scan3A_49, %scan3A_50 : i32
    %scan3A_52 = arith.constant 1 : i32
    scf.for %scan3A_64 = %scan3A_49 to %scan3A_51 step %scan3A_52  : i32 {
      "tpu.region"() ({
        %run_scoped3A_117 = tpu.sem_alloc : memref<!tpu.dma_semaphore, #tpu.memory_space<semaphore_mem>>
        %dma_start3A_118 = arith.constant 0 : i32
        %dma_start3A_119 = arith.constant 0 : i32
        %dma_start3A_120 = arith.constant 0 : i32
        %dma_start3A_121 = tpu.memref_slice %arg3[%arg0, %arg1, %scan3A_64, %dma_start3A_118, %dma_start3A_119, %dma_start3A_120] : memref<2x16x16x2x16x80xi32, #tpu.memory_space<hbm>> -> memref<1x1x1x2x16x80xi32, #tpu.memory_space<hbm>>
        %dma_start3A_122 = tpu.memref_squeeze %dma_start3A_121 : memref<1x1x1x2x16x80xi32, #tpu.memory_space<hbm>> -> memref<2x16x80xi32, #tpu.memory_space<hbm>>
        %dma_start3A_123 = arith.constant 0 : i32
        %dma_start3A_124 = arith.constant 0 : i32
        %dma_start3A_125 = arith.constant 0 : i32
        %dma_start3A_126 = tpu.memref_slice %arg3[%arg0, %arg1, %scan3A_64, %dma_start3A_123, %dma_start3A_124, %dma_start3A_125] : memref<2x16x16x2x16x80xi32, #tpu.memory_space<hbm>> -> memref<1x1x1x2x16x80xi32, #tpu.memory_space<hbm>>
        %dma_start3A_127 = tpu.memref_squeeze %dma_start3A_126 : memref<1x1x1x2x16x80xi32, #tpu.memory_space<hbm>> -> memref<2x16x80xi32, #tpu.memory_space<hbm>>
        tpu.enqueue_dma source(%dma_start3A_127 : memref<2x16x80xi32, #tpu.memory_space<hbm>>) target(%arg6 : memref<2x16x80xi32, #tpu.memory_space<vmem>>) target_semaphore(%run_scoped3A_117 : memref<!tpu.dma_semaphore, #tpu.memory_space<semaphore_mem>>)
        %dma_wait3A_128 = arith.constant 0 : i32
        %dma_wait3A_129 = arith.constant 0 : i32
        %dma_wait3A_130 = arith.constant 0 : i32
        %dma_wait3A_131 = tpu.memref_slice %arg3[%arg0, %arg1, %scan3A_64, %dma_wait3A_128, %dma_wait3A_129, %dma_wait3A_130] : memref<2x16x16x2x16x80xi32, #tpu.memory_space<hbm>> -> memref<1x1x1x2x16x80xi32, #tpu.memory_space<hbm>>
        %dma_wait3A_132 = tpu.memref_squeeze %dma_wait3A_131 : memref<1x1x1x2x16x80xi32, #tpu.memory_space<hbm>> -> memref<2x16x80xi32, #tpu.memory_space<hbm>>
        %dma_wait3A_133 = arith.constant 0 : i32
        %dma_wait3A_134 = arith.constant 0 : i32
        %dma_wait3A_135 = arith.constant 0 : i32
        %dma_wait3A_136 = tpu.memref_slice %arg3[%arg0, %arg1, %scan3A_64, %dma_wait3A_133, %dma_wait3A_134, %dma_wait3A_135] : memref<2x16x16x2x16x80xi32, #tpu.memory_space<hbm>> -> memref<1x1x1x2x16x80xi32, #tpu.memory_space<hbm>>
        %dma_wait3A_137 = tpu.memref_squeeze %dma_wait3A_136 : memref<1x1x1x2x16x80xi32, #tpu.memory_space<hbm>> -> memref<2x16x80xi32, #tpu.memory_space<hbm>>
        tpu.wait_dma2 semaphore(%run_scoped3A_117 : memref<!tpu.dma_semaphore, #tpu.memory_space<semaphore_mem>>) src(%dma_wait3A_137 : memref<2x16x80xi32, #tpu.memory_space<hbm>>) dst(%arg6 : memref<2x16x80xi32, #tpu.memory_space<vmem>>)
        tpu.yield
      }) : () -> ()
      "tpu.region"() ({
        %run_scoped3A_117 = tpu.sem_alloc : memref<!tpu.dma_semaphore, #tpu.memory_space<semaphore_mem>>
        %dma_start3A_118 = arith.constant 0 : i32
        %dma_start3A_119 = arith.constant 0 : i32
        %dma_start3A_120 = tpu.memref_slice %arg4[%arg0, %arg1, %scan3A_64, %dma_start3A_118, %dma_start3A_119] : memref<2x16x16x16x80xf32, #tpu.memory_space<hbm>> -> memref<1x1x1x16x80xf32, #tpu.memory_space<hbm>>
        %dma_start3A_121 = tpu.memref_squeeze %dma_start3A_120 : memref<1x1x1x16x80xf32, #tpu.memory_space<hbm>> -> memref<16x80xf32, #tpu.memory_space<hbm>>
        %dma_start3A_122 = arith.constant 0 : i32
        %dma_start3A_123 = arith.constant 0 : i32
        %dma_start3A_124 = tpu.memref_slice %arg4[%arg0, %arg1, %scan3A_64, %dma_start3A_122, %dma_start3A_123] : memref<2x16x16x16x80xf32, #tpu.memory_space<hbm>> -> memref<1x1x1x16x80xf32, #tpu.memory_space<hbm>>
        %dma_start3A_125 = tpu.memref_squeeze %dma_start3A_124 : memref<1x1x1x16x80xf32, #tpu.memory_space<hbm>> -> memref<16x80xf32, #tpu.memory_space<hbm>>
        tpu.enqueue_dma source(%dma_start3A_125 : memref<16x80xf32, #tpu.memory_space<hbm>>) target(%arg7 : memref<16x80xf32, #tpu.memory_space<vmem>>) target_semaphore(%run_scoped3A_117 : memref<!tpu.dma_semaphore, #tpu.memory_space<semaphore_mem>>)
        %dma_wait3A_126 = arith.constant 0 : i32
        %dma_wait3A_127 = arith.constant 0 : i32
        %dma_wait3A_128 = tpu.memref_slice %arg4[%arg0, %arg1, %scan3A_64, %dma_wait3A_126, %dma_wait3A_127] : memref<2x16x16x16x80xf32, #tpu.memory_space<hbm>> -> memref<1x1x1x16x80xf32, #tpu.memory_space<hbm>>
        %dma_wait3A_129 = tpu.memref_squeeze %dma_wait3A_128 : memref<1x1x1x16x80xf32, #tpu.memory_space<hbm>> -> memref<16x80xf32, #tpu.memory_space<hbm>>
        %dma_wait3A_130 = arith.constant 0 : i32
        %dma_wait3A_131 = arith.constant 0 : i32
        %dma_wait3A_132 = tpu.memref_slice %arg4[%arg0, %arg1, %scan3A_64, %dma_wait3A_130, %dma_wait3A_131] : memref<2x16x16x16x80xf32, #tpu.memory_space<hbm>> -> memref<1x1x1x16x80xf32, #tpu.memory_space<hbm>>
        %dma_wait3A_133 = tpu.memref_squeeze %dma_wait3A_132 : memref<1x1x1x16x80xf32, #tpu.memory_space<hbm>> -> memref<16x80xf32, #tpu.memory_space<hbm>>
        tpu.wait_dma2 semaphore(%run_scoped3A_117 : memref<!tpu.dma_semaphore, #tpu.memory_space<semaphore_mem>>) src(%dma_wait3A_133 : memref<16x80xf32, #tpu.memory_space<hbm>>) dst(%arg7 : memref<16x80xf32, #tpu.memory_space<vmem>>)
        tpu.yield
      }) : () -> ()
      %dma_start3A = arith.constant 0 : i32
      %dma_start3A_65 = arith.constant 0 : i32
      %dma_start3A_66 = arith.constant 0 : i32
      %dma_start3A_67 = arith.constant 0 : i32
      %dma_start3A_68 = arith.constant 0 : i32
      %dma_start3A_69 = arith.constant 0 : i32
      %dma_start3A_70 = tpu.memref_slice %arg8[%dma_start3A_66, %dma_start3A_68, %dma_start3A_69] : memref<2x80x128xf32, #tpu.memory_space<vmem>> -> memref<1x80x128xf32, #tpu.memory_space<vmem>>
      %dma_start3A_71 = tpu.memref_squeeze %dma_start3A_70 : memref<1x80x128xf32, #tpu.memory_space<vmem>> -> memref<80x128xf32, #tpu.memory_space<vmem>>
      %dma_start3A_72 = arith.constant 0 : i32
      %dma_start3A_73 = tpu.memref_slice %arg6[%dma_start3A, %dma_start3A_65, %dma_start3A_72] : memref<2x16x80xi32, #tpu.memory_space<vmem>> -> memref<1x1x80xi32, #tpu.memory_space<vmem>>
      %dma_start3A_74 = tpu.memref_squeeze %dma_start3A_73 : memref<1x1x80xi32, #tpu.memory_space<vmem>> -> memref<80xi32, #tpu.memory_space<vmem>>
      %dma_start3A_75 = arith.constant 0 : i32
      %dma_start3A_76 = arith.constant 0 : i32
      %dma_start3A_77 = tpu.memref_slice %arg2[%dma_start3A_75, %dma_start3A_76] : memref<20000x128xf32, #tpu.memory_space<hbm>> -> memref<20000x128xf32, #tpu.memory_space<hbm>>
      %dma_start3A_78 = tpu.memref_slice %arg10[%dma_start3A_67] : memref<2x!tpu.dma_semaphore, #tpu.memory_space<semaphore_mem>> -> memref<1x!tpu.dma_semaphore, #tpu.memory_space<semaphore_mem>>
      %dma_start3A_79 = tpu.memref_squeeze %dma_start3A_78 : memref<1x!tpu.dma_semaphore, #tpu.memory_space<semaphore_mem>> -> memref<!tpu.dma_semaphore, #tpu.memory_space<semaphore_mem>>
      tpu.enqueue_indirect_dma source(%dma_start3A_77 : memref<20000x128xf32, #tpu.memory_space<hbm>>) target(%dma_start3A_71 : memref<80x128xf32, #tpu.memory_space<vmem>>) offsets(%dma_start3A_74 : memref<80xi32, #tpu.memory_space<vmem>>) semaphore(%dma_start3A_79 : memref<!tpu.dma_semaphore, #tpu.memory_space<semaphore_mem>>)
      %scan3A_80 = arith.constant 0 : i32
      %scan3A_81 = arith.constant 0 : i32
      %scan3A_82 = arith.constant 16 : i32
      %scan3A_83 = arith.addi %scan3A_81, %scan3A_82 : i32
      %scan3A_84 = arith.constant 1 : i32
      scf.for %scan3A_117 = %scan3A_81 to %scan3A_83 step %scan3A_84  : i32 {
        %and3A = arith.constant 1 : i32
        %and3A_118 = arith.andi %scan3A_117, %and3A : i32
        %sub3A_119 = arith.constant 1 : i32
        %sub3A_120 = arith.subi %sub3A_119, %and3A_118 : i32
        %lt3A = arith.constant 15 : i32
        %lt3A_121 = arith.cmpi slt, %scan3A_117, %lt3A : i32
        %convert_element_type3A_122 = arith.extui %lt3A_121 : i1 to i32
        %cond3A_123 = arith.constant 0 : i32
        %cond3A_124 = arith.cmpi ne, %convert_element_type3A_122, %cond3A_123 : i32
        scf.if %cond3A_124 {
          %gt3A = arith.constant 0 : i32
          %gt3A_157 = arith.cmpi sgt, %scan3A_117, %gt3A : i32
          %convert_element_type3A_158 = arith.extui %gt3A_157 : i1 to i32
          %cond3A_159 = arith.constant 0 : i32
          %cond3A_160 = arith.cmpi ne, %convert_element_type3A_158, %cond3A_159 : i32
          scf.if %cond3A_160 {
            %sub3A_176 = arith.constant 1 : i32
            %sub3A_177 = arith.subi %scan3A_117, %sub3A_176 : i32
            %dma_wait3A_178 = arith.constant 1 : i32
            %dma_wait3A_179 = arith.constant 0 : i32
            %dma_wait3A_180 = arith.constant 0 : i32
            %dma_wait3A_181 = tpu.memref_slice %arg8[%sub3A_120, %dma_wait3A_179, %dma_wait3A_180] : memref<2x80x128xf32, #tpu.memory_space<vmem>> -> memref<1x80x128xf32, #tpu.memory_space<vmem>>
            %dma_wait3A_182 = tpu.memref_squeeze %dma_wait3A_181 : memref<1x80x128xf32, #tpu.memory_space<vmem>> -> memref<80x128xf32, #tpu.memory_space<vmem>>
            %dma_wait3A_183 = arith.constant 0 : i32
            %dma_wait3A_184 = tpu.memref_slice %arg6[%dma_wait3A_178, %sub3A_177, %dma_wait3A_183] : memref<2x16x80xi32, #tpu.memory_space<vmem>> -> memref<1x1x80xi32, #tpu.memory_space<vmem>>
            %dma_wait3A_185 = tpu.memref_squeeze %dma_wait3A_184 : memref<1x1x80xi32, #tpu.memory_space<vmem>> -> memref<80xi32, #tpu.memory_space<vmem>>
            %dma_wait3A_186 = arith.constant 0 : i32
            %dma_wait3A_187 = arith.constant 0 : i32
            %dma_wait3A_188 = tpu.memref_slice %arg9[%dma_wait3A_186, %dma_wait3A_187] : memref<10000x128xf32, #tpu.memory_space<vmem_shared>> -> memref<10000x128xf32, #tpu.memory_space<vmem_shared>>
            %dma_wait3A_189 = tpu.memref_slice %arg11[%sub3A_120] : memref<2x!tpu.dma_semaphore, #tpu.memory_space<semaphore_mem>> -> memref<1x!tpu.dma_semaphore, #tpu.memory_space<semaphore_mem>>
            %dma_wait3A_190 = tpu.memref_squeeze %dma_wait3A_189 : memref<1x!tpu.dma_semaphore, #tpu.memory_space<semaphore_mem>> -> memref<!tpu.dma_semaphore, #tpu.memory_space<semaphore_mem>>
            tpu.wait_indirect_dma semaphore(%dma_wait3A_190 : memref<!tpu.dma_semaphore, #tpu.memory_space<semaphore_mem>>) src(%dma_wait3A_182 : memref<80x128xf32, #tpu.memory_space<vmem>>) dst(%dma_wait3A_188 : memref<10000x128xf32, #tpu.memory_space<vmem_shared>>)
          } else {
          }
          %add3A_161 = arith.constant 1 : i32
          %add3A_162 = arith.addi %scan3A_117, %add3A_161 : i32
          %dma_start3A_163 = arith.constant 0 : i32
          %dma_start3A_164 = arith.constant 0 : i32
          %dma_start3A_165 = arith.constant 0 : i32
          %dma_start3A_166 = tpu.memref_slice %arg8[%sub3A_120, %dma_start3A_164, %dma_start3A_165] : memref<2x80x128xf32, #tpu.memory_space<vmem>> -> memref<1x80x128xf32, #tpu.memory_space<vmem>>
          %dma_start3A_167 = tpu.memref_squeeze %dma_start3A_166 : memref<1x80x128xf32, #tpu.memory_space<vmem>> -> memref<80x128xf32, #tpu.memory_space<vmem>>
          %dma_start3A_168 = arith.constant 0 : i32
          %dma_start3A_169 = tpu.memref_slice %arg6[%dma_start3A_163, %add3A_162, %dma_start3A_168] : memref<2x16x80xi32, #tpu.memory_space<vmem>> -> memref<1x1x80xi32, #tpu.memory_space<vmem>>
          %dma_start3A_170 = tpu.memref_squeeze %dma_start3A_169 : memref<1x1x80xi32, #tpu.memory_space<vmem>> -> memref<80xi32, #tpu.memory_space<vmem>>
          %dma_start3A_171 = arith.constant 0 : i32
          %dma_start3A_172 = arith.constant 0 : i32
          %dma_start3A_173 = tpu.memref_slice %arg2[%dma_start3A_171, %dma_start3A_172] : memref<20000x128xf32, #tpu.memory_space<hbm>> -> memref<20000x128xf32, #tpu.memory_space<hbm>>
          %dma_start3A_174 = tpu.memref_slice %arg10[%sub3A_120] : memref<2x!tpu.dma_semaphore, #tpu.memory_space<semaphore_mem>> -> memref<1x!tpu.dma_semaphore, #tpu.memory_space<semaphore_mem>>
          %dma_start3A_175 = tpu.memref_squeeze %dma_start3A_174 : memref<1x!tpu.dma_semaphore, #tpu.memory_space<semaphore_mem>> -> memref<!tpu.dma_semaphore, #tpu.memory_space<semaphore_mem>>
          tpu.enqueue_indirect_dma source(%dma_start3A_173 : memref<20000x128xf32, #tpu.memory_space<hbm>>) target(%dma_start3A_167 : memref<80x128xf32, #tpu.memory_space<vmem>>) offsets(%dma_start3A_170 : memref<80xi32, #tpu.memory_space<vmem>>) semaphore(%dma_start3A_175 : memref<!tpu.dma_semaphore, #tpu.memory_space<semaphore_mem>>)
        } else {
        }
        %dma_wait3A_125 = arith.constant 0 : i32
        %dma_wait3A_126 = arith.constant 0 : i32
        %dma_wait3A_127 = arith.constant 0 : i32
        %dma_wait3A_128 = tpu.memref_slice %arg8[%and3A_118, %dma_wait3A_126, %dma_wait3A_127] : memref<2x80x128xf32, #tpu.memory_space<vmem>> -> memref<1x80x128xf32, #tpu.memory_space<vmem>>
        %dma_wait3A_129 = tpu.memref_squeeze %dma_wait3A_128 : memref<1x80x128xf32, #tpu.memory_space<vmem>> -> memref<80x128xf32, #tpu.memory_space<vmem>>
        %dma_wait3A_130 = arith.constant 0 : i32
        %dma_wait3A_131 = tpu.memref_slice %arg6[%dma_wait3A_125, %scan3A_117, %dma_wait3A_130] : memref<2x16x80xi32, #tpu.memory_space<vmem>> -> memref<1x1x80xi32, #tpu.memory_space<vmem>>
        %dma_wait3A_132 = tpu.memref_squeeze %dma_wait3A_131 : memref<1x1x80xi32, #tpu.memory_space<vmem>> -> memref<80xi32, #tpu.memory_space<vmem>>
        %dma_wait3A_133 = arith.constant 0 : i32
        %dma_wait3A_134 = arith.constant 0 : i32
        %dma_wait3A_135 = tpu.memref_slice %arg2[%dma_wait3A_133, %dma_wait3A_134] : memref<20000x128xf32, #tpu.memory_space<hbm>> -> memref<20000x128xf32, #tpu.memory_space<hbm>>
        %dma_wait3A_136 = tpu.memref_slice %arg10[%and3A_118] : memref<2x!tpu.dma_semaphore, #tpu.memory_space<semaphore_mem>> -> memref<1x!tpu.dma_semaphore, #tpu.memory_space<semaphore_mem>>
        %dma_wait3A_137 = tpu.memref_squeeze %dma_wait3A_136 : memref<1x!tpu.dma_semaphore, #tpu.memory_space<semaphore_mem>> -> memref<!tpu.dma_semaphore, #tpu.memory_space<semaphore_mem>>
        tpu.wait_indirect_dma semaphore(%dma_wait3A_137 : memref<!tpu.dma_semaphore, #tpu.memory_space<semaphore_mem>>) src(%dma_wait3A_135 : memref<20000x128xf32, #tpu.memory_space<hbm>>) dst(%dma_wait3A_129 : memref<80x128xf32, #tpu.memory_space<vmem>>)
        %scan3A_138 = arith.constant 0 : i32
        %scan3A_139 = arith.constant 0 : i32
        %scan3A_140 = arith.constant 5 : i32
        %scan3A_141 = arith.addi %scan3A_139, %scan3A_140 : i32
        %scan3A_142 = arith.constant 1 : i32
        scf.for %scan3A_157 = %scan3A_139 to %scan3A_141 step %scan3A_142  : i32 {
          %mul3A_158 = arith.constant 16 : i32
          %mul3A_159 = arith.muli %scan3A_157, %mul3A_158 : i32
          %get3A = arith.index_cast %scan3A_117 : i32 to index
          %get3A_160 = arith.index_cast %mul3A_159 : i32 to index
          %get3A_161 = tpu.vector_load %arg7[%get3A, %get3A_160] {strides = array<i32>} : memref<16x80xf32, #tpu.memory_space<vmem>>, vector<1x16xf32>,
          %get3A_162 = vector.shape_cast %get3A_161 : vector<1x16xf32> to vector<16xf32>
          %add3A_163 = arith.constant 0 : i32
          %add3A_164 = vector.broadcast %add3A_163 : i32 to vector<16xi32>
          %add3A_165 = arith.addi %mul3A_47, %add3A_164 : vector<16xi32>
          %reshape3A = vector.shape_cast %add3A_165 : vector<16xi32> to vector<16x1xi32>
          %gather3A = vector.shape_cast %reshape3A : vector<16x1xi32> to vector<16xi32>
          %gather3A_166 = tpu.dynamic_gather %get3A_162[%gather3A] in [0] : vector<16xf32>, vector<16xi32> -> vector<16xf32>
          %mul3A_167 = arith.constant 16 : i32
          %mul3A_168 = arith.muli %scan3A_157, %mul3A_167 : i32
          %add3A_169 = arith.constant 0 : i32
          %add3A_170 = arith.addi %mul3A_168, %add3A_169 : i32
          %get3A_171 = arith.index_cast %and3A_118 : i32 to index
          %get3A_172 = arith.index_cast %add3A_170 : i32 to index
          %get3A_173 = arith.constant 0 : index
          %get3A_174 = tpu.vector_load %arg8[%get3A_171, %get3A_172, %get3A_173] {strides = array<i32>} : memref<2x80x128xf32, #tpu.memory_space<vmem>>, vector<1x1x16xf32>,
          %get3A_175 = vector.shape_cast %get3A_174 : vector<1x1x16xf32> to vector<16xf32>
          %mul3A_176 = arith.mulf %get3A_175, %gather3A_166 : vector<16xf32>
          %swap3A = arith.index_cast %and3A_118 : i32 to index
          %swap3A_177 = arith.index_cast %add3A_170 : i32 to index
          %swap3A_178 = arith.constant 0 : index
          %swap3A_179 = tpu.vector_load %arg8[%swap3A, %swap3A_177, %swap3A_178] {strides = array<i32>} : memref<2x80x128xf32, #tpu.memory_space<vmem>>, vector<1x1x16xf32>,
          %swap3A_180 = vector.shape_cast %swap3A_179 : vector<1x1x16xf32> to vector<16xf32>
          %swap3A_181 = vector.shape_cast %mul3A_176 : vector<16xf32> to vector<1x1x16xf32>
          tpu.vector_store %arg8[%swap3A, %swap3A_177, %swap3A_178], %swap3A_181 {strides = array<i32>} : memref<2x80x128xf32, #tpu.memory_space<vmem>>, vector<1x1x16xf32>,
          %get3A_182 = arith.index_cast %and3A_118 : i32 to index
          %get3A_183 = arith.index_cast %add3A_170 : i32 to index
          %get3A_184 = arith.constant 16 : index
          %get3A_185 = tpu.vector_load %arg8[%get3A_182, %get3A_183, %get3A_184] {strides = array<i32>} : memref<2x80x128xf32, #tpu.memory_space<vmem>>, vector<1x1x16xf32>,
          %get3A_186 = vector.shape_cast %get3A_185 : vector<1x1x16xf32> to vector<16xf32>
          %mul3A_187 = arith.mulf %get3A_186, %gather3A_166 : vector<16xf32>
          %swap3A_188 = arith.index_cast %and3A_118 : i32 to index
          %swap3A_189 = arith.index_cast %add3A_170 : i32 to index
          %swap3A_190 = arith.constant 16 : index
          %swap3A_191 = tpu.vector_load %arg8[%swap3A_188, %swap3A_189, %swap3A_190] {strides = array<i32>} : memref<2x80x128xf32, #tpu.memory_space<vmem>>, vector<1x1x16xf32>,
          %swap3A_192 = vector.shape_cast %swap3A_191 : vector<1x1x16xf32> to vector<16xf32>
          %swap3A_193 = vector.shape_cast %mul3A_187 : vector<16xf32> to vector<1x1x16xf32>
          tpu.vector_store %arg8[%swap3A_188, %swap3A_189, %swap3A_190], %swap3A_193 {strides = array<i32>} : memref<2x80x128xf32, #tpu.memory_space<vmem>>, vector<1x1x16xf32>,
          %get3A_194 = arith.index_cast %and3A_118 : i32 to index
          %get3A_195 = arith.index_cast %add3A_170 : i32 to index
          %get3A_196 = arith.constant 32 : index
          %get3A_197 = tpu.vector_load %arg8[%get3A_194, %get3A_195, %get3A_196] {strides = array<i32>} : memref<2x80x128xf32, #tpu.memory_space<vmem>>, vector<1x1x16xf32>,
          %get3A_198 = vector.shape_cast %get3A_197 : vector<1x1x16xf32> to vector<16xf32>
          %mul3A_199 = arith.mulf %get3A_198, %gather3A_166 : vector<16xf32>
          %swap3A_200 = arith.index_cast %and3A_118 : i32 to index
          %swap3A_201 = arith.index_cast %add3A_170 : i32 to index
          %swap3A_202 = arith.constant 32 : index
          %swap3A_203 = tpu.vector_load %arg8[%swap3A_200, %swap3A_201, %swap3A_202] {strides = array<i32>} : memref<2x80x128xf32, #tpu.memory_space<vmem>>, vector<1x1x16xf32>,
          %swap3A_204 = vector.shape_cast %swap3A_203 : vector<1x1x16xf32> to vector<16xf32>
          %swap3A_205 = vector.shape_cast %mul3A_199 : vector<16xf32> to vector<1x1x16xf32>
          tpu.vector_store %arg8[%swap3A_200, %swap3A_201, %swap3A_202], %swap3A_205 {strides = array<i32>} : memref<2x80x128xf32, #tpu.memory_space<vmem>>, vector<1x1x16xf32>,
          %get3A_206 = arith.index_cast %and3A_118 : i32 to index
          %get3A_207 = arith.index_cast %add3A_170 : i32 to index
          %get3A_208 = arith.constant 48 : index
          %get3A_209 = tpu.vector_load %arg8[%get3A_206, %get3A_207, %get3A_208] {strides = array<i32>} : memref<2x80x128xf32, #tpu.memory_space<vmem>>, vector<1x1x16xf32>,
          %get3A_210 = vector.shape_cast %get3A_209 : vector<1x1x16xf32> to vector<16xf32>
          %mul3A_211 = arith.mulf %get3A_210, %gather3A_166 : vector<16xf32>
          %swap3A_212 = arith.index_cast %and3A_118 : i32 to index
          %swap3A_213 = arith.index_cast %add3A_170 : i32 to index
          %swap3A_214 = arith.constant 48 : index
          %swap3A_215 = tpu.vector_load %arg8[%swap3A_212, %swap3A_213, %swap3A_214] {strides = array<i32>} : memref<2x80x128xf32, #tpu.memory_space<vmem>>, vector<1x1x16xf32>,
          %swap3A_216 = vector.shape_cast %swap3A_215 : vector<1x1x16xf32> to vector<16xf32>
          %swap3A_217 = vector.shape_cast %mul3A_211 : vector<16xf32> to vector<1x1x16xf32>
          tpu.vector_store %arg8[%swap3A_212, %swap3A_213, %swap3A_214], %swap3A_217 {strides = array<i32>} : memref<2x80x128xf32, #tpu.memory_space<vmem>>, vector<1x1x16xf32>,
          %get3A_218 = arith.index_cast %and3A_118 : i32 to index
          %get3A_219 = arith.index_cast %add3A_170 : i32 to index
          %get3A_220 = arith.constant 64 : index
          %get3A_221 = tpu.vector_load %arg8[%get3A_218, %get3A_219, %get3A_220] {strides = array<i32>} : memref<2x80x128xf32, #tpu.memory_space<vmem>>, vector<1x1x16xf32>,
          %get3A_222 = vector.shape_cast %get3A_221 : vector<1x1x16xf32> to vector<16xf32>
          %mul3A_223 = arith.mulf %get3A_222, %gather3A_166 : vector<16xf32>
          %swap3A_224 = arith.index_cast %and3A_118 : i32 to index
          %swap3A_225 = arith.index_cast %add3A_170 : i32 to index
          %swap3A_226 = arith.constant 64 : index
          %swap3A_227 = tpu.vector_load %arg8[%swap3A_224, %swap3A_225, %swap3A_226] {strides = array<i32>} : memref<2x80x128xf32, #tpu.memory_space<vmem>>, vector<1x1x16xf32>,
          %swap3A_228 = vector.shape_cast %swap3A_227 : vector<1x1x16xf32> to vector<16xf32>
          %swap3A_229 = vector.shape_cast %mul3A_223 : vector<16xf32> to vector<1x1x16xf32>
          tpu.vector_store %arg8[%swap3A_224, %swap3A_225, %swap3A_226], %swap3A_229 {strides = array<i32>} : memref<2x80x128xf32, #tpu.memory_space<vmem>>, vector<1x1x16xf32>,
          %get3A_230 = arith.index_cast %and3A_118 : i32 to index
          %get3A_231 = arith.index_cast %add3A_170 : i32 to index
          %get3A_232 = arith.constant 80 : index
          %get3A_233 = tpu.vector_load %arg8[%get3A_230, %get3A_231, %get3A_232] {strides = array<i32>} : memref<2x80x128xf32, #tpu.memory_space<vmem>>, vector<1x1x16xf32>,
          %get3A_234 = vector.shape_cast %get3A_233 : vector<1x1x16xf32> to vector<16xf32>
          %mul3A_235 = arith.mulf %get3A_234, %gather3A_166 : vector<16xf32>
          %swap3A_236 = arith.index_cast %and3A_118 : i32 to index
          %swap3A_237 = arith.index_cast %add3A_170 : i32 to index
          %swap3A_238 = arith.constant 80 : index
          %swap3A_239 = tpu.vector_load %arg8[%swap3A_236, %swap3A_237, %swap3A_238] {strides = array<i32>} : memref<2x80x128xf32, #tpu.memory_space<vmem>>, vector<1x1x16xf32>,
          %swap3A_240 = vector.shape_cast %swap3A_239 : vector<1x1x16xf32> to vector<16xf32>
          %swap3A_241 = vector.shape_cast %mul3A_235 : vector<16xf32> to vector<1x1x16xf32>
          tpu.vector_store %arg8[%swap3A_236, %swap3A_237, %swap3A_238], %swap3A_241 {strides = array<i32>} : memref<2x80x128xf32, #tpu.memory_space<vmem>>, vector<1x1x16xf32>,
          %get3A_242 = arith.index_cast %and3A_118 : i32 to index
          %get3A_243 = arith.index_cast %add3A_170 : i32 to index
          %get3A_244 = arith.constant 96 : index
          %get3A_245 = tpu.vector_load %arg8[%get3A_242, %get3A_243, %get3A_244] {strides = array<i32>} : memref<2x80x128xf32, #tpu.memory_space<vmem>>, vector<1x1x16xf32>,
          %get3A_246 = vector.shape_cast %get3A_245 : vector<1x1x16xf32> to vector<16xf32>
          %mul3A_247 = arith.mulf %get3A_246, %gather3A_166 : vector<16xf32>
          %swap3A_248 = arith.index_cast %and3A_118 : i32 to index
          %swap3A_249 = arith.index_cast %add3A_170 : i32 to index
          %swap3A_250 = arith.constant 96 : index
          %swap3A_251 = tpu.vector_load %arg8[%swap3A_248, %swap3A_249, %swap3A_250] {strides = array<i32>} : memref<2x80x128xf32, #tpu.memory_space<vmem>>, vector<1x1x16xf32>,
          %swap3A_252 = vector.shape_cast %swap3A_251 : vector<1x1x16xf32> to vector<16xf32>
          %swap3A_253 = vector.shape_cast %mul3A_247 : vector<16xf32> to vector<1x1x16xf32>
          tpu.vector_store %arg8[%swap3A_248, %swap3A_249, %swap3A_250], %swap3A_253 {strides = array<i32>} : memref<2x80x128xf32, #tpu.memory_space<vmem>>, vector<1x1x16xf32>,
          %get3A_254 = arith.index_cast %and3A_118 : i32 to index
          %get3A_255 = arith.index_cast %add3A_170 : i32 to index
          %get3A_256 = arith.constant 112 : index
          %get3A_257 = tpu.vector_load %arg8[%get3A_254, %get3A_255, %get3A_256] {strides = array<i32>} : memref<2x80x128xf32, #tpu.memory_space<vmem>>, vector<1x1x16xf32>,
          %get3A_258 = vector.shape_cast %get3A_257 : vector<1x1x16xf32> to vector<16xf32>
          %mul3A_259 = arith.mulf %get3A_258, %gather3A_166 : vector<16xf32>
          %swap3A_260 = arith.index_cast %and3A_118 : i32 to index
          %swap3A_261 = arith.index_cast %add3A_170 : i32 to index
          %swap3A_262 = arith.constant 112 : index
          %swap3A_263 = tpu.vector_load %arg8[%swap3A_260, %swap3A_261, %swap3A_262] {strides = array<i32>} : memref<2x80x128xf32, #tpu.memory_space<vmem>>, vector<1x1x16xf32>,
          %swap3A_264 = vector.shape_cast %swap3A_263 : vector<1x1x16xf32> to vector<16xf32>
          %swap3A_265 = vector.shape_cast %mul3A_259 : vector<16xf32> to vector<1x1x16xf32>
          tpu.vector_store %arg8[%swap3A_260, %swap3A_261, %swap3A_262], %swap3A_265 {strides = array<i32>} : memref<2x80x128xf32, #tpu.memory_space<vmem>>, vector<1x1x16xf32>,
          %add3A_266 = arith.constant 1 : i32
          %add3A_267 = vector.broadcast %add3A_266 : i32 to vector<16xi32>
          %add3A_268 = arith.addi %mul3A_47, %add3A_267 : vector<16xi32>
          %reshape3A_269 = vector.shape_cast %add3A_268 : vector<16xi32> to vector<16x1xi32>
          %gather3A_270 = vector.shape_cast %reshape3A_269 : vector<16x1xi32> to vector<16xi32>
          %gather3A_271 = tpu.dynamic_gather %get3A_162[%gather3A_270] in [0] : vector<16xf32>, vector<16xi32> -> vector<16xf32>
          %mul3A_272 = arith.constant 16 : i32
          %mul3A_273 = arith.muli %scan3A_157, %mul3A_272 : i32
          %add3A_274 = arith.constant 1 : i32
          %add3A_275 = arith.addi %mul3A_273, %add3A_274 : i32
          %get3A_276 = arith.index_cast %and3A_118 : i32 to index
          %get3A_277 = arith.index_cast %add3A_275 : i32 to index
          %get3A_278 = arith.constant 0 : index
          %get3A_279 = tpu.vector_load %arg8[%get3A_276, %get3A_277, %get3A_278] {strides = array<i32>} : memref<2x80x128xf32, #tpu.memory_space<vmem>>, vector<1x1x16xf32>,
          %get3A_280 = vector.shape_cast %get3A_279 : vector<1x1x16xf32> to vector<16xf32>
          %mul3A_281 = arith.mulf %get3A_280, %gather3A_271 : vector<16xf32>
          %swap3A_282 = arith.index_cast %and3A_118 : i32 to index
          %swap3A_283 = arith.index_cast %add3A_275 : i32 to index
          %swap3A_284 = arith.constant 0 : index
          %swap3A_285 = tpu.vector_load %arg8[%swap3A_282, %swap3A_283, %swap3A_284] {strides = array<i32>} : memref<2x80x128xf32, #tpu.memory_space<vmem>>, vector<1x1x16xf32>,
          %swap3A_286 = vector.shape_cast %swap3A_285 : vector<1x1x16xf32> to vector<16xf32>
          %swap3A_287 = vector.shape_cast %mul3A_281 : vector<16xf32> to vector<1x1x16xf32>
          tpu.vector_store %arg8[%swap3A_282, %swap3A_283, %swap3A_284], %swap3A_287 {strides = array<i32>} : memref<2x80x128xf32, #tpu.memory_space<vmem>>, vector<1x1x16xf32>,
          %get3A_288 = arith.index_cast %and3A_118 : i32 to index
          %get3A_289 = arith.index_cast %add3A_275 : i32 to index
          %get3A_290 = arith.constant 16 : index
          %get3A_291 = tpu.vector_load %arg8[%get3A_288, %get3A_289, %get3A_290] {strides = array<i32>} : memref<2x80x128xf32, #tpu.memory_space<vmem>>, vector<1x1x16xf32>,
          %get3A_292 = vector.shape_cast %get3A_291 : vector<1x1x16xf32> to vector<16xf32>
          %mul3A_293 = arith.mulf %get3A_292, %gather3A_271 : vector<16xf32>
          %swap3A_294 = arith.index_cast %and3A_118 : i32 to index
          %swap3A_295 = arith.index_cast %add3A_275 : i32 to index
          %swap3A_296 = arith.constant 16 : index
          %swap3A_297 = tpu.vector_load %arg8[%swap3A_294, %swap3A_295, %swap3A_296] {strides = array<i32>} : memref<2x80x128xf32, #tpu.memory_space<vmem>>, vector<1x1x16xf32>,
          %swap3A_298 = vector.shape_cast %swap3A_297 : vector<1x1x16xf32> to vector<16xf32>
          %swap3A_299 = vector.shape_cast %mul3A_293 : vector<16xf32> to vector<1x1x16xf32>
          tpu.vector_store %arg8[%swap3A_294, %swap3A_295, %swap3A_296], %swap3A_299 {strides = array<i32>} : memref<2x80x128xf32, #tpu.memory_space<vmem>>, vector<1x1x16xf32>,
          %get3A_300 = arith.index_cast %and3A_118 : i32 to index
          %get3A_301 = arith.index_cast %add3A_275 : i32 to index
          %get3A_302 = arith.constant 32 : index
          %get3A_303 = tpu.vector_load %arg8[%get3A_300, %get3A_301, %get3A_302] {strides = array<i32>} : memref<2x80x128xf32, #tpu.memory_space<vmem>>, vector<1x1x16xf32>,
          %get3A_304 = vector.shape_cast %get3A_303 : vector<1x1x16xf32> to vector<16xf32>
          %mul3A_305 = arith.mulf %get3A_304, %gather3A_271 : vector<16xf32>
          %swap3A_306 = arith.index_cast %and3A_118 : i32 to index
          %swap3A_307 = arith.index_cast %add3A_275 : i32 to index
          %swap3A_308 = arith.constant 32 : index
          %swap3A_309 = tpu.vector_load %arg8[%swap3A_306, %swap3A_307, %swap3A_308] {strides = array<i32>} : memref<2x80x128xf32, #tpu.memory_space<vmem>>, vector<1x1x16xf32>,
          %swap3A_310 = vector.shape_cast %swap3A_309 : vector<1x1x16xf32> to vector<16xf32>
          %swap3A_311 = vector.shape_cast %mul3A_305 : vector<16xf32> to vector<1x1x16xf32>
          tpu.vector_store %arg8[%swap3A_306, %swap3A_307, %swap3A_308], %swap3A_311 {strides = array<i32>} : memref<2x80x128xf32, #tpu.memory_space<vmem>>, vector<1x1x16xf32>,
          %get3A_312 = arith.index_cast %and3A_118 : i32 to index
          %get3A_313 = arith.index_cast %add3A_275 : i32 to index
          %get3A_314 = arith.constant 48 : index
          %get3A_315 = tpu.vector_load %arg8[%get3A_312, %get3A_313, %get3A_314] {strides = array<i32>} : memref<2x80x128xf32, #tpu.memory_space<vmem>>, vector<1x1x16xf32>,
          %get3A_316 = vector.shape_cast %get3A_315 : vector<1x1x16xf32> to vector<16xf32>
          %mul3A_317 = arith.mulf %get3A_316, %gather3A_271 : vector<16xf32>
          %swap3A_318 = arith.index_cast %and3A_118 : i32 to index
          %swap3A_319 = arith.index_cast %add3A_275 : i32 to index
          %swap3A_320 = arith.constant 48 : index
          %swap3A_321 = tpu.vector_load %arg8[%swap3A_318, %swap3A_319, %swap3A_320] {strides = array<i32>} : memref<2x80x128xf32, #tpu.memory_space<vmem>>, vector<1x1x16xf32>,
          %swap3A_322 = vector.shape_cast %swap3A_321 : vector<1x1x16xf32> to vector<16xf32>
          %swap3A_323 = vector.shape_cast %mul3A_317 : vector<16xf32> to vector<1x1x16xf32>
          tpu.vector_store %arg8[%swap3A_318, %swap3A_319, %swap3A_320], %swap3A_323 {strides = array<i32>} : memref<2x80x128xf32, #tpu.memory_space<vmem>>, vector<1x1x16xf32>,
          %get3A_324 = arith.index_cast %and3A_118 : i32 to index
          %get3A_325 = arith.index_cast %add3A_275 : i32 to index
          %get3A_326 = arith.constant 64 : index
          %get3A_327 = tpu.vector_load %arg8[%get3A_324, %get3A_325, %get3A_326] {strides = array<i32>} : memref<2x80x128xf32, #tpu.memory_space<vmem>>, vector<1x1x16xf32>,
          %get3A_328 = vector.shape_cast %get3A_327 : vector<1x1x16xf32> to vector<16xf32>
          %mul3A_329 = arith.mulf %get3A_328, %gather3A_271 : vector<16xf32>
          %swap3A_330 = arith.index_cast %and3A_118 : i32 to index
          %swap3A_331 = arith.index_cast %add3A_275 : i32 to index
          %swap3A_332 = arith.constant 64 : index
          %swap3A_333 = tpu.vector_load %arg8[%swap3A_330, %swap3A_331, %swap3A_332] {strides = array<i32>} : memref<2x80x128xf32, #tpu.memory_space<vmem>>, vector<1x1x16xf32>,
          %swap3A_334 = vector.shape_cast %swap3A_333 : vector<1x1x16xf32> to vector<16xf32>
          %swap3A_335 = vector.shape_cast %mul3A_329 : vector<16xf32> to vector<1x1x16xf32>
          tpu.vector_store %arg8[%swap3A_330, %swap3A_331, %swap3A_332], %swap3A_335 {strides = array<i32>} : memref<2x80x128xf32, #tpu.memory_space<vmem>>, vector<1x1x16xf32>,
          %get3A_336 = arith.index_cast %and3A_118 : i32 to index
          %get3A_337 = arith.index_cast %add3A_275 : i32 to index
          %get3A_338 = arith.constant 80 : index
          %get3A_339 = tpu.vector_load %arg8[%get3A_336, %get3A_337, %get3A_338] {strides = array<i32>} : memref<2x80x128xf32, #tpu.memory_space<vmem>>, vector<1x1x16xf32>,
          %get3A_340 = vector.shape_cast %get3A_339 : vector<1x1x16xf32> to vector<16xf32>
          %mul3A_341 = arith.mulf %get3A_340, %gather3A_271 : vector<16xf32>
          %swap3A_342 = arith.index_cast %and3A_118 : i32 to index
          %swap3A_343 = arith.index_cast %add3A_275 : i32 to index
          %swap3A_344 = arith.constant 80 : index
          %swap3A_345 = tpu.vector_load %arg8[%swap3A_342, %swap3A_343, %swap3A_344] {strides = array<i32>} : memref<2x80x128xf32, #tpu.memory_space<vmem>>, vector<1x1x16xf32>,
          %swap3A_346 = vector.shape_cast %swap3A_345 : vector<1x1x16xf32> to vector<16xf32>
          %swap3A_347 = vector.shape_cast %mul3A_341 : vector<16xf32> to vector<1x1x16xf32>
          tpu.vector_store %arg8[%swap3A_342, %swap3A_343, %swap3A_344], %swap3A_347 {strides = array<i32>} : memref<2x80x128xf32, #tpu.memory_space<vmem>>, vector<1x1x16xf32>,
          %get3A_348 = arith.index_cast %and3A_118 : i32 to index
          %get3A_349 = arith.index_cast %add3A_275 : i32 to index
          %get3A_350 = arith.constant 96 : index
          %get3A_351 = tpu.vector_load %arg8[%get3A_348, %get3A_349, %get3A_350] {strides = array<i32>} : memref<2x80x128xf32, #tpu.memory_space<vmem>>, vector<1x1x16xf32>,
          %get3A_352 = vector.shape_cast %get3A_351 : vector<1x1x16xf32> to vector<16xf32>
          %mul3A_353 = arith.mulf %get3A_352, %gather3A_271 : vector<16xf32>
          %swap3A_354 = arith.index_cast %and3A_118 : i32 to index
          %swap3A_355 = arith.index_cast %add3A_275 : i32 to index
          %swap3A_356 = arith.constant 96 : index
          %swap3A_357 = tpu.vector_load %arg8[%swap3A_354, %swap3A_355, %swap3A_356] {strides = array<i32>} : memref<2x80x128xf32, #tpu.memory_space<vmem>>, vector<1x1x16xf32>,
          %swap3A_358 = vector.shape_cast %swap3A_357 : vector<1x1x16xf32> to vector<16xf32>
          %swap3A_359 = vector.shape_cast %mul3A_353 : vector<16xf32> to vector<1x1x16xf32>
          tpu.vector_store %arg8[%swap3A_354, %swap3A_355, %swap3A_356], %swap3A_359 {strides = array<i32>} : memref<2x80x128xf32, #tpu.memory_space<vmem>>, vector<1x1x16xf32>,
          %get3A_360 = arith.index_cast %and3A_118 : i32 to index
          %get3A_361 = arith.index_cast %add3A_275 : i32 to index
          %get3A_362 = arith.constant 112 : index
          %get3A_363 = tpu.vector_load %arg8[%get3A_360, %get3A_361, %get3A_362] {strides = array<i32>} : memref<2x80x128xf32, #tpu.memory_space<vmem>>, vector<1x1x16xf32>,
          %get3A_364 = vector.shape_cast %get3A_363 : vector<1x1x16xf32> to vector<16xf32>
          %mul3A_365 = arith.mulf %get3A_364, %gather3A_271 : vector<16xf32>
          %swap3A_366 = arith.index_cast %and3A_118 : i32 to index
          %swap3A_367 = arith.index_cast %add3A_275 : i32 to index
          %swap3A_368 = arith.constant 112 : index
          %swap3A_369 = tpu.vector_load %arg8[%swap3A_366, %swap3A_367, %swap3A_368] {strides = array<i32>} : memref<2x80x128xf32, #tpu.memory_space<vmem>>, vector<1x1x16xf32>,
          %swap3A_370 = vector.shape_cast %swap3A_369 : vector<1x1x16xf32> to vector<16xf32>
          %swap3A_371 = vector.shape_cast %mul3A_365 : vector<16xf32> to vector<1x1x16xf32>
          tpu.vector_store %arg8[%swap3A_366, %swap3A_367, %swap3A_368], %swap3A_371 {strides = array<i32>} : memref<2x80x128xf32, #tpu.memory_space<vmem>>, vector<1x1x16xf32>,
          %add3A_372 = arith.constant 2 : i32
          %add3A_373 = vector.broadcast %add3A_372 : i32 to vector<16xi32>
          %add3A_374 = arith.addi %mul3A_47, %add3A_373 : vector<16xi32>
          %reshape3A_375 = vector.shape_cast %add3A_374 : vector<16xi32> to vector<16x1xi32>
          %gather3A_376 = vector.shape_cast %reshape3A_375 : vector<16x1xi32> to vector<16xi32>
          %gather3A_377 = tpu.dynamic_gather %get3A_162[%gather3A_376] in [0] : vector<16xf32>, vector<16xi32> -> vector<16xf32>
          %mul3A_378 = arith.constant 16 : i32
          %mul3A_379 = arith.muli %scan3A_157, %mul3A_378 : i32
          %add3A_380 = arith.constant 2 : i32
          %add3A_381 = arith.addi %mul3A_379, %add3A_380 : i32
          %get3A_382 = arith.index_cast %and3A_118 : i32 to index
          %get3A_383 = arith.index_cast %add3A_381 : i32 to index
          %get3A_384 = arith.constant 0 : index
          %get3A_385 = tpu.vector_load %arg8[%get3A_382, %get3A_383, %get3A_384] {strides = array<i32>} : memref<2x80x128xf32, #tpu.memory_space<vmem>>, vector<1x1x16xf32>,
          %get3A_386 = vector.shape_cast %get3A_385 : vector<1x1x16xf32> to vector<16xf32>
          %mul3A_387 = arith.mulf %get3A_386, %gather3A_377 : vector<16xf32>
          %swap3A_388 = arith.index_cast %and3A_118 : i32 to index
          %swap3A_389 = arith.index_cast %add3A_381 : i32 to index
          %swap3A_390 = arith.constant 0 : index
          %swap3A_391 = tpu.vector_load %arg8[%swap3A_388, %swap3A_389, %swap3A_390] {strides = array<i32>} : memref<2x80x128xf32, #tpu.memory_space<vmem>>, vector<1x1x16xf32>,
          %swap3A_392 = vector.shape_cast %swap3A_391 : vector<1x1x16xf32> to vector<16xf32>
          %swap3A_393 = vector.shape_cast %mul3A_387 : vector<16xf32> to vector<1x1x16xf32>
          tpu.vector_store %arg8[%swap3A_388, %swap3A_389, %swap3A_390], %swap3A_393 {strides = array<i32>} : memref<2x80x128xf32, #tpu.memory_space<vmem>>, vector<1x1x16xf32>,
          %get3A_394 = arith.index_cast %and3A_118 : i32 to index
          %get3A_395 = arith.index_cast %add3A_381 : i32 to index
          %get3A_396 = arith.constant 16 : index
          %get3A_397 = tpu.vector_load %arg8[%get3A_394, %get3A_395, %get3A_396] {strides = array<i32>} : memref<2x80x128xf32, #tpu.memory_space<vmem>>, vector<1x1x16xf32>,
          %get3A_398 = vector.shape_cast %get3A_397 : vector<1x1x16xf32> to vector<16xf32>
          %mul3A_399 = arith.mulf %get3A_398, %gather3A_377 : vector<16xf32>
          %swap3A_400 = arith.index_cast %and3A_118 : i32 to index
          %swap3A_401 = arith.index_cast %add3A_381 : i32 to index
          %swap3A_402 = arith.constant 16 : index
          %swap3A_403 = tpu.vector_load %arg8[%swap3A_400, %swap3A_401, %swap3A_402] {strides = array<i32>} : memref<2x80x128xf32, #tpu.memory_space<vmem>>, vector<1x1x16xf32>,
          %swap3A_404 = vector.shape_cast %swap3A_403 : vector<1x1x16xf32> to vector<16xf32>
          %swap3A_405 = vector.shape_cast %mul3A_399 : vector<16xf32> to vector<1x1x16xf32>
          tpu.vector_store %arg8[%swap3A_400, %swap3A_401, %swap3A_402], %swap3A_405 {strides = array<i32>} : memref<2x80x128xf32, #tpu.memory_space<vmem>>, vector<1x1x16xf32>,
          %get3A_406 = arith.index_cast %and3A_118 : i32 to index
          %get3A_407 = arith.index_cast %add3A_381 : i32 to index
          %get3A_408 = arith.constant 32 : index
          %get3A_409 = tpu.vector_load %arg8[%get3A_406, %get3A_407, %get3A_408] {strides = array<i32>} : memref<2x80x128xf32, #tpu.memory_space<vmem>>, vector<1x1x16xf32>,
          %get3A_410 = vector.shape_cast %get3A_409 : vector<1x1x16xf32> to vector<16xf32>
          %mul3A_411 = arith.mulf %get3A_410, %gather3A_377 : vector<16xf32>
          %swap3A_412 = arith.index_cast %and3A_118 : i32 to index
          %swap3A_413 = arith.index_cast %add3A_381 : i32 to index
          %swap3A_414 = arith.constant 32 : index
          %swap3A_415 = tpu.vector_load %arg8[%swap3A_412, %swap3A_413, %swap3A_414] {strides = array<i32>} : memref<2x80x128xf32, #tpu.memory_space<vmem>>, vector<1x1x16xf32>,
          %swap3A_416 = vector.shape_cast %swap3A_415 : vector<1x1x16xf32> to vector<16xf32>
          %swap3A_417 = vector.shape_cast %mul3A_411 : vector<16xf32> to vector<1x1x16xf32>
          tpu.vector_store %arg8[%swap3A_412, %swap3A_413, %swap3A_414], %swap3A_417 {strides = array<i32>} : memref<2x80x128xf32, #tpu.memory_space<vmem>>, vector<1x1x16xf32>,
          %get3A_418 = arith.index_cast %and3A_118 : i32 to index
          %get3A_419 = arith.index_cast %add3A_381 : i32 to index
          %get3A_420 = arith.constant 48 : index
          %get3A_421 = tpu.vector_load %arg8[%get3A_418, %get3A_419, %get3A_420] {strides = array<i32>} : memref<2x80x128xf32, #tpu.memory_space<vmem>>, vector<1x1x16xf32>,
          %get3A_422 = vector.shape_cast %get3A_421 : vector<1x1x16xf32> to vector<16xf32>
          %mul3A_423 = arith.mulf %get3A_422, %gather3A_377 : vector<16xf32>
          %swap3A_424 = arith.index_cast %and3A_118 : i32 to index
          %swap3A_425 = arith.index_cast %add3A_381 : i32 to index
          %swap3A_426 = arith.constant 48 : index
          %swap3A_427 = tpu.vector_load %arg8[%swap3A_424, %swap3A_425, %swap3A_426] {strides = array<i32>} : memref<2x80x128xf32, #tpu.memory_space<vmem>>, vector<1x1x16xf32>,
          %swap3A_428 = vector.shape_cast %swap3A_427 : vector<1x1x16xf32> to vector<16xf32>
          %swap3A_429 = vector.shape_cast %mul3A_423 : vector<16xf32> to vector<1x1x16xf32>
          tpu.vector_store %arg8[%swap3A_424, %swap3A_425, %swap3A_426], %swap3A_429 {strides = array<i32>} : memref<2x80x128xf32, #tpu.memory_space<vmem>>, vector<1x1x16xf32>,
          %get3A_430 = arith.index_cast %and3A_118 : i32 to index
          %get3A_431 = arith.index_cast %add3A_381 : i32 to index
          %get3A_432 = arith.constant 64 : index
          %get3A_433 = tpu.vector_load %arg8[%get3A_430, %get3A_431, %get3A_432] {strides = array<i32>} : memref<2x80x128xf32, #tpu.memory_space<vmem>>, vector<1x1x16xf32>,
          %get3A_434 = vector.shape_cast %get3A_433 : vector<1x1x16xf32> to vector<16xf32>
          %mul3A_435 = arith.mulf %get3A_434, %gather3A_377 : vector<16xf32>
          %swap3A_436 = arith.index_cast %and3A_118 : i32 to index
          %swap3A_437 = arith.index_cast %add3A_381 : i32 to index
          %swap3A_438 = arith.constant 64 : index
          %swap3A_439 = tpu.vector_load %arg8[%swap3A_436, %swap3A_437, %swap3A_438] {strides = array<i32>} : memref<2x80x128xf32, #tpu.memory_space<vmem>>, vector<1x1x16xf32>,
          %swap3A_440 = vector.shape_cast %swap3A_439 : vector<1x1x16xf32> to vector<16xf32>
          %swap3A_441 = vector.shape_cast %mul3A_435 : vector<16xf32> to vector<1x1x16xf32>
          tpu.vector_store %arg8[%swap3A_436, %swap3A_437, %swap3A_438], %swap3A_441 {strides = array<i32>} : memref<2x80x128xf32, #tpu.memory_space<vmem>>, vector<1x1x16xf32>,
          %get3A_442 = arith.index_cast %and3A_118 : i32 to index
          %get3A_443 = arith.index_cast %add3A_381 : i32 to index
          %get3A_444 = arith.constant 80 : index
          %get3A_445 = tpu.vector_load %arg8[%get3A_442, %get3A_443, %get3A_444] {strides = array<i32>} : memref<2x80x128xf32, #tpu.memory_space<vmem>>, vector<1x1x16xf32>,
          %get3A_446 = vector.shape_cast %get3A_445 : vector<1x1x16xf32> to vector<16xf32>
          %mul3A_447 = arith.mulf %get3A_446, %gather3A_377 : vector<16xf32>
          %swap3A_448 = arith.index_cast %and3A_118 : i32 to index
          %swap3A_449 = arith.index_cast %add3A_381 : i32 to index
          %swap3A_450 = arith.constant 80 : index
          %swap3A_451 = tpu.vector_load %arg8[%swap3A_448, %swap3A_449, %swap3A_450] {strides = array<i32>} : memref<2x80x128xf32, #tpu.memory_space<vmem>>, vector<1x1x16xf32>,
          %swap3A_452 = vector.shape_cast %swap3A_451 : vector<1x1x16xf32> to vector<16xf32>
          %swap3A_453 = vector.shape_cast %mul3A_447 : vector<16xf32> to vector<1x1x16xf32>
          tpu.vector_store %arg8[%swap3A_448, %swap3A_449, %swap3A_450], %swap3A_453 {strides = array<i32>} : memref<2x80x128xf32, #tpu.memory_space<vmem>>, vector<1x1x16xf32>,
          %get3A_454 = arith.index_cast %and3A_118 : i32 to index
          %get3A_455 = arith.index_cast %add3A_381 : i32 to index
          %get3A_456 = arith.constant 96 : index
          %get3A_457 = tpu.vector_load %arg8[%get3A_454, %get3A_455, %get3A_456] {strides = array<i32>} : memref<2x80x128xf32, #tpu.memory_space<vmem>>, vector<1x1x16xf32>,
          %get3A_458 = vector.shape_cast %get3A_457 : vector<1x1x16xf32> to vector<16xf32>
          %mul3A_459 = arith.mulf %get3A_458, %gather3A_377 : vector<16xf32>
          %swap3A_460 = arith.index_cast %and3A_118 : i32 to index
          %swap3A_461 = arith.index_cast %add3A_381 : i32 to index
          %swap3A_462 = arith.constant 96 : index
          %swap3A_463 = tpu.vector_load %arg8[%swap3A_460, %swap3A_461, %swap3A_462] {strides = array<i32>} : memref<2x80x128xf32, #tpu.memory_space<vmem>>, vector<1x1x16xf32>,
          %swap3A_464 = vector.shape_cast %swap3A_463 : vector<1x1x16xf32> to vector<16xf32>
          %swap3A_465 = vector.shape_cast %mul3A_459 : vector<16xf32> to vector<1x1x16xf32>
          tpu.vector_store %arg8[%swap3A_460, %swap3A_461, %swap3A_462], %swap3A_465 {strides = array<i32>} : memref<2x80x128xf32, #tpu.memory_space<vmem>>, vector<1x1x16xf32>,
          %get3A_466 = arith.index_cast %and3A_118 : i32 to index
          %get3A_467 = arith.index_cast %add3A_381 : i32 to index
          %get3A_468 = arith.constant 112 : index
          %get3A_469 = tpu.vector_load %arg8[%get3A_466, %get3A_467, %get3A_468] {strides = array<i32>} : memref<2x80x128xf32, #tpu.memory_space<vmem>>, vector<1x1x16xf32>,
          %get3A_470 = vector.shape_cast %get3A_469 : vector<1x1x16xf32> to vector<16xf32>
          %mul3A_471 = arith.mulf %get3A_470, %gather3A_377 : vector<16xf32>
          %swap3A_472 = arith.index_cast %and3A_118 : i32 to index
          %swap3A_473 = arith.index_cast %add3A_381 : i32 to index
          %swap3A_474 = arith.constant 112 : index
          %swap3A_475 = tpu.vector_load %arg8[%swap3A_472, %swap3A_473, %swap3A_474] {strides = array<i32>} : memref<2x80x128xf32, #tpu.memory_space<vmem>>, vector<1x1x16xf32>,
          %swap3A_476 = vector.shape_cast %swap3A_475 : vector<1x1x16xf32> to vector<16xf32>
          %swap3A_477 = vector.shape_cast %mul3A_471 : vector<16xf32> to vector<1x1x16xf32>
          tpu.vector_store %arg8[%swap3A_472, %swap3A_473, %swap3A_474], %swap3A_477 {strides = array<i32>} : memref<2x80x128xf32, #tpu.memory_space<vmem>>, vector<1x1x16xf32>,
          %add3A_478 = arith.constant 3 : i32
          %add3A_479 = vector.broadcast %add3A_478 : i32 to vector<16xi32>
          %add3A_480 = arith.addi %mul3A_47, %add3A_479 : vector<16xi32>
          %reshape3A_481 = vector.shape_cast %add3A_480 : vector<16xi32> to vector<16x1xi32>
          %gather3A_482 = vector.shape_cast %reshape3A_481 : vector<16x1xi32> to vector<16xi32>
          %gather3A_483 = tpu.dynamic_gather %get3A_162[%gather3A_482] in [0] : vector<16xf32>, vector<16xi32> -> vector<16xf32>
          %mul3A_484 = arith.constant 16 : i32
          %mul3A_485 = arith.muli %scan3A_157, %mul3A_484 : i32
          %add3A_486 = arith.constant 3 : i32
          %add3A_487 = arith.addi %mul3A_485, %add3A_486 : i32
          %get3A_488 = arith.index_cast %and3A_118 : i32 to index
          %get3A_489 = arith.index_cast %add3A_487 : i32 to index
          %get3A_490 = arith.constant 0 : index
          %get3A_491 = tpu.vector_load %arg8[%get3A_488, %get3A_489, %get3A_490] {strides = array<i32>} : memref<2x80x128xf32, #tpu.memory_space<vmem>>, vector<1x1x16xf32>,
          %get3A_492 = vector.shape_cast %get3A_491 : vector<1x1x16xf32> to vector<16xf32>
          %mul3A_493 = arith.mulf %get3A_492, %gather3A_483 : vector<16xf32>
          %swap3A_494 = arith.index_cast %and3A_118 : i32 to index
          %swap3A_495 = arith.index_cast %add3A_487 : i32 to index
          %swap3A_496 = arith.constant 0 : index
          %swap3A_497 = tpu.vector_load %arg8[%swap3A_494, %swap3A_495, %swap3A_496] {strides = array<i32>} : memref<2x80x128xf32, #tpu.memory_space<vmem>>, vector<1x1x16xf32>,
          %swap3A_498 = vector.shape_cast %swap3A_497 : vector<1x1x16xf32> to vector<16xf32>
          %swap3A_499 = vector.shape_cast %mul3A_493 : vector<16xf32> to vector<1x1x16xf32>
          tpu.vector_store %arg8[%swap3A_494, %swap3A_495, %swap3A_496], %swap3A_499 {strides = array<i32>} : memref<2x80x128xf32, #tpu.memory_space<vmem>>, vector<1x1x16xf32>,
          %get3A_500 = arith.index_cast %and3A_118 : i32 to index
          %get3A_501 = arith.index_cast %add3A_487 : i32 to index
          %get3A_502 = arith.constant 16 : index
          %get3A_503 = tpu.vector_load %arg8[%get3A_500, %get3A_501, %get3A_502] {strides = array<i32>} : memref<2x80x128xf32, #tpu.memory_space<vmem>>, vector<1x1x16xf32>,
          %get3A_504 = vector.shape_cast %get3A_503 : vector<1x1x16xf32> to vector<16xf32>
          %mul3A_505 = arith.mulf %get3A_504, %gather3A_483 : vector<16xf32>
          %swap3A_506 = arith.index_cast %and3A_118 : i32 to index
          %swap3A_507 = arith.index_cast %add3A_487 : i32 to index
          %swap3A_508 = arith.constant 16 : index
          %swap3A_509 = tpu.vector_load %arg8[%swap3A_506, %swap3A_507, %swap3A_508] {strides = array<i32>} : memref<2x80x128xf32, #tpu.memory_space<vmem>>, vector<1x1x16xf32>,
          %swap3A_510 = vector.shape_cast %swap3A_509 : vector<1x1x16xf32> to vector<16xf32>
          %swap3A_511 = vector.shape_cast %mul3A_505 : vector<16xf32> to vector<1x1x16xf32>
          tpu.vector_store %arg8[%swap3A_506, %swap3A_507, %swap3A_508], %swap3A_511 {strides = array<i32>} : memref<2x80x128xf32, #tpu.memory_space<vmem>>, vector<1x1x16xf32>,
          %get3A_512 = arith.index_cast %and3A_118 : i32 to index
          %get3A_513 = arith.index_cast %add3A_487 : i32 to index
          %get3A_514 = arith.constant 32 : index
          %get3A_515 = tpu.vector_load %arg8[%get3A_512, %get3A_513, %get3A_514] {strides = array<i32>} : memref<2x80x128xf32, #tpu.memory_space<vmem>>, vector<1x1x16xf32>,
          %get3A_516 = vector.shape_cast %get3A_515 : vector<1x1x16xf32> to vector<16xf32>
          %mul3A_517 = arith.mulf %get3A_516, %gather3A_483 : vector<16xf32>
          %swap3A_518 = arith.index_cast %and3A_118 : i32 to index
          %swap3A_519 = arith.index_cast %add3A_487 : i32 to index
          %swap3A_520 = arith.constant 32 : index
          %swap3A_521 = tpu.vector_load %arg8[%swap3A_518, %swap3A_519, %swap3A_520] {strides = array<i32>} : memref<2x80x128xf32, #tpu.memory_space<vmem>>, vector<1x1x16xf32>,
          %swap3A_522 = vector.shape_cast %swap3A_521 : vector<1x1x16xf32> to vector<16xf32>
          %swap3A_523 = vector.shape_cast %mul3A_517 : vector<16xf32> to vector<1x1x16xf32>
          tpu.vector_store %arg8[%swap3A_518, %swap3A_519, %swap3A_520], %swap3A_523 {strides = array<i32>} : memref<2x80x128xf32, #tpu.memory_space<vmem>>, vector<1x1x16xf32>,
          %get3A_524 = arith.index_cast %and3A_118 : i32 to index
          %get3A_525 = arith.index_cast %add3A_487 : i32 to index
          %get3A_526 = arith.constant 48 : index
          %get3A_527 = tpu.vector_load %arg8[%get3A_524, %get3A_525, %get3A_526] {strides = array<i32>} : memref<2x80x128xf32, #tpu.memory_space<vmem>>, vector<1x1x16xf32>,
          %get3A_528 = vector.shape_cast %get3A_527 : vector<1x1x16xf32> to vector<16xf32>
          %mul3A_529 = arith.mulf %get3A_528, %gather3A_483 : vector<16xf32>
          %swap3A_530 = arith.index_cast %and3A_118 : i32 to index
          %swap3A_531 = arith.index_cast %add3A_487 : i32 to index
          %swap3A_532 = arith.constant 48 : index
          %swap3A_533 = tpu.vector_load %arg8[%swap3A_530, %swap3A_531, %swap3A_532] {strides = array<i32>} : memref<2x80x128xf32, #tpu.memory_space<vmem>>, vector<1x1x16xf32>,
          %swap3A_534 = vector.shape_cast %swap3A_533 : vector<1x1x16xf32> to vector<16xf32>
          %swap3A_535 = vector.shape_cast %mul3A_529 : vector<16xf32> to vector<1x1x16xf32>
          tpu.vector_store %arg8[%swap3A_530, %swap3A_531, %swap3A_532], %swap3A_535 {strides = array<i32>} : memref<2x80x128xf32, #tpu.memory_space<vmem>>, vector<1x1x16xf32>,
          %get3A_536 = arith.index_cast %and3A_118 : i32 to index
          %get3A_537 = arith.index_cast %add3A_487 : i32 to index
          %get3A_538 = arith.constant 64 : index
          %get3A_539 = tpu.vector_load %arg8[%get3A_536, %get3A_537, %get3A_538] {strides = array<i32>} : memref<2x80x128xf32, #tpu.memory_space<vmem>>, vector<1x1x16xf32>,
          %get3A_540 = vector.shape_cast %get3A_539 : vector<1x1x16xf32> to vector<16xf32>
          %mul3A_541 = arith.mulf %get3A_540, %gather3A_483 : vector<16xf32>
          %swap3A_542 = arith.index_cast %and3A_118 : i32 to index
          %swap3A_543 = arith.index_cast %add3A_487 : i32 to index
          %swap3A_544 = arith.constant 64 : index
          %swap3A_545 = tpu.vector_load %arg8[%swap3A_542, %swap3A_543, %swap3A_544] {strides = array<i32>} : memref<2x80x128xf32, #tpu.memory_space<vmem>>, vector<1x1x16xf32>,
          %swap3A_546 = vector.shape_cast %swap3A_545 : vector<1x1x16xf32> to vector<16xf32>
          %swap3A_547 = vector.shape_cast %mul3A_541 : vector<16xf32> to vector<1x1x16xf32>
          tpu.vector_store %arg8[%swap3A_542, %swap3A_543, %swap3A_544], %swap3A_547 {strides = array<i32>} : memref<2x80x128xf32, #tpu.memory_space<vmem>>, vector<1x1x16xf32>,
          %get3A_548 = arith.index_cast %and3A_118 : i32 to index
          %get3A_549 = arith.index_cast %add3A_487 : i32 to index
          %get3A_550 = arith.constant 80 : index
          %get3A_551 = tpu.vector_load %arg8[%get3A_548, %get3A_549, %get3A_550] {strides = array<i32>} : memref<2x80x128xf32, #tpu.memory_space<vmem>>, vector<1x1x16xf32>,
          %get3A_552 = vector.shape_cast %get3A_551 : vector<1x1x16xf32> to vector<16xf32>
          %mul3A_553 = arith.mulf %get3A_552, %gather3A_483 : vector<16xf32>
          %swap3A_554 = arith.index_cast %and3A_118 : i32 to index
          %swap3A_555 = arith.index_cast %add3A_487 : i32 to index
          %swap3A_556 = arith.constant 80 : index
          %swap3A_557 = tpu.vector_load %arg8[%swap3A_554, %swap3A_555, %swap3A_556] {strides = array<i32>} : memref<2x80x128xf32, #tpu.memory_space<vmem>>, vector<1x1x16xf32>,
          %swap3A_558 = vector.shape_cast %swap3A_557 : vector<1x1x16xf32> to vector<16xf32>
          %swap3A_559 = vector.shape_cast %mul3A_553 : vector<16xf32> to vector<1x1x16xf32>
          tpu.vector_store %arg8[%swap3A_554, %swap3A_555, %swap3A_556], %swap3A_559 {strides = array<i32>} : memref<2x80x128xf32, #tpu.memory_space<vmem>>, vector<1x1x16xf32>,
          %get3A_560 = arith.index_cast %and3A_118 : i32 to index
          %get3A_561 = arith.index_cast %add3A_487 : i32 to index
          %get3A_562 = arith.constant 96 : index
          %get3A_563 = tpu.vector_load %arg8[%get3A_560, %get3A_561, %get3A_562] {strides = array<i32>} : memref<2x80x128xf32, #tpu.memory_space<vmem>>, vector<1x1x16xf32>,
          %get3A_564 = vector.shape_cast %get3A_563 : vector<1x1x16xf32> to vector<16xf32>
          %mul3A_565 = arith.mulf %get3A_564, %gather3A_483 : vector<16xf32>
          %swap3A_566 = arith.index_cast %and3A_118 : i32 to index
          %swap3A_567 = arith.index_cast %add3A_487 : i32 to index
          %swap3A_568 = arith.constant 96 : index
          %swap3A_569 = tpu.vector_load %arg8[%swap3A_566, %swap3A_567, %swap3A_568] {strides = array<i32>} : memref<2x80x128xf32, #tpu.memory_space<vmem>>, vector<1x1x16xf32>,
          %swap3A_570 = vector.shape_cast %swap3A_569 : vector<1x1x16xf32> to vector<16xf32>
          %swap3A_571 = vector.shape_cast %mul3A_565 : vector<16xf32> to vector<1x1x16xf32>
          tpu.vector_store %arg8[%swap3A_566, %swap3A_567, %swap3A_568], %swap3A_571 {strides = array<i32>} : memref<2x80x128xf32, #tpu.memory_space<vmem>>, vector<1x1x16xf32>,
          %get3A_572 = arith.index_cast %and3A_118 : i32 to index
          %get3A_573 = arith.index_cast %add3A_487 : i32 to index
          %get3A_574 = arith.constant 112 : index
          %get3A_575 = tpu.vector_load %arg8[%get3A_572, %get3A_573, %get3A_574] {strides = array<i32>} : memref<2x80x128xf32, #tpu.memory_space<vmem>>, vector<1x1x16xf32>,
          %get3A_576 = vector.shape_cast %get3A_575 : vector<1x1x16xf32> to vector<16xf32>
          %mul3A_577 = arith.mulf %get3A_576, %gather3A_483 : vector<16xf32>
          %swap3A_578 = arith.index_cast %and3A_118 : i32 to index
          %swap3A_579 = arith.index_cast %add3A_487 : i32 to index
          %swap3A_580 = arith.constant 112 : index
          %swap3A_581 = tpu.vector_load %arg8[%swap3A_578, %swap3A_579, %swap3A_580] {strides = array<i32>} : memref<2x80x128xf32, #tpu.memory_space<vmem>>, vector<1x1x16xf32>,
          %swap3A_582 = vector.shape_cast %swap3A_581 : vector<1x1x16xf32> to vector<16xf32>
          %swap3A_583 = vector.shape_cast %mul3A_577 : vector<16xf32> to vector<1x1x16xf32>
          tpu.vector_store %arg8[%swap3A_578, %swap3A_579, %swap3A_580], %swap3A_583 {strides = array<i32>} : memref<2x80x128xf32, #tpu.memory_space<vmem>>, vector<1x1x16xf32>,
          %add3A_584 = arith.constant 4 : i32
          %add3A_585 = vector.broadcast %add3A_584 : i32 to vector<16xi32>
          %add3A_586 = arith.addi %mul3A_47, %add3A_585 : vector<16xi32>
          %reshape3A_587 = vector.shape_cast %add3A_586 : vector<16xi32> to vector<16x1xi32>
          %gather3A_588 = vector.shape_cast %reshape3A_587 : vector<16x1xi32> to vector<16xi32>
          %gather3A_589 = tpu.dynamic_gather %get3A_162[%gather3A_588] in [0] : vector<16xf32>, vector<16xi32> -> vector<16xf32>
          %mul3A_590 = arith.constant 16 : i32
          %mul3A_591 = arith.muli %scan3A_157, %mul3A_590 : i32
          %add3A_592 = arith.constant 4 : i32
          %add3A_593 = arith.addi %mul3A_591, %add3A_592 : i32
          %get3A_594 = arith.index_cast %and3A_118 : i32 to index
          %get3A_595 = arith.index_cast %add3A_593 : i32 to index
          %get3A_596 = arith.constant 0 : index
          %get3A_597 = tpu.vector_load %arg8[%get3A_594, %get3A_595, %get3A_596] {strides = array<i32>} : memref<2x80x128xf32, #tpu.memory_space<vmem>>, vector<1x1x16xf32>,
          %get3A_598 = vector.shape_cast %get3A_597 : vector<1x1x16xf32> to vector<16xf32>
          %mul3A_599 = arith.mulf %get3A_598, %gather3A_589 : vector<16xf32>
          %swap3A_600 = arith.index_cast %and3A_118 : i32 to index
          %swap3A_601 = arith.index_cast %add3A_593 : i32 to index
          %swap3A_602 = arith.constant 0 : index
          %swap3A_603 = tpu.vector_load %arg8[%swap3A_600, %swap3A_601, %swap3A_602] {strides = array<i32>} : memref<2x80x128xf32, #tpu.memory_space<vmem>>, vector<1x1x16xf32>,
          %swap3A_604 = vector.shape_cast %swap3A_603 : vector<1x1x16xf32> to vector<16xf32>
          %swap3A_605 = vector.shape_cast %mul3A_599 : vector<16xf32> to vector<1x1x16xf32>
          tpu.vector_store %arg8[%swap3A_600, %swap3A_601, %swap3A_602], %swap3A_605 {strides = array<i32>} : memref<2x80x128xf32, #tpu.memory_space<vmem>>, vector<1x1x16xf32>,
          %get3A_606 = arith.index_cast %and3A_118 : i32 to index
          %get3A_607 = arith.index_cast %add3A_593 : i32 to index
          %get3A_608 = arith.constant 16 : index
          %get3A_609 = tpu.vector_load %arg8[%get3A_606, %get3A_607, %get3A_608] {strides = array<i32>} : memref<2x80x128xf32, #tpu.memory_space<vmem>>, vector<1x1x16xf32>,
          %get3A_610 = vector.shape_cast %get3A_609 : vector<1x1x16xf32> to vector<16xf32>
          %mul3A_611 = arith.mulf %get3A_610, %gather3A_589 : vector<16xf32>
          %swap3A_612 = arith.index_cast %and3A_118 : i32 to index
          %swap3A_613 = arith.index_cast %add3A_593 : i32 to index
          %swap3A_614 = arith.constant 16 : index
          %swap3A_615 = tpu.vector_load %arg8[%swap3A_612, %swap3A_613, %swap3A_614] {strides = array<i32>} : memref<2x80x128xf32, #tpu.memory_space<vmem>>, vector<1x1x16xf32>,
          %swap3A_616 = vector.shape_cast %swap3A_615 : vector<1x1x16xf32> to vector<16xf32>
          %swap3A_617 = vector.shape_cast %mul3A_611 : vector<16xf32> to vector<1x1x16xf32>
          tpu.vector_store %arg8[%swap3A_612, %swap3A_613, %swap3A_614], %swap3A_617 {strides = array<i32>} : memref<2x80x128xf32, #tpu.memory_space<vmem>>, vector<1x1x16xf32>,
          %get3A_618 = arith.index_cast %and3A_118 : i32 to index
          %get3A_619 = arith.index_cast %add3A_593 : i32 to index
          %get3A_620 = arith.constant 32 : index
          %get3A_621 = tpu.vector_load %arg8[%get3A_618, %get3A_619, %get3A_620] {strides = array<i32>} : memref<2x80x128xf32, #tpu.memory_space<vmem>>, vector<1x1x16xf32>,
          %get3A_622 = vector.shape_cast %get3A_621 : vector<1x1x16xf32> to vector<16xf32>
          %mul3A_623 = arith.mulf %get3A_622, %gather3A_589 : vector<16xf32>
          %swap3A_624 = arith.index_cast %and3A_118 : i32 to index
          %swap3A_625 = arith.index_cast %add3A_593 : i32 to index
          %swap3A_626 = arith.constant 32 : index
          %swap3A_627 = tpu.vector_load %arg8[%swap3A_624, %swap3A_625, %swap3A_626] {strides = array<i32>} : memref<2x80x128xf32, #tpu.memory_space<vmem>>, vector<1x1x16xf32>,
          %swap3A_628 = vector.shape_cast %swap3A_627 : vector<1x1x16xf32> to vector<16xf32>
          %swap3A_629 = vector.shape_cast %mul3A_623 : vector<16xf32> to vector<1x1x16xf32>
          tpu.vector_store %arg8[%swap3A_624, %swap3A_625, %swap3A_626], %swap3A_629 {strides = array<i32>} : memref<2x80x128xf32, #tpu.memory_space<vmem>>, vector<1x1x16xf32>,
          %get3A_630 = arith.index_cast %and3A_118 : i32 to index
          %get3A_631 = arith.index_cast %add3A_593 : i32 to index
          %get3A_632 = arith.constant 48 : index
          %get3A_633 = tpu.vector_load %arg8[%get3A_630, %get3A_631, %get3A_632] {strides = array<i32>} : memref<2x80x128xf32, #tpu.memory_space<vmem>>, vector<1x1x16xf32>,
          %get3A_634 = vector.shape_cast %get3A_633 : vector<1x1x16xf32> to vector<16xf32>
          %mul3A_635 = arith.mulf %get3A_634, %gather3A_589 : vector<16xf32>
          %swap3A_636 = arith.index_cast %and3A_118 : i32 to index
          %swap3A_637 = arith.index_cast %add3A_593 : i32 to index
          %swap3A_638 = arith.constant 48 : index
          %swap3A_639 = tpu.vector_load %arg8[%swap3A_636, %swap3A_637, %swap3A_638] {strides = array<i32>} : memref<2x80x128xf32, #tpu.memory_space<vmem>>, vector<1x1x16xf32>,
          %swap3A_640 = vector.shape_cast %swap3A_639 : vector<1x1x16xf32> to vector<16xf32>
          %swap3A_641 = vector.shape_cast %mul3A_635 : vector<16xf32> to vector<1x1x16xf32>
          tpu.vector_store %arg8[%swap3A_636, %swap3A_637, %swap3A_638], %swap3A_641 {strides = array<i32>} : memref<2x80x128xf32, #tpu.memory_space<vmem>>, vector<1x1x16xf32>,
          %get3A_642 = arith.index_cast %and3A_118 : i32 to index
          %get3A_643 = arith.index_cast %add3A_593 : i32 to index
          %get3A_644 = arith.constant 64 : index
          %get3A_645 = tpu.vector_load %arg8[%get3A_642, %get3A_643, %get3A_644] {strides = array<i32>} : memref<2x80x128xf32, #tpu.memory_space<vmem>>, vector<1x1x16xf32>,
          %get3A_646 = vector.shape_cast %get3A_645 : vector<1x1x16xf32> to vector<16xf32>
          %mul3A_647 = arith.mulf %get3A_646, %gather3A_589 : vector<16xf32>
          %swap3A_648 = arith.index_cast %and3A_118 : i32 to index
          %swap3A_649 = arith.index_cast %add3A_593 : i32 to index
          %swap3A_650 = arith.constant 64 : index
          %swap3A_651 = tpu.vector_load %arg8[%swap3A_648, %swap3A_649, %swap3A_650] {strides = array<i32>} : memref<2x80x128xf32, #tpu.memory_space<vmem>>, vector<1x1x16xf32>,
          %swap3A_652 = vector.shape_cast %swap3A_651 : vector<1x1x16xf32> to vector<16xf32>
          %swap3A_653 = vector.shape_cast %mul3A_647 : vector<16xf32> to vector<1x1x16xf32>
          tpu.vector_store %arg8[%swap3A_648, %swap3A_649, %swap3A_650], %swap3A_653 {strides = array<i32>} : memref<2x80x128xf32, #tpu.memory_space<vmem>>, vector<1x1x16xf32>,
          %get3A_654 = arith.index_cast %and3A_118 : i32 to index
          %get3A_655 = arith.index_cast %add3A_593 : i32 to index
          %get3A_656 = arith.constant 80 : index
          %get3A_657 = tpu.vector_load %arg8[%get3A_654, %get3A_655, %get3A_656] {strides = array<i32>} : memref<2x80x128xf32, #tpu.memory_space<vmem>>, vector<1x1x16xf32>,
          %get3A_658 = vector.shape_cast %get3A_657 : vector<1x1x16xf32> to vector<16xf32>
          %mul3A_659 = arith.mulf %get3A_658, %gather3A_589 : vector<16xf32>
          %swap3A_660 = arith.index_cast %and3A_118 : i32 to index
          %swap3A_661 = arith.index_cast %add3A_593 : i32 to index
          %swap3A_662 = arith.constant 80 : index
          %swap3A_663 = tpu.vector_load %arg8[%swap3A_660, %swap3A_661, %swap3A_662] {strides = array<i32>} : memref<2x80x128xf32, #tpu.memory_space<vmem>>, vector<1x1x16xf32>,
          %swap3A_664 = vector.shape_cast %swap3A_663 : vector<1x1x16xf32> to vector<16xf32>
          %swap3A_665 = vector.shape_cast %mul3A_659 : vector<16xf32> to vector<1x1x16xf32>
          tpu.vector_store %arg8[%swap3A_660, %swap3A_661, %swap3A_662], %swap3A_665 {strides = array<i32>} : memref<2x80x128xf32, #tpu.memory_space<vmem>>, vector<1x1x16xf32>,
          %get3A_666 = arith.index_cast %and3A_118 : i32 to index
          %get3A_667 = arith.index_cast %add3A_593 : i32 to index
          %get3A_668 = arith.constant 96 : index
          %get3A_669 = tpu.vector_load %arg8[%get3A_666, %get3A_667, %get3A_668] {strides = array<i32>} : memref<2x80x128xf32, #tpu.memory_space<vmem>>, vector<1x1x16xf32>,
          %get3A_670 = vector.shape_cast %get3A_669 : vector<1x1x16xf32> to vector<16xf32>
          %mul3A_671 = arith.mulf %get3A_670, %gather3A_589 : vector<16xf32>
          %swap3A_672 = arith.index_cast %and3A_118 : i32 to index
          %swap3A_673 = arith.index_cast %add3A_593 : i32 to index
          %swap3A_674 = arith.constant 96 : index
          %swap3A_675 = tpu.vector_load %arg8[%swap3A_672, %swap3A_673, %swap3A_674] {strides = array<i32>} : memref<2x80x128xf32, #tpu.memory_space<vmem>>, vector<1x1x16xf32>,
          %swap3A_676 = vector.shape_cast %swap3A_675 : vector<1x1x16xf32> to vector<16xf32>
          %swap3A_677 = vector.shape_cast %mul3A_671 : vector<16xf32> to vector<1x1x16xf32>
          tpu.vector_store %arg8[%swap3A_672, %swap3A_673, %swap3A_674], %swap3A_677 {strides = array<i32>} : memref<2x80x128xf32, #tpu.memory_space<vmem>>, vector<1x1x16xf32>,
          %get3A_678 = arith.index_cast %and3A_118 : i32 to index
          %get3A_679 = arith.index_cast %add3A_593 : i32 to index
          %get3A_680 = arith.constant 112 : index
          %get3A_681 = tpu.vector_load %arg8[%get3A_678, %get3A_679, %get3A_680] {strides = array<i32>} : memref<2x80x128xf32, #tpu.memory_space<vmem>>, vector<1x1x16xf32>,
          %get3A_682 = vector.shape_cast %get3A_681 : vector<1x1x16xf32> to vector<16xf32>
          %mul3A_683 = arith.mulf %get3A_682, %gather3A_589 : vector<16xf32>
          %swap3A_684 = arith.index_cast %and3A_118 : i32 to index
          %swap3A_685 = arith.index_cast %add3A_593 : i32 to index
          %swap3A_686 = arith.constant 112 : index
          %swap3A_687 = tpu.vector_load %arg8[%swap3A_684, %swap3A_685, %swap3A_686] {strides = array<i32>} : memref<2x80x128xf32, #tpu.memory_space<vmem>>, vector<1x1x16xf32>,
          %swap3A_688 = vector.shape_cast %swap3A_687 : vector<1x1x16xf32> to vector<16xf32>
          %swap3A_689 = vector.shape_cast %mul3A_683 : vector<16xf32> to vector<1x1x16xf32>
          tpu.vector_store %arg8[%swap3A_684, %swap3A_685, %swap3A_686], %swap3A_689 {strides = array<i32>} : memref<2x80x128xf32, #tpu.memory_space<vmem>>, vector<1x1x16xf32>,
          %add3A_690 = arith.constant 5 : i32
          %add3A_691 = vector.broadcast %add3A_690 : i32 to vector<16xi32>
          %add3A_692 = arith.addi %mul3A_47, %add3A_691 : vector<16xi32>
          %reshape3A_693 = vector.shape_cast %add3A_692 : vector<16xi32> to vector<16x1xi32>
          %gather3A_694 = vector.shape_cast %reshape3A_693 : vector<16x1xi32> to vector<16xi32>
          %gather3A_695 = tpu.dynamic_gather %get3A_162[%gather3A_694] in [0] : vector<16xf32>, vector<16xi32> -> vector<16xf32>
          %mul3A_696 = arith.constant 16 : i32
          %mul3A_697 = arith.muli %scan3A_157, %mul3A_696 : i32
          %add3A_698 = arith.constant 5 : i32
          %add3A_699 = arith.addi %mul3A_697, %add3A_698 : i32
          %get3A_700 = arith.index_cast %and3A_118 : i32 to index
          %get3A_701 = arith.index_cast %add3A_699 : i32 to index
          %get3A_702 = arith.constant 0 : index
          %get3A_703 = tpu.vector_load %arg8[%get3A_700, %get3A_701, %get3A_702] {strides = array<i32>} : memref<2x80x128xf32, #tpu.memory_space<vmem>>, vector<1x1x16xf32>,
          %get3A_704 = vector.shape_cast %get3A_703 : vector<1x1x16xf32> to vector<16xf32>
          %mul3A_705 = arith.mulf %get3A_704, %gather3A_695 : vector<16xf32>
          %swap3A_706 = arith.index_cast %and3A_118 : i32 to index
          %swap3A_707 = arith.index_cast %add3A_699 : i32 to index
          %swap3A_708 = arith.constant 0 : index
          %swap3A_709 = tpu.vector_load %arg8[%swap3A_706, %swap3A_707, %swap3A_708] {strides = array<i32>} : memref<2x80x128xf32, #tpu.memory_space<vmem>>, vector<1x1x16xf32>,
          %swap3A_710 = vector.shape_cast %swap3A_709 : vector<1x1x16xf32> to vector<16xf32>
          %swap3A_711 = vector.shape_cast %mul3A_705 : vector<16xf32> to vector<1x1x16xf32>
          tpu.vector_store %arg8[%swap3A_706, %swap3A_707, %swap3A_708], %swap3A_711 {strides = array<i32>} : memref<2x80x128xf32, #tpu.memory_space<vmem>>, vector<1x1x16xf32>,
          %get3A_712 = arith.index_cast %and3A_118 : i32 to index
          %get3A_713 = arith.index_cast %add3A_699 : i32 to index
          %get3A_714 = arith.constant 16 : index
          %get3A_715 = tpu.vector_load %arg8[%get3A_712, %get3A_713, %get3A_714] {strides = array<i32>} : memref<2x80x128xf32, #tpu.memory_space<vmem>>, vector<1x1x16xf32>,
          %get3A_716 = vector.shape_cast %get3A_715 : vector<1x1x16xf32> to vector<16xf32>
          %mul3A_717 = arith.mulf %get3A_716, %gather3A_695 : vector<16xf32>
          %swap3A_718 = arith.index_cast %and3A_118 : i32 to index
          %swap3A_719 = arith.index_cast %add3A_699 : i32 to index
          %swap3A_720 = arith.constant 16 : index
          %swap3A_721 = tpu.vector_load %arg8[%swap3A_718, %swap3A_719, %swap3A_720] {strides = array<i32>} : memref<2x80x128xf32, #tpu.memory_space<vmem>>, vector<1x1x16xf32>,
          %swap3A_722 = vector.shape_cast %swap3A_721 : vector<1x1x16xf32> to vector<16xf32>
          %swap3A_723 = vector.shape_cast %mul3A_717 : vector<16xf32> to vector<1x1x16xf32>
          tpu.vector_store %arg8[%swap3A_718, %swap3A_719, %swap3A_720], %swap3A_723 {strides = array<i32>} : memref<2x80x128xf32, #tpu.memory_space<vmem>>, vector<1x1x16xf32>,
          %get3A_724 = arith.index_cast %and3A_118 : i32 to index
          %get3A_725 = arith.index_cast %add3A_699 : i32 to index
          %get3A_726 = arith.constant 32 : index
          %get3A_727 = tpu.vector_load %arg8[%get3A_724, %get3A_725, %get3A_726] {strides = array<i32>} : memref<2x80x128xf32, #tpu.memory_space<vmem>>, vector<1x1x16xf32>,
          %get3A_728 = vector.shape_cast %get3A_727 : vector<1x1x16xf32> to vector<16xf32>
          %mul3A_729 = arith.mulf %get3A_728, %gather3A_695 : vector<16xf32>
          %swap3A_730 = arith.index_cast %and3A_118 : i32 to index
          %swap3A_731 = arith.index_cast %add3A_699 : i32 to index
          %swap3A_732 = arith.constant 32 : index
          %swap3A_733 = tpu.vector_load %arg8[%swap3A_730, %swap3A_731, %swap3A_732] {strides = array<i32>} : memref<2x80x128xf32, #tpu.memory_space<vmem>>, vector<1x1x16xf32>,
          %swap3A_734 = vector.shape_cast %swap3A_733 : vector<1x1x16xf32> to vector<16xf32>
          %swap3A_735 = vector.shape_cast %mul3A_729 : vector<16xf32> to vector<1x1x16xf32>
          tpu.vector_store %arg8[%swap3A_730, %swap3A_731, %swap3A_732], %swap3A_735 {strides = array<i32>} : memref<2x80x128xf32, #tpu.memory_space<vmem>>, vector<1x1x16xf32>,
          %get3A_736 = arith.index_cast %and3A_118 : i32 to index
          %get3A_737 = arith.index_cast %add3A_699 : i32 to index
          %get3A_738 = arith.constant 48 : index
          %get3A_739 = tpu.vector_load %arg8[%get3A_736, %get3A_737, %get3A_738] {strides = array<i32>} : memref<2x80x128xf32, #tpu.memory_space<vmem>>, vector<1x1x16xf32>,
          %get3A_740 = vector.shape_cast %get3A_739 : vector<1x1x16xf32> to vector<16xf32>
          %mul3A_741 = arith.mulf %get3A_740, %gather3A_695 : vector<16xf32>
          %swap3A_742 = arith.index_cast %and3A_118 : i32 to index
          %swap3A_743 = arith.index_cast %add3A_699 : i32 to index
          %swap3A_744 = arith.constant 48 : index
          %swap3A_745 = tpu.vector_load %arg8[%swap3A_742, %swap3A_743, %swap3A_744] {strides = array<i32>} : memref<2x80x128xf32, #tpu.memory_space<vmem>>, vector<1x1x16xf32>,
          %swap3A_746 = vector.shape_cast %swap3A_745 : vector<1x1x16xf32> to vector<16xf32>
          %swap3A_747 = vector.shape_cast %mul3A_741 : vector<16xf32> to vector<1x1x16xf32>
          tpu.vector_store %arg8[%swap3A_742, %swap3A_743, %swap3A_744], %swap3A_747 {strides = array<i32>} : memref<2x80x128xf32, #tpu.memory_space<vmem>>, vector<1x1x16xf32>,
          %get3A_748 = arith.index_cast %and3A_118 : i32 to index
          %get3A_749 = arith.index_cast %add3A_699 : i32 to index
          %get3A_750 = arith.constant 64 : index
          %get3A_751 = tpu.vector_load %arg8[%get3A_748, %get3A_749, %get3A_750] {strides = array<i32>} : memref<2x80x128xf32, #tpu.memory_space<vmem>>, vector<1x1x16xf32>,
          %get3A_752 = vector.shape_cast %get3A_751 : vector<1x1x16xf32> to vector<16xf32>
          %mul3A_753 = arith.mulf %get3A_752, %gather3A_695 : vector<16xf32>
          %swap3A_754 = arith.index_cast %and3A_118 : i32 to index
          %swap3A_755 = arith.index_cast %add3A_699 : i32 to index
          %swap3A_756 = arith.constant 64 : index
          %swap3A_757 = tpu.vector_load %arg8[%swap3A_754, %swap3A_755, %swap3A_756] {strides = array<i32>} : memref<2x80x128xf32, #tpu.memory_space<vmem>>, vector<1x1x16xf32>,
          %swap3A_758 = vector.shape_cast %swap3A_757 : vector<1x1x16xf32> to vector<16xf32>
          %swap3A_759 = vector.shape_cast %mul3A_753 : vector<16xf32> to vector<1x1x16xf32>
          tpu.vector_store %arg8[%swap3A_754, %swap3A_755, %swap3A_756], %swap3A_759 {strides = array<i32>} : memref<2x80x128xf32, #tpu.memory_space<vmem>>, vector<1x1x16xf32>,
          %get3A_760 = arith.index_cast %and3A_118 : i32 to index
          %get3A_761 = arith.index_cast %add3A_699 : i32 to index
          %get3A_762 = arith.constant 80 : index
          %get3A_763 = tpu.vector_load %arg8[%get3A_760, %get3A_761, %get3A_762] {strides = array<i32>} : memref<2x80x128xf32, #tpu.memory_space<vmem>>, vector<1x1x16xf32>,
          %get3A_764 = vector.shape_cast %get3A_763 : vector<1x1x16xf32> to vector<16xf32>
          %mul3A_765 = arith.mulf %get3A_764, %gather3A_695 : vector<16xf32>
          %swap3A_766 = arith.index_cast %and3A_118 : i32 to index
          %swap3A_767 = arith.index_cast %add3A_699 : i32 to index
          %swap3A_768 = arith.constant 80 : index
          %swap3A_769 = tpu.vector_load %arg8[%swap3A_766, %swap3A_767, %swap3A_768] {strides = array<i32>} : memref<2x80x128xf32, #tpu.memory_space<vmem>>, vector<1x1x16xf32>,
          %swap3A_770 = vector.shape_cast %swap3A_769 : vector<1x1x16xf32> to vector<16xf32>
          %swap3A_771 = vector.shape_cast %mul3A_765 : vector<16xf32> to vector<1x1x16xf32>
          tpu.vector_store %arg8[%swap3A_766, %swap3A_767, %swap3A_768], %swap3A_771 {strides = array<i32>} : memref<2x80x128xf32, #tpu.memory_space<vmem>>, vector<1x1x16xf32>,
          %get3A_772 = arith.index_cast %and3A_118 : i32 to index
          %get3A_773 = arith.index_cast %add3A_699 : i32 to index
          %get3A_774 = arith.constant 96 : index
          %get3A_775 = tpu.vector_load %arg8[%get3A_772, %get3A_773, %get3A_774] {strides = array<i32>} : memref<2x80x128xf32, #tpu.memory_space<vmem>>, vector<1x1x16xf32>,
          %get3A_776 = vector.shape_cast %get3A_775 : vector<1x1x16xf32> to vector<16xf32>
          %mul3A_777 = arith.mulf %get3A_776, %gather3A_695 : vector<16xf32>
          %swap3A_778 = arith.index_cast %and3A_118 : i32 to index
          %swap3A_779 = arith.index_cast %add3A_699 : i32 to index
          %swap3A_780 = arith.constant 96 : index
          %swap3A_781 = tpu.vector_load %arg8[%swap3A_778, %swap3A_779, %swap3A_780] {strides = array<i32>} : memref<2x80x128xf32, #tpu.memory_space<vmem>>, vector<1x1x16xf32>,
          %swap3A_782 = vector.shape_cast %swap3A_781 : vector<1x1x16xf32> to vector<16xf32>
          %swap3A_783 = vector.shape_cast %mul3A_777 : vector<16xf32> to vector<1x1x16xf32>
          tpu.vector_store %arg8[%swap3A_778, %swap3A_779, %swap3A_780], %swap3A_783 {strides = array<i32>} : memref<2x80x128xf32, #tpu.memory_space<vmem>>, vector<1x1x16xf32>,
          %get3A_784 = arith.index_cast %and3A_118 : i32 to index
          %get3A_785 = arith.index_cast %add3A_699 : i32 to index
          %get3A_786 = arith.constant 112 : index
          %get3A_787 = tpu.vector_load %arg8[%get3A_784, %get3A_785, %get3A_786] {strides = array<i32>} : memref<2x80x128xf32, #tpu.memory_space<vmem>>, vector<1x1x16xf32>,
          %get3A_788 = vector.shape_cast %get3A_787 : vector<1x1x16xf32> to vector<16xf32>
          %mul3A_789 = arith.mulf %get3A_788, %gather3A_695 : vector<16xf32>
          %swap3A_790 = arith.index_cast %and3A_118 : i32 to index
          %swap3A_791 = arith.index_cast %add3A_699 : i32 to index
          %swap3A_792 = arith.constant 112 : index
          %swap3A_793 = tpu.vector_load %arg8[%swap3A_790, %swap3A_791, %swap3A_792] {strides = array<i32>} : memref<2x80x128xf32, #tpu.memory_space<vmem>>, vector<1x1x16xf32>,
          %swap3A_794 = vector.shape_cast %swap3A_793 : vector<1x1x16xf32> to vector<16xf32>
          %swap3A_795 = vector.shape_cast %mul3A_789 : vector<16xf32> to vector<1x1x16xf32>
          tpu.vector_store %arg8[%swap3A_790, %swap3A_791, %swap3A_792], %swap3A_795 {strides = array<i32>} : memref<2x80x128xf32, #tpu.memory_space<vmem>>, vector<1x1x16xf32>,
          %add3A_796 = arith.constant 6 : i32
          %add3A_797 = vector.broadcast %add3A_796 : i32 to vector<16xi32>
          %add3A_798 = arith.addi %mul3A_47, %add3A_797 : vector<16xi32>
          %reshape3A_799 = vector.shape_cast %add3A_798 : vector<16xi32> to vector<16x1xi32>
          %gather3A_800 = vector.shape_cast %reshape3A_799 : vector<16x1xi32> to vector<16xi32>
          %gather3A_801 = tpu.dynamic_gather %get3A_162[%gather3A_800] in [0] : vector<16xf32>, vector<16xi32> -> vector<16xf32>
          %mul3A_802 = arith.constant 16 : i32
          %mul3A_803 = arith.muli %scan3A_157, %mul3A_802 : i32
          %add3A_804 = arith.constant 6 : i32
          %add3A_805 = arith.addi %mul3A_803, %add3A_804 : i32
          %get3A_806 = arith.index_cast %and3A_118 : i32 to index
          %get3A_807 = arith.index_cast %add3A_805 : i32 to index
          %get3A_808 = arith.constant 0 : index
          %get3A_809 = tpu.vector_load %arg8[%get3A_806, %get3A_807, %get3A_808] {strides = array<i32>} : memref<2x80x128xf32, #tpu.memory_space<vmem>>, vector<1x1x16xf32>,
          %get3A_810 = vector.shape_cast %get3A_809 : vector<1x1x16xf32> to vector<16xf32>
          %mul3A_811 = arith.mulf %get3A_810, %gather3A_801 : vector<16xf32>
          %swap3A_812 = arith.index_cast %and3A_118 : i32 to index
          %swap3A_813 = arith.index_cast %add3A_805 : i32 to index
          %swap3A_814 = arith.constant 0 : index
          %swap3A_815 = tpu.vector_load %arg8[%swap3A_812, %swap3A_813, %swap3A_814] {strides = array<i32>} : memref<2x80x128xf32, #tpu.memory_space<vmem>>, vector<1x1x16xf32>,
          %swap3A_816 = vector.shape_cast %swap3A_815 : vector<1x1x16xf32> to vector<16xf32>
          %swap3A_817 = vector.shape_cast %mul3A_811 : vector<16xf32> to vector<1x1x16xf32>
          tpu.vector_store %arg8[%swap3A_812, %swap3A_813, %swap3A_814], %swap3A_817 {strides = array<i32>} : memref<2x80x128xf32, #tpu.memory_space<vmem>>, vector<1x1x16xf32>,
          %get3A_818 = arith.index_cast %and3A_118 : i32 to index
          %get3A_819 = arith.index_cast %add3A_805 : i32 to index
          %get3A_820 = arith.constant 16 : index
          %get3A_821 = tpu.vector_load %arg8[%get3A_818, %get3A_819, %get3A_820] {strides = array<i32>} : memref<2x80x128xf32, #tpu.memory_space<vmem>>, vector<1x1x16xf32>,
          %get3A_822 = vector.shape_cast %get3A_821 : vector<1x1x16xf32> to vector<16xf32>
          %mul3A_823 = arith.mulf %get3A_822, %gather3A_801 : vector<16xf32>
          %swap3A_824 = arith.index_cast %and3A_118 : i32 to index
          %swap3A_825 = arith.index_cast %add3A_805 : i32 to index
          %swap3A_826 = arith.constant 16 : index
          %swap3A_827 = tpu.vector_load %arg8[%swap3A_824, %swap3A_825, %swap3A_826] {strides = array<i32>} : memref<2x80x128xf32, #tpu.memory_space<vmem>>, vector<1x1x16xf32>,
          %swap3A_828 = vector.shape_cast %swap3A_827 : vector<1x1x16xf32> to vector<16xf32>
          %swap3A_829 = vector.shape_cast %mul3A_823 : vector<16xf32> to vector<1x1x16xf32>
          tpu.vector_store %arg8[%swap3A_824, %swap3A_825, %swap3A_826], %swap3A_829 {strides = array<i32>} : memref<2x80x128xf32, #tpu.memory_space<vmem>>, vector<1x1x16xf32>,
          %get3A_830 = arith.index_cast %and3A_118 : i32 to index
          %get3A_831 = arith.index_cast %add3A_805 : i32 to index
          %get3A_832 = arith.constant 32 : index
          %get3A_833 = tpu.vector_load %arg8[%get3A_830, %get3A_831, %get3A_832] {strides = array<i32>} : memref<2x80x128xf32, #tpu.memory_space<vmem>>, vector<1x1x16xf32>,
          %get3A_834 = vector.shape_cast %get3A_833 : vector<1x1x16xf32> to vector<16xf32>
          %mul3A_835 = arith.mulf %get3A_834, %gather3A_801 : vector<16xf32>
          %swap3A_836 = arith.index_cast %and3A_118 : i32 to index
          %swap3A_837 = arith.index_cast %add3A_805 : i32 to index
          %swap3A_838 = arith.constant 32 : index
          %swap3A_839 = tpu.vector_load %arg8[%swap3A_836, %swap3A_837, %swap3A_838] {strides = array<i32>} : memref<2x80x128xf32, #tpu.memory_space<vmem>>, vector<1x1x16xf32>,
          %swap3A_840 = vector.shape_cast %swap3A_839 : vector<1x1x16xf32> to vector<16xf32>
          %swap3A_841 = vector.shape_cast %mul3A_835 : vector<16xf32> to vector<1x1x16xf32>
          tpu.vector_store %arg8[%swap3A_836, %swap3A_837, %swap3A_838], %swap3A_841 {strides = array<i32>} : memref<2x80x128xf32, #tpu.memory_space<vmem>>, vector<1x1x16xf32>,
          %get3A_842 = arith.index_cast %and3A_118 : i32 to index
          %get3A_843 = arith.index_cast %add3A_805 : i32 to index
          %get3A_844 = arith.constant 48 : index
          %get3A_845 = tpu.vector_load %arg8[%get3A_842, %get3A_843, %get3A_844] {strides = array<i32>} : memref<2x80x128xf32, #tpu.memory_space<vmem>>, vector<1x1x16xf32>,
          %get3A_846 = vector.shape_cast %get3A_845 : vector<1x1x16xf32> to vector<16xf32>
          %mul3A_847 = arith.mulf %get3A_846, %gather3A_801 : vector<16xf32>
          %swap3A_848 = arith.index_cast %and3A_118 : i32 to index
          %swap3A_849 = arith.index_cast %add3A_805 : i32 to index
          %swap3A_850 = arith.constant 48 : index
          %swap3A_851 = tpu.vector_load %arg8[%swap3A_848, %swap3A_849, %swap3A_850] {strides = array<i32>} : memref<2x80x128xf32, #tpu.memory_space<vmem>>, vector<1x1x16xf32>,
          %swap3A_852 = vector.shape_cast %swap3A_851 : vector<1x1x16xf32> to vector<16xf32>
          %swap3A_853 = vector.shape_cast %mul3A_847 : vector<16xf32> to vector<1x1x16xf32>
          tpu.vector_store %arg8[%swap3A_848, %swap3A_849, %swap3A_850], %swap3A_853 {strides = array<i32>} : memref<2x80x128xf32, #tpu.memory_space<vmem>>, vector<1x1x16xf32>,
          %get3A_854 = arith.index_cast %and3A_118 : i32 to index
          %get3A_855 = arith.index_cast %add3A_805 : i32 to index
          %get3A_856 = arith.constant 64 : index
          %get3A_857 = tpu.vector_load %arg8[%get3A_854, %get3A_855, %get3A_856] {strides = array<i32>} : memref<2x80x128xf32, #tpu.memory_space<vmem>>, vector<1x1x16xf32>,
          %get3A_858 = vector.shape_cast %get3A_857 : vector<1x1x16xf32> to vector<16xf32>
          %mul3A_859 = arith.mulf %get3A_858, %gather3A_801 : vector<16xf32>
          %swap3A_860 = arith.index_cast %and3A_118 : i32 to index
          %swap3A_861 = arith.index_cast %add3A_805 : i32 to index
          %swap3A_862 = arith.constant 64 : index
          %swap3A_863 = tpu.vector_load %arg8[%swap3A_860, %swap3A_861, %swap3A_862] {strides = array<i32>} : memref<2x80x128xf32, #tpu.memory_space<vmem>>, vector<1x1x16xf32>,
          %swap3A_864 = vector.shape_cast %swap3A_863 : vector<1x1x16xf32> to vector<16xf32>
          %swap3A_865 = vector.shape_cast %mul3A_859 : vector<16xf32> to vector<1x1x16xf32>
          tpu.vector_store %arg8[%swap3A_860, %swap3A_861, %swap3A_862], %swap3A_865 {strides = array<i32>} : memref<2x80x128xf32, #tpu.memory_space<vmem>>, vector<1x1x16xf32>,
          %get3A_866 = arith.index_cast %and3A_118 : i32 to index
          %get3A_867 = arith.index_cast %add3A_805 : i32 to index
          %get3A_868 = arith.constant 80 : index
          %get3A_869 = tpu.vector_load %arg8[%get3A_866, %get3A_867, %get3A_868] {strides = array<i32>} : memref<2x80x128xf32, #tpu.memory_space<vmem>>, vector<1x1x16xf32>,
          %get3A_870 = vector.shape_cast %get3A_869 : vector<1x1x16xf32> to vector<16xf32>
          %mul3A_871 = arith.mulf %get3A_870, %gather3A_801 : vector<16xf32>
          %swap3A_872 = arith.index_cast %and3A_118 : i32 to index
          %swap3A_873 = arith.index_cast %add3A_805 : i32 to index
          %swap3A_874 = arith.constant 80 : index
          %swap3A_875 = tpu.vector_load %arg8[%swap3A_872, %swap3A_873, %swap3A_874] {strides = array<i32>} : memref<2x80x128xf32, #tpu.memory_space<vmem>>, vector<1x1x16xf32>,
          %swap3A_876 = vector.shape_cast %swap3A_875 : vector<1x1x16xf32> to vector<16xf32>
          %swap3A_877 = vector.shape_cast %mul3A_871 : vector<16xf32> to vector<1x1x16xf32>
          tpu.vector_store %arg8[%swap3A_872, %swap3A_873, %swap3A_874], %swap3A_877 {strides = array<i32>} : memref<2x80x128xf32, #tpu.memory_space<vmem>>, vector<1x1x16xf32>,
          %get3A_878 = arith.index_cast %and3A_118 : i32 to index
          %get3A_879 = arith.index_cast %add3A_805 : i32 to index
          %get3A_880 = arith.constant 96 : index
          %get3A_881 = tpu.vector_load %arg8[%get3A_878, %get3A_879, %get3A_880] {strides = array<i32>} : memref<2x80x128xf32, #tpu.memory_space<vmem>>, vector<1x1x16xf32>,
          %get3A_882 = vector.shape_cast %get3A_881 : vector<1x1x16xf32> to vector<16xf32>
          %mul3A_883 = arith.mulf %get3A_882, %gather3A_801 : vector<16xf32>
          %swap3A_884 = arith.index_cast %and3A_118 : i32 to index
          %swap3A_885 = arith.index_cast %add3A_805 : i32 to index
          %swap3A_886 = arith.constant 96 : index
          %swap3A_887 = tpu.vector_load %arg8[%swap3A_884, %swap3A_885, %swap3A_886] {strides = array<i32>} : memref<2x80x128xf32, #tpu.memory_space<vmem>>, vector<1x1x16xf32>,
          %swap3A_888 = vector.shape_cast %swap3A_887 : vector<1x1x16xf32> to vector<16xf32>
          %swap3A_889 = vector.shape_cast %mul3A_883 : vector<16xf32> to vector<1x1x16xf32>
          tpu.vector_store %arg8[%swap3A_884, %swap3A_885, %swap3A_886], %swap3A_889 {strides = array<i32>} : memref<2x80x128xf32, #tpu.memory_space<vmem>>, vector<1x1x16xf32>,
          %get3A_890 = arith.index_cast %and3A_118 : i32 to index
          %get3A_891 = arith.index_cast %add3A_805 : i32 to index
          %get3A_892 = arith.constant 112 : index
          %get3A_893 = tpu.vector_load %arg8[%get3A_890, %get3A_891, %get3A_892] {strides = array<i32>} : memref<2x80x128xf32, #tpu.memory_space<vmem>>, vector<1x1x16xf32>,
          %get3A_894 = vector.shape_cast %get3A_893 : vector<1x1x16xf32> to vector<16xf32>
          %mul3A_895 = arith.mulf %get3A_894, %gather3A_801 : vector<16xf32>
          %swap3A_896 = arith.index_cast %and3A_118 : i32 to index
          %swap3A_897 = arith.index_cast %add3A_805 : i32 to index
          %swap3A_898 = arith.constant 112 : index
          %swap3A_899 = tpu.vector_load %arg8[%swap3A_896, %swap3A_897, %swap3A_898] {strides = array<i32>} : memref<2x80x128xf32, #tpu.memory_space<vmem>>, vector<1x1x16xf32>,
          %swap3A_900 = vector.shape_cast %swap3A_899 : vector<1x1x16xf32> to vector<16xf32>
          %swap3A_901 = vector.shape_cast %mul3A_895 : vector<16xf32> to vector<1x1x16xf32>
          tpu.vector_store %arg8[%swap3A_896, %swap3A_897, %swap3A_898], %swap3A_901 {strides = array<i32>} : memref<2x80x128xf32, #tpu.memory_space<vmem>>, vector<1x1x16xf32>,
          %add3A_902 = arith.constant 7 : i32
          %add3A_903 = vector.broadcast %add3A_902 : i32 to vector<16xi32>
          %add3A_904 = arith.addi %mul3A_47, %add3A_903 : vector<16xi32>
          %reshape3A_905 = vector.shape_cast %add3A_904 : vector<16xi32> to vector<16x1xi32>
          %gather3A_906 = vector.shape_cast %reshape3A_905 : vector<16x1xi32> to vector<16xi32>
          %gather3A_907 = tpu.dynamic_gather %get3A_162[%gather3A_906] in [0] : vector<16xf32>, vector<16xi32> -> vector<16xf32>
          %mul3A_908 = arith.constant 16 : i32
          %mul3A_909 = arith.muli %scan3A_157, %mul3A_908 : i32
          %add3A_910 = arith.constant 7 : i32
          %add3A_911 = arith.addi %mul3A_909, %add3A_910 : i32
          %get3A_912 = arith.index_cast %and3A_118 : i32 to index
          %get3A_913 = arith.index_cast %add3A_911 : i32 to index
          %get3A_914 = arith.constant 0 : index
          %get3A_915 = tpu.vector_load %arg8[%get3A_912, %get3A_913, %get3A_914] {strides = array<i32>} : memref<2x80x128xf32, #tpu.memory_space<vmem>>, vector<1x1x16xf32>,
          %get3A_916 = vector.shape_cast %get3A_915 : vector<1x1x16xf32> to vector<16xf32>
          %mul3A_917 = arith.mulf %get3A_916, %gather3A_907 : vector<16xf32>
          %swap3A_918 = arith.index_cast %and3A_118 : i32 to index
          %swap3A_919 = arith.index_cast %add3A_911 : i32 to index
          %swap3A_920 = arith.constant 0 : index
          %swap3A_921 = tpu.vector_load %arg8[%swap3A_918, %swap3A_919, %swap3A_920] {strides = array<i32>} : memref<2x80x128xf32, #tpu.memory_space<vmem>>, vector<1x1x16xf32>,
          %swap3A_922 = vector.shape_cast %swap3A_921 : vector<1x1x16xf32> to vector<16xf32>
          %swap3A_923 = vector.shape_cast %mul3A_917 : vector<16xf32> to vector<1x1x16xf32>
          tpu.vector_store %arg8[%swap3A_918, %swap3A_919, %swap3A_920], %swap3A_923 {strides = array<i32>} : memref<2x80x128xf32, #tpu.memory_space<vmem>>, vector<1x1x16xf32>,
          %get3A_924 = arith.index_cast %and3A_118 : i32 to index
          %get3A_925 = arith.index_cast %add3A_911 : i32 to index
          %get3A_926 = arith.constant 16 : index
          %get3A_927 = tpu.vector_load %arg8[%get3A_924, %get3A_925, %get3A_926] {strides = array<i32>} : memref<2x80x128xf32, #tpu.memory_space<vmem>>, vector<1x1x16xf32>,
          %get3A_928 = vector.shape_cast %get3A_927 : vector<1x1x16xf32> to vector<16xf32>
          %mul3A_929 = arith.mulf %get3A_928, %gather3A_907 : vector<16xf32>
          %swap3A_930 = arith.index_cast %and3A_118 : i32 to index
          %swap3A_931 = arith.index_cast %add3A_911 : i32 to index
          %swap3A_932 = arith.constant 16 : index
          %swap3A_933 = tpu.vector_load %arg8[%swap3A_930, %swap3A_931, %swap3A_932] {strides = array<i32>} : memref<2x80x128xf32, #tpu.memory_space<vmem>>, vector<1x1x16xf32>,
          %swap3A_934 = vector.shape_cast %swap3A_933 : vector<1x1x16xf32> to vector<16xf32>
          %swap3A_935 = vector.shape_cast %mul3A_929 : vector<16xf32> to vector<1x1x16xf32>
          tpu.vector_store %arg8[%swap3A_930, %swap3A_931, %swap3A_932], %swap3A_935 {strides = array<i32>} : memref<2x80x128xf32, #tpu.memory_space<vmem>>, vector<1x1x16xf32>,
          %get3A_936 = arith.index_cast %and3A_118 : i32 to index
          %get3A_937 = arith.index_cast %add3A_911 : i32 to index
          %get3A_938 = arith.constant 32 : index
          %get3A_939 = tpu.vector_load %arg8[%get3A_936, %get3A_937, %get3A_938] {strides = array<i32>} : memref<2x80x128xf32, #tpu.memory_space<vmem>>, vector<1x1x16xf32>,
          %get3A_940 = vector.shape_cast %get3A_939 : vector<1x1x16xf32> to vector<16xf32>
          %mul3A_941 = arith.mulf %get3A_940, %gather3A_907 : vector<16xf32>
          %swap3A_942 = arith.index_cast %and3A_118 : i32 to index
          %swap3A_943 = arith.index_cast %add3A_911 : i32 to index
          %swap3A_944 = arith.constant 32 : index
          %swap3A_945 = tpu.vector_load %arg8[%swap3A_942, %swap3A_943, %swap3A_944] {strides = array<i32>} : memref<2x80x128xf32, #tpu.memory_space<vmem>>, vector<1x1x16xf32>,
          %swap3A_946 = vector.shape_cast %swap3A_945 : vector<1x1x16xf32> to vector<16xf32>
          %swap3A_947 = vector.shape_cast %mul3A_941 : vector<16xf32> to vector<1x1x16xf32>
          tpu.vector_store %arg8[%swap3A_942, %swap3A_943, %swap3A_944], %swap3A_947 {strides = array<i32>} : memref<2x80x128xf32, #tpu.memory_space<vmem>>, vector<1x1x16xf32>,
          %get3A_948 = arith.index_cast %and3A_118 : i32 to index
          %get3A_949 = arith.index_cast %add3A_911 : i32 to index
          %get3A_950 = arith.constant 48 : index
          %get3A_951 = tpu.vector_load %arg8[%get3A_948, %get3A_949, %get3A_950] {strides = array<i32>} : memref<2x80x128xf32, #tpu.memory_space<vmem>>, vector<1x1x16xf32>,
          %get3A_952 = vector.shape_cast %get3A_951 : vector<1x1x16xf32> to vector<16xf32>
          %mul3A_953 = arith.mulf %get3A_952, %gather3A_907 : vector<16xf32>
          %swap3A_954 = arith.index_cast %and3A_118 : i32 to index
          %swap3A_955 = arith.index_cast %add3A_911 : i32 to index
          %swap3A_956 = arith.constant 48 : index
          %swap3A_957 = tpu.vector_load %arg8[%swap3A_954, %swap3A_955, %swap3A_956] {strides = array<i32>} : memref<2x80x128xf32, #tpu.memory_space<vmem>>, vector<1x1x16xf32>,
          %swap3A_958 = vector.shape_cast %swap3A_957 : vector<1x1x16xf32> to vector<16xf32>
          %swap3A_959 = vector.shape_cast %mul3A_953 : vector<16xf32> to vector<1x1x16xf32>
          tpu.vector_store %arg8[%swap3A_954, %swap3A_955, %swap3A_956], %swap3A_959 {strides = array<i32>} : memref<2x80x128xf32, #tpu.memory_space<vmem>>, vector<1x1x16xf32>,
          %get3A_960 = arith.index_cast %and3A_118 : i32 to index
          %get3A_961 = arith.index_cast %add3A_911 : i32 to index
          %get3A_962 = arith.constant 64 : index
          %get3A_963 = tpu.vector_load %arg8[%get3A_960, %get3A_961, %get3A_962] {strides = array<i32>} : memref<2x80x128xf32, #tpu.memory_space<vmem>>, vector<1x1x16xf32>,
          %get3A_964 = vector.shape_cast %get3A_963 : vector<1x1x16xf32> to vector<16xf32>
          %mul3A_965 = arith.mulf %get3A_964, %gather3A_907 : vector<16xf32>
          %swap3A_966 = arith.index_cast %and3A_118 : i32 to index
          %swap3A_967 = arith.index_cast %add3A_911 : i32 to index
          %swap3A_968 = arith.constant 64 : index
          %swap3A_969 = tpu.vector_load %arg8[%swap3A_966, %swap3A_967, %swap3A_968] {strides = array<i32>} : memref<2x80x128xf32, #tpu.memory_space<vmem>>, vector<1x1x16xf32>,
          %swap3A_970 = vector.shape_cast %swap3A_969 : vector<1x1x16xf32> to vector<16xf32>
          %swap3A_971 = vector.shape_cast %mul3A_965 : vector<16xf32> to vector<1x1x16xf32>
          tpu.vector_store %arg8[%swap3A_966, %swap3A_967, %swap3A_968], %swap3A_971 {strides = array<i32>} : memref<2x80x128xf32, #tpu.memory_space<vmem>>, vector<1x1x16xf32>,
          %get3A_972 = arith.index_cast %and3A_118 : i32 to index
          %get3A_973 = arith.index_cast %add3A_911 : i32 to index
          %get3A_974 = arith.constant 80 : index
          %get3A_975 = tpu.vector_load %arg8[%get3A_972, %get3A_973, %get3A_974] {strides = array<i32>} : memref<2x80x128xf32, #tpu.memory_space<vmem>>, vector<1x1x16xf32>,
          %get3A_976 = vector.shape_cast %get3A_975 : vector<1x1x16xf32> to vector<16xf32>
          %mul3A_977 = arith.mulf %get3A_976, %gather3A_907 : vector<16xf32>
          %swap3A_978 = arith.index_cast %and3A_118 : i32 to index
          %swap3A_979 = arith.index_cast %add3A_911 : i32 to index
          %swap3A_980 = arith.constant 80 : index
          %swap3A_981 = tpu.vector_load %arg8[%swap3A_978, %swap3A_979, %swap3A_980] {strides = array<i32>} : memref<2x80x128xf32, #tpu.memory_space<vmem>>, vector<1x1x16xf32>,
          %swap3A_982 = vector.shape_cast %swap3A_981 : vector<1x1x16xf32> to vector<16xf32>
          %swap3A_983 = vector.shape_cast %mul3A_977 : vector<16xf32> to vector<1x1x16xf32>
          tpu.vector_store %arg8[%swap3A_978, %swap3A_979, %swap3A_980], %swap3A_983 {strides = array<i32>} : memref<2x80x128xf32, #tpu.memory_space<vmem>>, vector<1x1x16xf32>,
          %get3A_984 = arith.index_cast %and3A_118 : i32 to index
          %get3A_985 = arith.index_cast %add3A_911 : i32 to index
          %get3A_986 = arith.constant 96 : index
          %get3A_987 = tpu.vector_load %arg8[%get3A_984, %get3A_985, %get3A_986] {strides = array<i32>} : memref<2x80x128xf32, #tpu.memory_space<vmem>>, vector<1x1x16xf32>,
          %get3A_988 = vector.shape_cast %get3A_987 : vector<1x1x16xf32> to vector<16xf32>
          %mul3A_989 = arith.mulf %get3A_988, %gather3A_907 : vector<16xf32>
          %swap3A_990 = arith.index_cast %and3A_118 : i32 to index
          %swap3A_991 = arith.index_cast %add3A_911 : i32 to index
          %swap3A_992 = arith.constant 96 : index
          %swap3A_993 = tpu.vector_load %arg8[%swap3A_990, %swap3A_991, %swap3A_992] {strides = array<i32>} : memref<2x80x128xf32, #tpu.memory_space<vmem>>, vector<1x1x16xf32>,
          %swap3A_994 = vector.shape_cast %swap3A_993 : vector<1x1x16xf32> to vector<16xf32>
          %swap3A_995 = vector.shape_cast %mul3A_989 : vector<16xf32> to vector<1x1x16xf32>
          tpu.vector_store %arg8[%swap3A_990, %swap3A_991, %swap3A_992], %swap3A_995 {strides = array<i32>} : memref<2x80x128xf32, #tpu.memory_space<vmem>>, vector<1x1x16xf32>,
          %get3A_996 = arith.index_cast %and3A_118 : i32 to index
          %get3A_997 = arith.index_cast %add3A_911 : i32 to index
          %get3A_998 = arith.constant 112 : index
          %get3A_999 = tpu.vector_load %arg8[%get3A_996, %get3A_997, %get3A_998] {strides = array<i32>} : memref<2x80x128xf32, #tpu.memory_space<vmem>>, vector<1x1x16xf32>,
          %get3A_1000 = vector.shape_cast %get3A_999 : vector<1x1x16xf32> to vector<16xf32>
          %mul3A_1001 = arith.mulf %get3A_1000, %gather3A_907 : vector<16xf32>
          %swap3A_1002 = arith.index_cast %and3A_118 : i32 to index
          %swap3A_1003 = arith.index_cast %add3A_911 : i32 to index
          %swap3A_1004 = arith.constant 112 : index
          %swap3A_1005 = tpu.vector_load %arg8[%swap3A_1002, %swap3A_1003, %swap3A_1004] {strides = array<i32>} : memref<2x80x128xf32, #tpu.memory_space<vmem>>, vector<1x1x16xf32>,
          %swap3A_1006 = vector.shape_cast %swap3A_1005 : vector<1x1x16xf32> to vector<16xf32>
          %swap3A_1007 = vector.shape_cast %mul3A_1001 : vector<16xf32> to vector<1x1x16xf32>
          tpu.vector_store %arg8[%swap3A_1002, %swap3A_1003, %swap3A_1004], %swap3A_1007 {strides = array<i32>} : memref<2x80x128xf32, #tpu.memory_space<vmem>>, vector<1x1x16xf32>,
          %add3A_1008 = arith.constant 8 : i32
          %add3A_1009 = vector.broadcast %add3A_1008 : i32 to vector<16xi32>
          %add3A_1010 = arith.addi %mul3A_47, %add3A_1009 : vector<16xi32>
          %reshape3A_1011 = vector.shape_cast %add3A_1010 : vector<16xi32> to vector<16x1xi32>
          %gather3A_1012 = vector.shape_cast %reshape3A_1011 : vector<16x1xi32> to vector<16xi32>
          %gather3A_1013 = tpu.dynamic_gather %get3A_162[%gather3A_1012] in [0] : vector<16xf32>, vector<16xi32> -> vector<16xf32>
          %mul3A_1014 = arith.constant 16 : i32
          %mul3A_1015 = arith.muli %scan3A_157, %mul3A_1014 : i32
          %add3A_1016 = arith.constant 8 : i32
          %add3A_1017 = arith.addi %mul3A_1015, %add3A_1016 : i32
          %get3A_1018 = arith.index_cast %and3A_118 : i32 to index
          %get3A_1019 = arith.index_cast %add3A_1017 : i32 to index
          %get3A_1020 = arith.constant 0 : index
          %get3A_1021 = tpu.vector_load %arg8[%get3A_1018, %get3A_1019, %get3A_1020] {strides = array<i32>} : memref<2x80x128xf32, #tpu.memory_space<vmem>>, vector<1x1x16xf32>,
          %get3A_1022 = vector.shape_cast %get3A_1021 : vector<1x1x16xf32> to vector<16xf32>
          %mul3A_1023 = arith.mulf %get3A_1022, %gather3A_1013 : vector<16xf32>
          %swap3A_1024 = arith.index_cast %and3A_118 : i32 to index
          %swap3A_1025 = arith.index_cast %add3A_1017 : i32 to index
          %swap3A_1026 = arith.constant 0 : index
          %swap3A_1027 = tpu.vector_load %arg8[%swap3A_1024, %swap3A_1025, %swap3A_1026] {strides = array<i32>} : memref<2x80x128xf32, #tpu.memory_space<vmem>>, vector<1x1x16xf32>,
          %swap3A_1028 = vector.shape_cast %swap3A_1027 : vector<1x1x16xf32> to vector<16xf32>
          %swap3A_1029 = vector.shape_cast %mul3A_1023 : vector<16xf32> to vector<1x1x16xf32>
          tpu.vector_store %arg8[%swap3A_1024, %swap3A_1025, %swap3A_1026], %swap3A_1029 {strides = array<i32>} : memref<2x80x128xf32, #tpu.memory_space<vmem>>, vector<1x1x16xf32>,
          %get3A_1030 = arith.index_cast %and3A_118 : i32 to index
          %get3A_1031 = arith.index_cast %add3A_1017 : i32 to index
          %get3A_1032 = arith.constant 16 : index
          %get3A_1033 = tpu.vector_load %arg8[%get3A_1030, %get3A_1031, %get3A_1032] {strides = array<i32>} : memref<2x80x128xf32, #tpu.memory_space<vmem>>, vector<1x1x16xf32>,
          %get3A_1034 = vector.shape_cast %get3A_1033 : vector<1x1x16xf32> to vector<16xf32>
          %mul3A_1035 = arith.mulf %get3A_1034, %gather3A_1013 : vector<16xf32>
          %swap3A_1036 = arith.index_cast %and3A_118 : i32 to index
          %swap3A_1037 = arith.index_cast %add3A_1017 : i32 to index
          %swap3A_1038 = arith.constant 16 : index
          %swap3A_1039 = tpu.vector_load %arg8[%swap3A_1036, %swap3A_1037, %swap3A_1038] {strides = array<i32>} : memref<2x80x128xf32, #tpu.memory_space<vmem>>, vector<1x1x16xf32>,
          %swap3A_1040 = vector.shape_cast %swap3A_1039 : vector<1x1x16xf32> to vector<16xf32>
          %swap3A_1041 = vector.shape_cast %mul3A_1035 : vector<16xf32> to vector<1x1x16xf32>
          tpu.vector_store %arg8[%swap3A_1036, %swap3A_1037, %swap3A_1038], %swap3A_1041 {strides = array<i32>} : memref<2x80x128xf32, #tpu.memory_space<vmem>>, vector<1x1x16xf32>,
          %get3A_1042 = arith.index_cast %and3A_118 : i32 to index
          %get3A_1043 = arith.index_cast %add3A_1017 : i32 to index
          %get3A_1044 = arith.constant 32 : index
          %get3A_1045 = tpu.vector_load %arg8[%get3A_1042, %get3A_1043, %get3A_1044] {strides = array<i32>} : memref<2x80x128xf32, #tpu.memory_space<vmem>>, vector<1x1x16xf32>,
          %get3A_1046 = vector.shape_cast %get3A_1045 : vector<1x1x16xf32> to vector<16xf32>
          %mul3A_1047 = arith.mulf %get3A_1046, %gather3A_1013 : vector<16xf32>
          %swap3A_1048 = arith.index_cast %and3A_118 : i32 to index
          %swap3A_1049 = arith.index_cast %add3A_1017 : i32 to index
          %swap3A_1050 = arith.constant 32 : index
          %swap3A_1051 = tpu.vector_load %arg8[%swap3A_1048, %swap3A_1049, %swap3A_1050] {strides = array<i32>} : memref<2x80x128xf32, #tpu.memory_space<vmem>>, vector<1x1x16xf32>,
          %swap3A_1052 = vector.shape_cast %swap3A_1051 : vector<1x1x16xf32> to vector<16xf32>
          %swap3A_1053 = vector.shape_cast %mul3A_1047 : vector<16xf32> to vector<1x1x16xf32>
          tpu.vector_store %arg8[%swap3A_1048, %swap3A_1049, %swap3A_1050], %swap3A_1053 {strides = array<i32>} : memref<2x80x128xf32, #tpu.memory_space<vmem>>, vector<1x1x16xf32>,
          %get3A_1054 = arith.index_cast %and3A_118 : i32 to index
          %get3A_1055 = arith.index_cast %add3A_1017 : i32 to index
          %get3A_1056 = arith.constant 48 : index
          %get3A_1057 = tpu.vector_load %arg8[%get3A_1054, %get3A_1055, %get3A_1056] {strides = array<i32>} : memref<2x80x128xf32, #tpu.memory_space<vmem>>, vector<1x1x16xf32>,
          %get3A_1058 = vector.shape_cast %get3A_1057 : vector<1x1x16xf32> to vector<16xf32>
          %mul3A_1059 = arith.mulf %get3A_1058, %gather3A_1013 : vector<16xf32>
          %swap3A_1060 = arith.index_cast %and3A_118 : i32 to index
          %swap3A_1061 = arith.index_cast %add3A_1017 : i32 to index
          %swap3A_1062 = arith.constant 48 : index
          %swap3A_1063 = tpu.vector_load %arg8[%swap3A_1060, %swap3A_1061, %swap3A_1062] {strides = array<i32>} : memref<2x80x128xf32, #tpu.memory_space<vmem>>, vector<1x1x16xf32>,
          %swap3A_1064 = vector.shape_cast %swap3A_1063 : vector<1x1x16xf32> to vector<16xf32>
          %swap3A_1065 = vector.shape_cast %mul3A_1059 : vector<16xf32> to vector<1x1x16xf32>
          tpu.vector_store %arg8[%swap3A_1060, %swap3A_1061, %swap3A_1062], %swap3A_1065 {strides = array<i32>} : memref<2x80x128xf32, #tpu.memory_space<vmem>>, vector<1x1x16xf32>,
          %get3A_1066 = arith.index_cast %and3A_118 : i32 to index
          %get3A_1067 = arith.index_cast %add3A_1017 : i32 to index
          %get3A_1068 = arith.constant 64 : index
          %get3A_1069 = tpu.vector_load %arg8[%get3A_1066, %get3A_1067, %get3A_1068] {strides = array<i32>} : memref<2x80x128xf32, #tpu.memory_space<vmem>>, vector<1x1x16xf32>,
          %get3A_1070 = vector.shape_cast %get3A_1069 : vector<1x1x16xf32> to vector<16xf32>
          %mul3A_1071 = arith.mulf %get3A_1070, %gather3A_1013 : vector<16xf32>
          %swap3A_1072 = arith.index_cast %and3A_118 : i32 to index
          %swap3A_1073 = arith.index_cast %add3A_1017 : i32 to index
          %swap3A_1074 = arith.constant 64 : index
          %swap3A_1075 = tpu.vector_load %arg8[%swap3A_1072, %swap3A_1073, %swap3A_1074] {strides = array<i32>} : memref<2x80x128xf32, #tpu.memory_space<vmem>>, vector<1x1x16xf32>,
          %swap3A_1076 = vector.shape_cast %swap3A_1075 : vector<1x1x16xf32> to vector<16xf32>
          %swap3A_1077 = vector.shape_cast %mul3A_1071 : vector<16xf32> to vector<1x1x16xf32>
          tpu.vector_store %arg8[%swap3A_1072, %swap3A_1073, %swap3A_1074], %swap3A_1077 {strides = array<i32>} : memref<2x80x128xf32, #tpu.memory_space<vmem>>, vector<1x1x16xf32>,
          %get3A_1078 = arith.index_cast %and3A_118 : i32 to index
          %get3A_1079 = arith.index_cast %add3A_1017 : i32 to index
          %get3A_1080 = arith.constant 80 : index
          %get3A_1081 = tpu.vector_load %arg8[%get3A_1078, %get3A_1079, %get3A_1080] {strides = array<i32>} : memref<2x80x128xf32, #tpu.memory_space<vmem>>, vector<1x1x16xf32>,
          %get3A_1082 = vector.shape_cast %get3A_1081 : vector<1x1x16xf32> to vector<16xf32>
          %mul3A_1083 = arith.mulf %get3A_1082, %gather3A_1013 : vector<16xf32>
          %swap3A_1084 = arith.index_cast %and3A_118 : i32 to index
          %swap3A_1085 = arith.index_cast %add3A_1017 : i32 to index
          %swap3A_1086 = arith.constant 80 : index
          %swap3A_1087 = tpu.vector_load %arg8[%swap3A_1084, %swap3A_1085, %swap3A_1086] {strides = array<i32>} : memref<2x80x128xf32, #tpu.memory_space<vmem>>, vector<1x1x16xf32>,
          %swap3A_1088 = vector.shape_cast %swap3A_1087 : vector<1x1x16xf32> to vector<16xf32>
          %swap3A_1089 = vector.shape_cast %mul3A_1083 : vector<16xf32> to vector<1x1x16xf32>
          tpu.vector_store %arg8[%swap3A_1084, %swap3A_1085, %swap3A_1086], %swap3A_1089 {strides = array<i32>} : memref<2x80x128xf32, #tpu.memory_space<vmem>>, vector<1x1x16xf32>,
          %get3A_1090 = arith.index_cast %and3A_118 : i32 to index
          %get3A_1091 = arith.index_cast %add3A_1017 : i32 to index
          %get3A_1092 = arith.constant 96 : index
          %get3A_1093 = tpu.vector_load %arg8[%get3A_1090, %get3A_1091, %get3A_1092] {strides = array<i32>} : memref<2x80x128xf32, #tpu.memory_space<vmem>>, vector<1x1x16xf32>,
          %get3A_1094 = vector.shape_cast %get3A_1093 : vector<1x1x16xf32> to vector<16xf32>
          %mul3A_1095 = arith.mulf %get3A_1094, %gather3A_1013 : vector<16xf32>
          %swap3A_1096 = arith.index_cast %and3A_118 : i32 to index
          %swap3A_1097 = arith.index_cast %add3A_1017 : i32 to index
          %swap3A_1098 = arith.constant 96 : index
          %swap3A_1099 = tpu.vector_load %arg8[%swap3A_1096, %swap3A_1097, %swap3A_1098] {strides = array<i32>} : memref<2x80x128xf32, #tpu.memory_space<vmem>>, vector<1x1x16xf32>,
          %swap3A_1100 = vector.shape_cast %swap3A_1099 : vector<1x1x16xf32> to vector<16xf32>
          %swap3A_1101 = vector.shape_cast %mul3A_1095 : vector<16xf32> to vector<1x1x16xf32>
          tpu.vector_store %arg8[%swap3A_1096, %swap3A_1097, %swap3A_1098], %swap3A_1101 {strides = array<i32>} : memref<2x80x128xf32, #tpu.memory_space<vmem>>, vector<1x1x16xf32>,
          %get3A_1102 = arith.index_cast %and3A_118 : i32 to index
          %get3A_1103 = arith.index_cast %add3A_1017 : i32 to index
          %get3A_1104 = arith.constant 112 : index
          %get3A_1105 = tpu.vector_load %arg8[%get3A_1102, %get3A_1103, %get3A_1104] {strides = array<i32>} : memref<2x80x128xf32, #tpu.memory_space<vmem>>, vector<1x1x16xf32>,
          %get3A_1106 = vector.shape_cast %get3A_1105 : vector<1x1x16xf32> to vector<16xf32>
          %mul3A_1107 = arith.mulf %get3A_1106, %gather3A_1013 : vector<16xf32>
          %swap3A_1108 = arith.index_cast %and3A_118 : i32 to index
          %swap3A_1109 = arith.index_cast %add3A_1017 : i32 to index
          %swap3A_1110 = arith.constant 112 : index
          %swap3A_1111 = tpu.vector_load %arg8[%swap3A_1108, %swap3A_1109, %swap3A_1110] {strides = array<i32>} : memref<2x80x128xf32, #tpu.memory_space<vmem>>, vector<1x1x16xf32>,
          %swap3A_1112 = vector.shape_cast %swap3A_1111 : vector<1x1x16xf32> to vector<16xf32>
          %swap3A_1113 = vector.shape_cast %mul3A_1107 : vector<16xf32> to vector<1x1x16xf32>
          tpu.vector_store %arg8[%swap3A_1108, %swap3A_1109, %swap3A_1110], %swap3A_1113 {strides = array<i32>} : memref<2x80x128xf32, #tpu.memory_space<vmem>>, vector<1x1x16xf32>,
          %add3A_1114 = arith.constant 9 : i32
          %add3A_1115 = vector.broadcast %add3A_1114 : i32 to vector<16xi32>
          %add3A_1116 = arith.addi %mul3A_47, %add3A_1115 : vector<16xi32>
          %reshape3A_1117 = vector.shape_cast %add3A_1116 : vector<16xi32> to vector<16x1xi32>
          %gather3A_1118 = vector.shape_cast %reshape3A_1117 : vector<16x1xi32> to vector<16xi32>
          %gather3A_1119 = tpu.dynamic_gather %get3A_162[%gather3A_1118] in [0] : vector<16xf32>, vector<16xi32> -> vector<16xf32>
          %mul3A_1120 = arith.constant 16 : i32
          %mul3A_1121 = arith.muli %scan3A_157, %mul3A_1120 : i32
          %add3A_1122 = arith.constant 9 : i32
          %add3A_1123 = arith.addi %mul3A_1121, %add3A_1122 : i32
          %get3A_1124 = arith.index_cast %and3A_118 : i32 to index
          %get3A_1125 = arith.index_cast %add3A_1123 : i32 to index
          %get3A_1126 = arith.constant 0 : index
          %get3A_1127 = tpu.vector_load %arg8[%get3A_1124, %get3A_1125, %get3A_1126] {strides = array<i32>} : memref<2x80x128xf32, #tpu.memory_space<vmem>>, vector<1x1x16xf32>,
          %get3A_1128 = vector.shape_cast %get3A_1127 : vector<1x1x16xf32> to vector<16xf32>
          %mul3A_1129 = arith.mulf %get3A_1128, %gather3A_1119 : vector<16xf32>
          %swap3A_1130 = arith.index_cast %and3A_118 : i32 to index
          %swap3A_1131 = arith.index_cast %add3A_1123 : i32 to index
          %swap3A_1132 = arith.constant 0 : index
          %swap3A_1133 = tpu.vector_load %arg8[%swap3A_1130, %swap3A_1131, %swap3A_1132] {strides = array<i32>} : memref<2x80x128xf32, #tpu.memory_space<vmem>>, vector<1x1x16xf32>,
          %swap3A_1134 = vector.shape_cast %swap3A_1133 : vector<1x1x16xf32> to vector<16xf32>
          %swap3A_1135 = vector.shape_cast %mul3A_1129 : vector<16xf32> to vector<1x1x16xf32>
          tpu.vector_store %arg8[%swap3A_1130, %swap3A_1131, %swap3A_1132], %swap3A_1135 {strides = array<i32>} : memref<2x80x128xf32, #tpu.memory_space<vmem>>, vector<1x1x16xf32>,
          %get3A_1136 = arith.index_cast %and3A_118 : i32 to index
          %get3A_1137 = arith.index_cast %add3A_1123 : i32 to index
          %get3A_1138 = arith.constant 16 : index
          %get3A_1139 = tpu.vector_load %arg8[%get3A_1136, %get3A_1137, %get3A_1138] {strides = array<i32>} : memref<2x80x128xf32, #tpu.memory_space<vmem>>, vector<1x1x16xf32>,
          %get3A_1140 = vector.shape_cast %get3A_1139 : vector<1x1x16xf32> to vector<16xf32>
          %mul3A_1141 = arith.mulf %get3A_1140, %gather3A_1119 : vector<16xf32>
          %swap3A_1142 = arith.index_cast %and3A_118 : i32 to index
          %swap3A_1143 = arith.index_cast %add3A_1123 : i32 to index
          %swap3A_1144 = arith.constant 16 : index
          %swap3A_1145 = tpu.vector_load %arg8[%swap3A_1142, %swap3A_1143, %swap3A_1144] {strides = array<i32>} : memref<2x80x128xf32, #tpu.memory_space<vmem>>, vector<1x1x16xf32>,
          %swap3A_1146 = vector.shape_cast %swap3A_1145 : vector<1x1x16xf32> to vector<16xf32>
          %swap3A_1147 = vector.shape_cast %mul3A_1141 : vector<16xf32> to vector<1x1x16xf32>
          tpu.vector_store %arg8[%swap3A_1142, %swap3A_1143, %swap3A_1144], %swap3A_1147 {strides = array<i32>} : memref<2x80x128xf32, #tpu.memory_space<vmem>>, vector<1x1x16xf32>,
          %get3A_1148 = arith.index_cast %and3A_118 : i32 to index
          %get3A_1149 = arith.index_cast %add3A_1123 : i32 to index
          %get3A_1150 = arith.constant 32 : index
          %get3A_1151 = tpu.vector_load %arg8[%get3A_1148, %get3A_1149, %get3A_1150] {strides = array<i32>} : memref<2x80x128xf32, #tpu.memory_space<vmem>>, vector<1x1x16xf32>,
          %get3A_1152 = vector.shape_cast %get3A_1151 : vector<1x1x16xf32> to vector<16xf32>
          %mul3A_1153 = arith.mulf %get3A_1152, %gather3A_1119 : vector<16xf32>
          %swap3A_1154 = arith.index_cast %and3A_118 : i32 to index
          %swap3A_1155 = arith.index_cast %add3A_1123 : i32 to index
          %swap3A_1156 = arith.constant 32 : index
          %swap3A_1157 = tpu.vector_load %arg8[%swap3A_1154, %swap3A_1155, %swap3A_1156] {strides = array<i32>} : memref<2x80x128xf32, #tpu.memory_space<vmem>>, vector<1x1x16xf32>,
          %swap3A_1158 = vector.shape_cast %swap3A_1157 : vector<1x1x16xf32> to vector<16xf32>
          %swap3A_1159 = vector.shape_cast %mul3A_1153 : vector<16xf32> to vector<1x1x16xf32>
          tpu.vector_store %arg8[%swap3A_1154, %swap3A_1155, %swap3A_1156], %swap3A_1159 {strides = array<i32>} : memref<2x80x128xf32, #tpu.memory_space<vmem>>, vector<1x1x16xf32>,
          %get3A_1160 = arith.index_cast %and3A_118 : i32 to index
          %get3A_1161 = arith.index_cast %add3A_1123 : i32 to index
          %get3A_1162 = arith.constant 48 : index
          %get3A_1163 = tpu.vector_load %arg8[%get3A_1160, %get3A_1161, %get3A_1162] {strides = array<i32>} : memref<2x80x128xf32, #tpu.memory_space<vmem>>, vector<1x1x16xf32>,
          %get3A_1164 = vector.shape_cast %get3A_1163 : vector<1x1x16xf32> to vector<16xf32>
          %mul3A_1165 = arith.mulf %get3A_1164, %gather3A_1119 : vector<16xf32>
          %swap3A_1166 = arith.index_cast %and3A_118 : i32 to index
          %swap3A_1167 = arith.index_cast %add3A_1123 : i32 to index
          %swap3A_1168 = arith.constant 48 : index
          %swap3A_1169 = tpu.vector_load %arg8[%swap3A_1166, %swap3A_1167, %swap3A_1168] {strides = array<i32>} : memref<2x80x128xf32, #tpu.memory_space<vmem>>, vector<1x1x16xf32>,
          %swap3A_1170 = vector.shape_cast %swap3A_1169 : vector<1x1x16xf32> to vector<16xf32>
          %swap3A_1171 = vector.shape_cast %mul3A_1165 : vector<16xf32> to vector<1x1x16xf32>
          tpu.vector_store %arg8[%swap3A_1166, %swap3A_1167, %swap3A_1168], %swap3A_1171 {strides = array<i32>} : memref<2x80x128xf32, #tpu.memory_space<vmem>>, vector<1x1x16xf32>,
          %get3A_1172 = arith.index_cast %and3A_118 : i32 to index
          %get3A_1173 = arith.index_cast %add3A_1123 : i32 to index
          %get3A_1174 = arith.constant 64 : index
          %get3A_1175 = tpu.vector_load %arg8[%get3A_1172, %get3A_1173, %get3A_1174] {strides = array<i32>} : memref<2x80x128xf32, #tpu.memory_space<vmem>>, vector<1x1x16xf32>,
          %get3A_1176 = vector.shape_cast %get3A_1175 : vector<1x1x16xf32> to vector<16xf32>
          %mul3A_1177 = arith.mulf %get3A_1176, %gather3A_1119 : vector<16xf32>
          %swap3A_1178 = arith.index_cast %and3A_118 : i32 to index
          %swap3A_1179 = arith.index_cast %add3A_1123 : i32 to index
          %swap3A_1180 = arith.constant 64 : index
          %swap3A_1181 = tpu.vector_load %arg8[%swap3A_1178, %swap3A_1179, %swap3A_1180] {strides = array<i32>} : memref<2x80x128xf32, #tpu.memory_space<vmem>>, vector<1x1x16xf32>,
          %swap3A_1182 = vector.shape_cast %swap3A_1181 : vector<1x1x16xf32> to vector<16xf32>
          %swap3A_1183 = vector.shape_cast %mul3A_1177 : vector<16xf32> to vector<1x1x16xf32>
          tpu.vector_store %arg8[%swap3A_1178, %swap3A_1179, %swap3A_1180], %swap3A_1183 {strides = array<i32>} : memref<2x80x128xf32, #tpu.memory_space<vmem>>, vector<1x1x16xf32>,
          %get3A_1184 = arith.index_cast %and3A_118 : i32 to index
          %get3A_1185 = arith.index_cast %add3A_1123 : i32 to index
          %get3A_1186 = arith.constant 80 : index
          %get3A_1187 = tpu.vector_load %arg8[%get3A_1184, %get3A_1185, %get3A_1186] {strides = array<i32>} : memref<2x80x128xf32, #tpu.memory_space<vmem>>, vector<1x1x16xf32>,
          %get3A_1188 = vector.shape_cast %get3A_1187 : vector<1x1x16xf32> to vector<16xf32>
          %mul3A_1189 = arith.mulf %get3A_1188, %gather3A_1119 : vector<16xf32>
          %swap3A_1190 = arith.index_cast %and3A_118 : i32 to index
          %swap3A_1191 = arith.index_cast %add3A_1123 : i32 to index
          %swap3A_1192 = arith.constant 80 : index
          %swap3A_1193 = tpu.vector_load %arg8[%swap3A_1190, %swap3A_1191, %swap3A_1192] {strides = array<i32>} : memref<2x80x128xf32, #tpu.memory_space<vmem>>, vector<1x1x16xf32>,
          %swap3A_1194 = vector.shape_cast %swap3A_1193 : vector<1x1x16xf32> to vector<16xf32>
          %swap3A_1195 = vector.shape_cast %mul3A_1189 : vector<16xf32> to vector<1x1x16xf32>
          tpu.vector_store %arg8[%swap3A_1190, %swap3A_1191, %swap3A_1192], %swap3A_1195 {strides = array<i32>} : memref<2x80x128xf32, #tpu.memory_space<vmem>>, vector<1x1x16xf32>,
          %get3A_1196 = arith.index_cast %and3A_118 : i32 to index
          %get3A_1197 = arith.index_cast %add3A_1123 : i32 to index
          %get3A_1198 = arith.constant 96 : index
          %get3A_1199 = tpu.vector_load %arg8[%get3A_1196, %get3A_1197, %get3A_1198] {strides = array<i32>} : memref<2x80x128xf32, #tpu.memory_space<vmem>>, vector<1x1x16xf32>,
          %get3A_1200 = vector.shape_cast %get3A_1199 : vector<1x1x16xf32> to vector<16xf32>
          %mul3A_1201 = arith.mulf %get3A_1200, %gather3A_1119 : vector<16xf32>
          %swap3A_1202 = arith.index_cast %and3A_118 : i32 to index
          %swap3A_1203 = arith.index_cast %add3A_1123 : i32 to index
          %swap3A_1204 = arith.constant 96 : index
          %swap3A_1205 = tpu.vector_load %arg8[%swap3A_1202, %swap3A_1203, %swap3A_1204] {strides = array<i32>} : memref<2x80x128xf32, #tpu.memory_space<vmem>>, vector<1x1x16xf32>,
          %swap3A_1206 = vector.shape_cast %swap3A_1205 : vector<1x1x16xf32> to vector<16xf32>
          %swap3A_1207 = vector.shape_cast %mul3A_1201 : vector<16xf32> to vector<1x1x16xf32>
          tpu.vector_store %arg8[%swap3A_1202, %swap3A_1203, %swap3A_1204], %swap3A_1207 {strides = array<i32>} : memref<2x80x128xf32, #tpu.memory_space<vmem>>, vector<1x1x16xf32>,
          %get3A_1208 = arith.index_cast %and3A_118 : i32 to index
          %get3A_1209 = arith.index_cast %add3A_1123 : i32 to index
          %get3A_1210 = arith.constant 112 : index
          %get3A_1211 = tpu.vector_load %arg8[%get3A_1208, %get3A_1209, %get3A_1210] {strides = array<i32>} : memref<2x80x128xf32, #tpu.memory_space<vmem>>, vector<1x1x16xf32>,
          %get3A_1212 = vector.shape_cast %get3A_1211 : vector<1x1x16xf32> to vector<16xf32>
          %mul3A_1213 = arith.mulf %get3A_1212, %gather3A_1119 : vector<16xf32>
          %swap3A_1214 = arith.index_cast %and3A_118 : i32 to index
          %swap3A_1215 = arith.index_cast %add3A_1123 : i32 to index
          %swap3A_1216 = arith.constant 112 : index
          %swap3A_1217 = tpu.vector_load %arg8[%swap3A_1214, %swap3A_1215, %swap3A_1216] {strides = array<i32>} : memref<2x80x128xf32, #tpu.memory_space<vmem>>, vector<1x1x16xf32>,
          %swap3A_1218 = vector.shape_cast %swap3A_1217 : vector<1x1x16xf32> to vector<16xf32>
          %swap3A_1219 = vector.shape_cast %mul3A_1213 : vector<16xf32> to vector<1x1x16xf32>
          tpu.vector_store %arg8[%swap3A_1214, %swap3A_1215, %swap3A_1216], %swap3A_1219 {strides = array<i32>} : memref<2x80x128xf32, #tpu.memory_space<vmem>>, vector<1x1x16xf32>,
          %add3A_1220 = arith.constant 10 : i32
          %add3A_1221 = vector.broadcast %add3A_1220 : i32 to vector<16xi32>
          %add3A_1222 = arith.addi %mul3A_47, %add3A_1221 : vector<16xi32>
          %reshape3A_1223 = vector.shape_cast %add3A_1222 : vector<16xi32> to vector<16x1xi32>
          %gather3A_1224 = vector.shape_cast %reshape3A_1223 : vector<16x1xi32> to vector<16xi32>
          %gather3A_1225 = tpu.dynamic_gather %get3A_162[%gather3A_1224] in [0] : vector<16xf32>, vector<16xi32> -> vector<16xf32>
          %mul3A_1226 = arith.constant 16 : i32
          %mul3A_1227 = arith.muli %scan3A_157, %mul3A_1226 : i32
          %add3A_1228 = arith.constant 10 : i32
          %add3A_1229 = arith.addi %mul3A_1227, %add3A_1228 : i32
          %get3A_1230 = arith.index_cast %and3A_118 : i32 to index
          %get3A_1231 = arith.index_cast %add3A_1229 : i32 to index
          %get3A_1232 = arith.constant 0 : index
          %get3A_1233 = tpu.vector_load %arg8[%get3A_1230, %get3A_1231, %get3A_1232] {strides = array<i32>} : memref<2x80x128xf32, #tpu.memory_space<vmem>>, vector<1x1x16xf32>,
          %get3A_1234 = vector.shape_cast %get3A_1233 : vector<1x1x16xf32> to vector<16xf32>
          %mul3A_1235 = arith.mulf %get3A_1234, %gather3A_1225 : vector<16xf32>
          %swap3A_1236 = arith.index_cast %and3A_118 : i32 to index
          %swap3A_1237 = arith.index_cast %add3A_1229 : i32 to index
          %swap3A_1238 = arith.constant 0 : index
          %swap3A_1239 = tpu.vector_load %arg8[%swap3A_1236, %swap3A_1237, %swap3A_1238] {strides = array<i32>} : memref<2x80x128xf32, #tpu.memory_space<vmem>>, vector<1x1x16xf32>,
          %swap3A_1240 = vector.shape_cast %swap3A_1239 : vector<1x1x16xf32> to vector<16xf32>
          %swap3A_1241 = vector.shape_cast %mul3A_1235 : vector<16xf32> to vector<1x1x16xf32>
          tpu.vector_store %arg8[%swap3A_1236, %swap3A_1237, %swap3A_1238], %swap3A_1241 {strides = array<i32>} : memref<2x80x128xf32, #tpu.memory_space<vmem>>, vector<1x1x16xf32>,
          %get3A_1242 = arith.index_cast %and3A_118 : i32 to index
          %get3A_1243 = arith.index_cast %add3A_1229 : i32 to index
          %get3A_1244 = arith.constant 16 : index
          %get3A_1245 = tpu.vector_load %arg8[%get3A_1242, %get3A_1243, %get3A_1244] {strides = array<i32>} : memref<2x80x128xf32, #tpu.memory_space<vmem>>, vector<1x1x16xf32>,
          %get3A_1246 = vector.shape_cast %get3A_1245 : vector<1x1x16xf32> to vector<16xf32>
          %mul3A_1247 = arith.mulf %get3A_1246, %gather3A_1225 : vector<16xf32>
          %swap3A_1248 = arith.index_cast %and3A_118 : i32 to index
          %swap3A_1249 = arith.index_cast %add3A_1229 : i32 to index
          %swap3A_1250 = arith.constant 16 : index
          %swap3A_1251 = tpu.vector_load %arg8[%swap3A_1248, %swap3A_1249, %swap3A_1250] {strides = array<i32>} : memref<2x80x128xf32, #tpu.memory_space<vmem>>, vector<1x1x16xf32>,
          %swap3A_1252 = vector.shape_cast %swap3A_1251 : vector<1x1x16xf32> to vector<16xf32>
          %swap3A_1253 = vector.shape_cast %mul3A_1247 : vector<16xf32> to vector<1x1x16xf32>
          tpu.vector_store %arg8[%swap3A_1248, %swap3A_1249, %swap3A_1250], %swap3A_1253 {strides = array<i32>} : memref<2x80x128xf32, #tpu.memory_space<vmem>>, vector<1x1x16xf32>,
          %get3A_1254 = arith.index_cast %and3A_118 : i32 to index
          %get3A_1255 = arith.index_cast %add3A_1229 : i32 to index
          %get3A_1256 = arith.constant 32 : index
          %get3A_1257 = tpu.vector_load %arg8[%get3A_1254, %get3A_1255, %get3A_1256] {strides = array<i32>} : memref<2x80x128xf32, #tpu.memory_space<vmem>>, vector<1x1x16xf32>,
          %get3A_1258 = vector.shape_cast %get3A_1257 : vector<1x1x16xf32> to vector<16xf32>
          %mul3A_1259 = arith.mulf %get3A_1258, %gather3A_1225 : vector<16xf32>
          %swap3A_1260 = arith.index_cast %and3A_118 : i32 to index
          %swap3A_1261 = arith.index_cast %add3A_1229 : i32 to index
          %swap3A_1262 = arith.constant 32 : index
          %swap3A_1263 = tpu.vector_load %arg8[%swap3A_1260, %swap3A_1261, %swap3A_1262] {strides = array<i32>} : memref<2x80x128xf32, #tpu.memory_space<vmem>>, vector<1x1x16xf32>,
          %swap3A_1264 = vector.shape_cast %swap3A_1263 : vector<1x1x16xf32> to vector<16xf32>
          %swap3A_1265 = vector.shape_cast %mul3A_1259 : vector<16xf32> to vector<1x1x16xf32>
          tpu.vector_store %arg8[%swap3A_1260, %swap3A_1261, %swap3A_1262], %swap3A_1265 {strides = array<i32>} : memref<2x80x128xf32, #tpu.memory_space<vmem>>, vector<1x1x16xf32>,
          %get3A_1266 = arith.index_cast %and3A_118 : i32 to index
          %get3A_1267 = arith.index_cast %add3A_1229 : i32 to index
          %get3A_1268 = arith.constant 48 : index
          %get3A_1269 = tpu.vector_load %arg8[%get3A_1266, %get3A_1267, %get3A_1268] {strides = array<i32>} : memref<2x80x128xf32, #tpu.memory_space<vmem>>, vector<1x1x16xf32>,
          %get3A_1270 = vector.shape_cast %get3A_1269 : vector<1x1x16xf32> to vector<16xf32>
          %mul3A_1271 = arith.mulf %get3A_1270, %gather3A_1225 : vector<16xf32>
          %swap3A_1272 = arith.index_cast %and3A_118 : i32 to index
          %swap3A_1273 = arith.index_cast %add3A_1229 : i32 to index
          %swap3A_1274 = arith.constant 48 : index
          %swap3A_1275 = tpu.vector_load %arg8[%swap3A_1272, %swap3A_1273, %swap3A_1274] {strides = array<i32>} : memref<2x80x128xf32, #tpu.memory_space<vmem>>, vector<1x1x16xf32>,
          %swap3A_1276 = vector.shape_cast %swap3A_1275 : vector<1x1x16xf32> to vector<16xf32>
          %swap3A_1277 = vector.shape_cast %mul3A_1271 : vector<16xf32> to vector<1x1x16xf32>
          tpu.vector_store %arg8[%swap3A_1272, %swap3A_1273, %swap3A_1274], %swap3A_1277 {strides = array<i32>} : memref<2x80x128xf32, #tpu.memory_space<vmem>>, vector<1x1x16xf32>,
          %get3A_1278 = arith.index_cast %and3A_118 : i32 to index
          %get3A_1279 = arith.index_cast %add3A_1229 : i32 to index
          %get3A_1280 = arith.constant 64 : index
          %get3A_1281 = tpu.vector_load %arg8[%get3A_1278, %get3A_1279, %get3A_1280] {strides = array<i32>} : memref<2x80x128xf32, #tpu.memory_space<vmem>>, vector<1x1x16xf32>,
          %get3A_1282 = vector.shape_cast %get3A_1281 : vector<1x1x16xf32> to vector<16xf32>
          %mul3A_1283 = arith.mulf %get3A_1282, %gather3A_1225 : vector<16xf32>
          %swap3A_1284 = arith.index_cast %and3A_118 : i32 to index
          %swap3A_1285 = arith.index_cast %add3A_1229 : i32 to index
          %swap3A_1286 = arith.constant 64 : index
          %swap3A_1287 = tpu.vector_load %arg8[%swap3A_1284, %swap3A_1285, %swap3A_1286] {strides = array<i32>} : memref<2x80x128xf32, #tpu.memory_space<vmem>>, vector<1x1x16xf32>,
          %swap3A_1288 = vector.shape_cast %swap3A_1287 : vector<1x1x16xf32> to vector<16xf32>
          %swap3A_1289 = vector.shape_cast %mul3A_1283 : vector<16xf32> to vector<1x1x16xf32>
          tpu.vector_store %arg8[%swap3A_1284, %swap3A_1285, %swap3A_1286], %swap3A_1289 {strides = array<i32>} : memref<2x80x128xf32, #tpu.memory_space<vmem>>, vector<1x1x16xf32>,
          %get3A_1290 = arith.index_cast %and3A_118 : i32 to index
          %get3A_1291 = arith.index_cast %add3A_1229 : i32 to index
          %get3A_1292 = arith.constant 80 : index
          %get3A_1293 = tpu.vector_load %arg8[%get3A_1290, %get3A_1291, %get3A_1292] {strides = array<i32>} : memref<2x80x128xf32, #tpu.memory_space<vmem>>, vector<1x1x16xf32>,
          %get3A_1294 = vector.shape_cast %get3A_1293 : vector<1x1x16xf32> to vector<16xf32>
          %mul3A_1295 = arith.mulf %get3A_1294, %gather3A_1225 : vector<16xf32>
          %swap3A_1296 = arith.index_cast %and3A_118 : i32 to index
          %swap3A_1297 = arith.index_cast %add3A_1229 : i32 to index
          %swap3A_1298 = arith.constant 80 : index
          %swap3A_1299 = tpu.vector_load %arg8[%swap3A_1296, %swap3A_1297, %swap3A_1298] {strides = array<i32>} : memref<2x80x128xf32, #tpu.memory_space<vmem>>, vector<1x1x16xf32>,
          %swap3A_1300 = vector.shape_cast %swap3A_1299 : vector<1x1x16xf32> to vector<16xf32>
          %swap3A_1301 = vector.shape_cast %mul3A_1295 : vector<16xf32> to vector<1x1x16xf32>
          tpu.vector_store %arg8[%swap3A_1296, %swap3A_1297, %swap3A_1298], %swap3A_1301 {strides = array<i32>} : memref<2x80x128xf32, #tpu.memory_space<vmem>>, vector<1x1x16xf32>,
          %get3A_1302 = arith.index_cast %and3A_118 : i32 to index
          %get3A_1303 = arith.index_cast %add3A_1229 : i32 to index
          %get3A_1304 = arith.constant 96 : index
          %get3A_1305 = tpu.vector_load %arg8[%get3A_1302, %get3A_1303, %get3A_1304] {strides = array<i32>} : memref<2x80x128xf32, #tpu.memory_space<vmem>>, vector<1x1x16xf32>,
          %get3A_1306 = vector.shape_cast %get3A_1305 : vector<1x1x16xf32> to vector<16xf32>
          %mul3A_1307 = arith.mulf %get3A_1306, %gather3A_1225 : vector<16xf32>
          %swap3A_1308 = arith.index_cast %and3A_118 : i32 to index
          %swap3A_1309 = arith.index_cast %add3A_1229 : i32 to index
          %swap3A_1310 = arith.constant 96 : index
          %swap3A_1311 = tpu.vector_load %arg8[%swap3A_1308, %swap3A_1309, %swap3A_1310] {strides = array<i32>} : memref<2x80x128xf32, #tpu.memory_space<vmem>>, vector<1x1x16xf32>,
          %swap3A_1312 = vector.shape_cast %swap3A_1311 : vector<1x1x16xf32> to vector<16xf32>
          %swap3A_1313 = vector.shape_cast %mul3A_1307 : vector<16xf32> to vector<1x1x16xf32>
          tpu.vector_store %arg8[%swap3A_1308, %swap3A_1309, %swap3A_1310], %swap3A_1313 {strides = array<i32>} : memref<2x80x128xf32, #tpu.memory_space<vmem>>, vector<1x1x16xf32>,
          %get3A_1314 = arith.index_cast %and3A_118 : i32 to index
          %get3A_1315 = arith.index_cast %add3A_1229 : i32 to index
          %get3A_1316 = arith.constant 112 : index
          %get3A_1317 = tpu.vector_load %arg8[%get3A_1314, %get3A_1315, %get3A_1316] {strides = array<i32>} : memref<2x80x128xf32, #tpu.memory_space<vmem>>, vector<1x1x16xf32>,
          %get3A_1318 = vector.shape_cast %get3A_1317 : vector<1x1x16xf32> to vector<16xf32>
          %mul3A_1319 = arith.mulf %get3A_1318, %gather3A_1225 : vector<16xf32>
          %swap3A_1320 = arith.index_cast %and3A_118 : i32 to index
          %swap3A_1321 = arith.index_cast %add3A_1229 : i32 to index
          %swap3A_1322 = arith.constant 112 : index
          %swap3A_1323 = tpu.vector_load %arg8[%swap3A_1320, %swap3A_1321, %swap3A_1322] {strides = array<i32>} : memref<2x80x128xf32, #tpu.memory_space<vmem>>, vector<1x1x16xf32>,
          %swap3A_1324 = vector.shape_cast %swap3A_1323 : vector<1x1x16xf32> to vector<16xf32>
          %swap3A_1325 = vector.shape_cast %mul3A_1319 : vector<16xf32> to vector<1x1x16xf32>
          tpu.vector_store %arg8[%swap3A_1320, %swap3A_1321, %swap3A_1322], %swap3A_1325 {strides = array<i32>} : memref<2x80x128xf32, #tpu.memory_space<vmem>>, vector<1x1x16xf32>,
          %add3A_1326 = arith.constant 11 : i32
          %add3A_1327 = vector.broadcast %add3A_1326 : i32 to vector<16xi32>
          %add3A_1328 = arith.addi %mul3A_47, %add3A_1327 : vector<16xi32>
          %reshape3A_1329 = vector.shape_cast %add3A_1328 : vector<16xi32> to vector<16x1xi32>
          %gather3A_1330 = vector.shape_cast %reshape3A_1329 : vector<16x1xi32> to vector<16xi32>
          %gather3A_1331 = tpu.dynamic_gather %get3A_162[%gather3A_1330] in [0] : vector<16xf32>, vector<16xi32> -> vector<16xf32>
          %mul3A_1332 = arith.constant 16 : i32
          %mul3A_1333 = arith.muli %scan3A_157, %mul3A_1332 : i32
          %add3A_1334 = arith.constant 11 : i32
          %add3A_1335 = arith.addi %mul3A_1333, %add3A_1334 : i32
          %get3A_1336 = arith.index_cast %and3A_118 : i32 to index
          %get3A_1337 = arith.index_cast %add3A_1335 : i32 to index
          %get3A_1338 = arith.constant 0 : index
          %get3A_1339 = tpu.vector_load %arg8[%get3A_1336, %get3A_1337, %get3A_1338] {strides = array<i32>} : memref<2x80x128xf32, #tpu.memory_space<vmem>>, vector<1x1x16xf32>,
          %get3A_1340 = vector.shape_cast %get3A_1339 : vector<1x1x16xf32> to vector<16xf32>
          %mul3A_1341 = arith.mulf %get3A_1340, %gather3A_1331 : vector<16xf32>
          %swap3A_1342 = arith.index_cast %and3A_118 : i32 to index
          %swap3A_1343 = arith.index_cast %add3A_1335 : i32 to index
          %swap3A_1344 = arith.constant 0 : index
          %swap3A_1345 = tpu.vector_load %arg8[%swap3A_1342, %swap3A_1343, %swap3A_1344] {strides = array<i32>} : memref<2x80x128xf32, #tpu.memory_space<vmem>>, vector<1x1x16xf32>,
          %swap3A_1346 = vector.shape_cast %swap3A_1345 : vector<1x1x16xf32> to vector<16xf32>
          %swap3A_1347 = vector.shape_cast %mul3A_1341 : vector<16xf32> to vector<1x1x16xf32>
          tpu.vector_store %arg8[%swap3A_1342, %swap3A_1343, %swap3A_1344], %swap3A_1347 {strides = array<i32>} : memref<2x80x128xf32, #tpu.memory_space<vmem>>, vector<1x1x16xf32>,
          %get3A_1348 = arith.index_cast %and3A_118 : i32 to index
          %get3A_1349 = arith.index_cast %add3A_1335 : i32 to index
          %get3A_1350 = arith.constant 16 : index
          %get3A_1351 = tpu.vector_load %arg8[%get3A_1348, %get3A_1349, %get3A_1350] {strides = array<i32>} : memref<2x80x128xf32, #tpu.memory_space<vmem>>, vector<1x1x16xf32>,
          %get3A_1352 = vector.shape_cast %get3A_1351 : vector<1x1x16xf32> to vector<16xf32>
          %mul3A_1353 = arith.mulf %get3A_1352, %gather3A_1331 : vector<16xf32>
          %swap3A_1354 = arith.index_cast %and3A_118 : i32 to index
          %swap3A_1355 = arith.index_cast %add3A_1335 : i32 to index
          %swap3A_1356 = arith.constant 16 : index
          %swap3A_1357 = tpu.vector_load %arg8[%swap3A_1354, %swap3A_1355, %swap3A_1356] {strides = array<i32>} : memref<2x80x128xf32, #tpu.memory_space<vmem>>, vector<1x1x16xf32>,
          %swap3A_1358 = vector.shape_cast %swap3A_1357 : vector<1x1x16xf32> to vector<16xf32>
          %swap3A_1359 = vector.shape_cast %mul3A_1353 : vector<16xf32> to vector<1x1x16xf32>
          tpu.vector_store %arg8[%swap3A_1354, %swap3A_1355, %swap3A_1356], %swap3A_1359 {strides = array<i32>} : memref<2x80x128xf32, #tpu.memory_space<vmem>>, vector<1x1x16xf32>,
          %get3A_1360 = arith.index_cast %and3A_118 : i32 to index
          %get3A_1361 = arith.index_cast %add3A_1335 : i32 to index
          %get3A_1362 = arith.constant 32 : index
          %get3A_1363 = tpu.vector_load %arg8[%get3A_1360, %get3A_1361, %get3A_1362] {strides = array<i32>} : memref<2x80x128xf32, #tpu.memory_space<vmem>>, vector<1x1x16xf32>,
          %get3A_1364 = vector.shape_cast %get3A_1363 : vector<1x1x16xf32> to vector<16xf32>
          %mul3A_1365 = arith.mulf %get3A_1364, %gather3A_1331 : vector<16xf32>
          %swap3A_1366 = arith.index_cast %and3A_118 : i32 to index
          %swap3A_1367 = arith.index_cast %add3A_1335 : i32 to index
          %swap3A_1368 = arith.constant 32 : index
          %swap3A_1369 = tpu.vector_load %arg8[%swap3A_1366, %swap3A_1367, %swap3A_1368] {strides = array<i32>} : memref<2x80x128xf32, #tpu.memory_space<vmem>>, vector<1x1x16xf32>,
          %swap3A_1370 = vector.shape_cast %swap3A_1369 : vector<1x1x16xf32> to vector<16xf32>
          %swap3A_1371 = vector.shape_cast %mul3A_1365 : vector<16xf32> to vector<1x1x16xf32>
          tpu.vector_store %arg8[%swap3A_1366, %swap3A_1367, %swap3A_1368], %swap3A_1371 {strides = array<i32>} : memref<2x80x128xf32, #tpu.memory_space<vmem>>, vector<1x1x16xf32>,
          %get3A_1372 = arith.index_cast %and3A_118 : i32 to index
          %get3A_1373 = arith.index_cast %add3A_1335 : i32 to index
          %get3A_1374 = arith.constant 48 : index
          %get3A_1375 = tpu.vector_load %arg8[%get3A_1372, %get3A_1373, %get3A_1374] {strides = array<i32>} : memref<2x80x128xf32, #tpu.memory_space<vmem>>, vector<1x1x16xf32>,
          %get3A_1376 = vector.shape_cast %get3A_1375 : vector<1x1x16xf32> to vector<16xf32>
          %mul3A_1377 = arith.mulf %get3A_1376, %gather3A_1331 : vector<16xf32>
          %swap3A_1378 = arith.index_cast %and3A_118 : i32 to index
          %swap3A_1379 = arith.index_cast %add3A_1335 : i32 to index
          %swap3A_1380 = arith.constant 48 : index
          %swap3A_1381 = tpu.vector_load %arg8[%swap3A_1378, %swap3A_1379, %swap3A_1380] {strides = array<i32>} : memref<2x80x128xf32, #tpu.memory_space<vmem>>, vector<1x1x16xf32>,
          %swap3A_1382 = vector.shape_cast %swap3A_1381 : vector<1x1x16xf32> to vector<16xf32>
          %swap3A_1383 = vector.shape_cast %mul3A_1377 : vector<16xf32> to vector<1x1x16xf32>
          tpu.vector_store %arg8[%swap3A_1378, %swap3A_1379, %swap3A_1380], %swap3A_1383 {strides = array<i32>} : memref<2x80x128xf32, #tpu.memory_space<vmem>>, vector<1x1x16xf32>,
          %get3A_1384 = arith.index_cast %and3A_118 : i32 to index
          %get3A_1385 = arith.index_cast %add3A_1335 : i32 to index
          %get3A_1386 = arith.constant 64 : index
          %get3A_1387 = tpu.vector_load %arg8[%get3A_1384, %get3A_1385, %get3A_1386] {strides = array<i32>} : memref<2x80x128xf32, #tpu.memory_space<vmem>>, vector<1x1x16xf32>,
          %get3A_1388 = vector.shape_cast %get3A_1387 : vector<1x1x16xf32> to vector<16xf32>
          %mul3A_1389 = arith.mulf %get3A_1388, %gather3A_1331 : vector<16xf32>
          %swap3A_1390 = arith.index_cast %and3A_118 : i32 to index
          %swap3A_1391 = arith.index_cast %add3A_1335 : i32 to index
          %swap3A_1392 = arith.constant 64 : index
          %swap3A_1393 = tpu.vector_load %arg8[%swap3A_1390, %swap3A_1391, %swap3A_1392] {strides = array<i32>} : memref<2x80x128xf32, #tpu.memory_space<vmem>>, vector<1x1x16xf32>,
          %swap3A_1394 = vector.shape_cast %swap3A_1393 : vector<1x1x16xf32> to vector<16xf32>
          %swap3A_1395 = vector.shape_cast %mul3A_1389 : vector<16xf32> to vector<1x1x16xf32>
          tpu.vector_store %arg8[%swap3A_1390, %swap3A_1391, %swap3A_1392], %swap3A_1395 {strides = array<i32>} : memref<2x80x128xf32, #tpu.memory_space<vmem>>, vector<1x1x16xf32>,
          %get3A_1396 = arith.index_cast %and3A_118 : i32 to index
          %get3A_1397 = arith.index_cast %add3A_1335 : i32 to index
          %get3A_1398 = arith.constant 80 : index
          %get3A_1399 = tpu.vector_load %arg8[%get3A_1396, %get3A_1397, %get3A_1398] {strides = array<i32>} : memref<2x80x128xf32, #tpu.memory_space<vmem>>, vector<1x1x16xf32>,
          %get3A_1400 = vector.shape_cast %get3A_1399 : vector<1x1x16xf32> to vector<16xf32>
          %mul3A_1401 = arith.mulf %get3A_1400, %gather3A_1331 : vector<16xf32>
          %swap3A_1402 = arith.index_cast %and3A_118 : i32 to index
          %swap3A_1403 = arith.index_cast %add3A_1335 : i32 to index
          %swap3A_1404 = arith.constant 80 : index
          %swap3A_1405 = tpu.vector_load %arg8[%swap3A_1402, %swap3A_1403, %swap3A_1404] {strides = array<i32>} : memref<2x80x128xf32, #tpu.memory_space<vmem>>, vector<1x1x16xf32>,
          %swap3A_1406 = vector.shape_cast %swap3A_1405 : vector<1x1x16xf32> to vector<16xf32>
          %swap3A_1407 = vector.shape_cast %mul3A_1401 : vector<16xf32> to vector<1x1x16xf32>
          tpu.vector_store %arg8[%swap3A_1402, %swap3A_1403, %swap3A_1404], %swap3A_1407 {strides = array<i32>} : memref<2x80x128xf32, #tpu.memory_space<vmem>>, vector<1x1x16xf32>,
          %get3A_1408 = arith.index_cast %and3A_118 : i32 to index
          %get3A_1409 = arith.index_cast %add3A_1335 : i32 to index
          %get3A_1410 = arith.constant 96 : index
          %get3A_1411 = tpu.vector_load %arg8[%get3A_1408, %get3A_1409, %get3A_1410] {strides = array<i32>} : memref<2x80x128xf32, #tpu.memory_space<vmem>>, vector<1x1x16xf32>,
          %get3A_1412 = vector.shape_cast %get3A_1411 : vector<1x1x16xf32> to vector<16xf32>
          %mul3A_1413 = arith.mulf %get3A_1412, %gather3A_1331 : vector<16xf32>
          %swap3A_1414 = arith.index_cast %and3A_118 : i32 to index
          %swap3A_1415 = arith.index_cast %add3A_1335 : i32 to index
          %swap3A_1416 = arith.constant 96 : index
          %swap3A_1417 = tpu.vector_load %arg8[%swap3A_1414, %swap3A_1415, %swap3A_1416] {strides = array<i32>} : memref<2x80x128xf32, #tpu.memory_space<vmem>>, vector<1x1x16xf32>,
          %swap3A_1418 = vector.shape_cast %swap3A_1417 : vector<1x1x16xf32> to vector<16xf32>
          %swap3A_1419 = vector.shape_cast %mul3A_1413 : vector<16xf32> to vector<1x1x16xf32>
          tpu.vector_store %arg8[%swap3A_1414, %swap3A_1415, %swap3A_1416], %swap3A_1419 {strides = array<i32>} : memref<2x80x128xf32, #tpu.memory_space<vmem>>, vector<1x1x16xf32>,
          %get3A_1420 = arith.index_cast %and3A_118 : i32 to index
          %get3A_1421 = arith.index_cast %add3A_1335 : i32 to index
          %get3A_1422 = arith.constant 112 : index
          %get3A_1423 = tpu.vector_load %arg8[%get3A_1420, %get3A_1421, %get3A_1422] {strides = array<i32>} : memref<2x80x128xf32, #tpu.memory_space<vmem>>, vector<1x1x16xf32>,
          %get3A_1424 = vector.shape_cast %get3A_1423 : vector<1x1x16xf32> to vector<16xf32>
          %mul3A_1425 = arith.mulf %get3A_1424, %gather3A_1331 : vector<16xf32>
          %swap3A_1426 = arith.index_cast %and3A_118 : i32 to index
          %swap3A_1427 = arith.index_cast %add3A_1335 : i32 to index
          %swap3A_1428 = arith.constant 112 : index
          %swap3A_1429 = tpu.vector_load %arg8[%swap3A_1426, %swap3A_1427, %swap3A_1428] {strides = array<i32>} : memref<2x80x128xf32, #tpu.memory_space<vmem>>, vector<1x1x16xf32>,
          %swap3A_1430 = vector.shape_cast %swap3A_1429 : vector<1x1x16xf32> to vector<16xf32>
          %swap3A_1431 = vector.shape_cast %mul3A_1425 : vector<16xf32> to vector<1x1x16xf32>
          tpu.vector_store %arg8[%swap3A_1426, %swap3A_1427, %swap3A_1428], %swap3A_1431 {strides = array<i32>} : memref<2x80x128xf32, #tpu.memory_space<vmem>>, vector<1x1x16xf32>,
          %add3A_1432 = arith.constant 12 : i32
          %add3A_1433 = vector.broadcast %add3A_1432 : i32 to vector<16xi32>
          %add3A_1434 = arith.addi %mul3A_47, %add3A_1433 : vector<16xi32>
          %reshape3A_1435 = vector.shape_cast %add3A_1434 : vector<16xi32> to vector<16x1xi32>
          %gather3A_1436 = vector.shape_cast %reshape3A_1435 : vector<16x1xi32> to vector<16xi32>
          %gather3A_1437 = tpu.dynamic_gather %get3A_162[%gather3A_1436] in [0] : vector<16xf32>, vector<16xi32> -> vector<16xf32>
          %mul3A_1438 = arith.constant 16 : i32
          %mul3A_1439 = arith.muli %scan3A_157, %mul3A_1438 : i32
          %add3A_1440 = arith.constant 12 : i32
          %add3A_1441 = arith.addi %mul3A_1439, %add3A_1440 : i32
          %get3A_1442 = arith.index_cast %and3A_118 : i32 to index
          %get3A_1443 = arith.index_cast %add3A_1441 : i32 to index
          %get3A_1444 = arith.constant 0 : index
          %get3A_1445 = tpu.vector_load %arg8[%get3A_1442, %get3A_1443, %get3A_1444] {strides = array<i32>} : memref<2x80x128xf32, #tpu.memory_space<vmem>>, vector<1x1x16xf32>,
          %get3A_1446 = vector.shape_cast %get3A_1445 : vector<1x1x16xf32> to vector<16xf32>
          %mul3A_1447 = arith.mulf %get3A_1446, %gather3A_1437 : vector<16xf32>
          %swap3A_1448 = arith.index_cast %and3A_118 : i32 to index
          %swap3A_1449 = arith.index_cast %add3A_1441 : i32 to index
          %swap3A_1450 = arith.constant 0 : index
          %swap3A_1451 = tpu.vector_load %arg8[%swap3A_1448, %swap3A_1449, %swap3A_1450] {strides = array<i32>} : memref<2x80x128xf32, #tpu.memory_space<vmem>>, vector<1x1x16xf32>,
          %swap3A_1452 = vector.shape_cast %swap3A_1451 : vector<1x1x16xf32> to vector<16xf32>
          %swap3A_1453 = vector.shape_cast %mul3A_1447 : vector<16xf32> to vector<1x1x16xf32>
          tpu.vector_store %arg8[%swap3A_1448, %swap3A_1449, %swap3A_1450], %swap3A_1453 {strides = array<i32>} : memref<2x80x128xf32, #tpu.memory_space<vmem>>, vector<1x1x16xf32>,
          %get3A_1454 = arith.index_cast %and3A_118 : i32 to index
          %get3A_1455 = arith.index_cast %add3A_1441 : i32 to index
          %get3A_1456 = arith.constant 16 : index
          %get3A_1457 = tpu.vector_load %arg8[%get3A_1454, %get3A_1455, %get3A_1456] {strides = array<i32>} : memref<2x80x128xf32, #tpu.memory_space<vmem>>, vector<1x1x16xf32>,
          %get3A_1458 = vector.shape_cast %get3A_1457 : vector<1x1x16xf32> to vector<16xf32>
          %mul3A_1459 = arith.mulf %get3A_1458, %gather3A_1437 : vector<16xf32>
          %swap3A_1460 = arith.index_cast %and3A_118 : i32 to index
          %swap3A_1461 = arith.index_cast %add3A_1441 : i32 to index
          %swap3A_1462 = arith.constant 16 : index
          %swap3A_1463 = tpu.vector_load %arg8[%swap3A_1460, %swap3A_1461, %swap3A_1462] {strides = array<i32>} : memref<2x80x128xf32, #tpu.memory_space<vmem>>, vector<1x1x16xf32>,
          %swap3A_1464 = vector.shape_cast %swap3A_1463 : vector<1x1x16xf32> to vector<16xf32>
          %swap3A_1465 = vector.shape_cast %mul3A_1459 : vector<16xf32> to vector<1x1x16xf32>
          tpu.vector_store %arg8[%swap3A_1460, %swap3A_1461, %swap3A_1462], %swap3A_1465 {strides = array<i32>} : memref<2x80x128xf32, #tpu.memory_space<vmem>>, vector<1x1x16xf32>,
          %get3A_1466 = arith.index_cast %and3A_118 : i32 to index
          %get3A_1467 = arith.index_cast %add3A_1441 : i32 to index
          %get3A_1468 = arith.constant 32 : index
          %get3A_1469 = tpu.vector_load %arg8[%get3A_1466, %get3A_1467, %get3A_1468] {strides = array<i32>} : memref<2x80x128xf32, #tpu.memory_space<vmem>>, vector<1x1x16xf32>,
          %get3A_1470 = vector.shape_cast %get3A_1469 : vector<1x1x16xf32> to vector<16xf32>
          %mul3A_1471 = arith.mulf %get3A_1470, %gather3A_1437 : vector<16xf32>
          %swap3A_1472 = arith.index_cast %and3A_118 : i32 to index
          %swap3A_1473 = arith.index_cast %add3A_1441 : i32 to index
          %swap3A_1474 = arith.constant 32 : index
          %swap3A_1475 = tpu.vector_load %arg8[%swap3A_1472, %swap3A_1473, %swap3A_1474] {strides = array<i32>} : memref<2x80x128xf32, #tpu.memory_space<vmem>>, vector<1x1x16xf32>,
          %swap3A_1476 = vector.shape_cast %swap3A_1475 : vector<1x1x16xf32> to vector<16xf32>
          %swap3A_1477 = vector.shape_cast %mul3A_1471 : vector<16xf32> to vector<1x1x16xf32>
          tpu.vector_store %arg8[%swap3A_1472, %swap3A_1473, %swap3A_1474], %swap3A_1477 {strides = array<i32>} : memref<2x80x128xf32, #tpu.memory_space<vmem>>, vector<1x1x16xf32>,
          %get3A_1478 = arith.index_cast %and3A_118 : i32 to index
          %get3A_1479 = arith.index_cast %add3A_1441 : i32 to index
          %get3A_1480 = arith.constant 48 : index
          %get3A_1481 = tpu.vector_load %arg8[%get3A_1478, %get3A_1479, %get3A_1480] {strides = array<i32>} : memref<2x80x128xf32, #tpu.memory_space<vmem>>, vector<1x1x16xf32>,
          %get3A_1482 = vector.shape_cast %get3A_1481 : vector<1x1x16xf32> to vector<16xf32>
          %mul3A_1483 = arith.mulf %get3A_1482, %gather3A_1437 : vector<16xf32>
          %swap3A_1484 = arith.index_cast %and3A_118 : i32 to index
          %swap3A_1485 = arith.index_cast %add3A_1441 : i32 to index
          %swap3A_1486 = arith.constant 48 : index
          %swap3A_1487 = tpu.vector_load %arg8[%swap3A_1484, %swap3A_1485, %swap3A_1486] {strides = array<i32>} : memref<2x80x128xf32, #tpu.memory_space<vmem>>, vector<1x1x16xf32>,
          %swap3A_1488 = vector.shape_cast %swap3A_1487 : vector<1x1x16xf32> to vector<16xf32>
          %swap3A_1489 = vector.shape_cast %mul3A_1483 : vector<16xf32> to vector<1x1x16xf32>
          tpu.vector_store %arg8[%swap3A_1484, %swap3A_1485, %swap3A_1486], %swap3A_1489 {strides = array<i32>} : memref<2x80x128xf32, #tpu.memory_space<vmem>>, vector<1x1x16xf32>,
          %get3A_1490 = arith.index_cast %and3A_118 : i32 to index
          %get3A_1491 = arith.index_cast %add3A_1441 : i32 to index
          %get3A_1492 = arith.constant 64 : index
          %get3A_1493 = tpu.vector_load %arg8[%get3A_1490, %get3A_1491, %get3A_1492] {strides = array<i32>} : memref<2x80x128xf32, #tpu.memory_space<vmem>>, vector<1x1x16xf32>,
          %get3A_1494 = vector.shape_cast %get3A_1493 : vector<1x1x16xf32> to vector<16xf32>
          %mul3A_1495 = arith.mulf %get3A_1494, %gather3A_1437 : vector<16xf32>
          %swap3A_1496 = arith.index_cast %and3A_118 : i32 to index
          %swap3A_1497 = arith.index_cast %add3A_1441 : i32 to index
          %swap3A_1498 = arith.constant 64 : index
          %swap3A_1499 = tpu.vector_load %arg8[%swap3A_1496, %swap3A_1497, %swap3A_1498] {strides = array<i32>} : memref<2x80x128xf32, #tpu.memory_space<vmem>>, vector<1x1x16xf32>,
          %swap3A_1500 = vector.shape_cast %swap3A_1499 : vector<1x1x16xf32> to vector<16xf32>
          %swap3A_1501 = vector.shape_cast %mul3A_1495 : vector<16xf32> to vector<1x1x16xf32>
          tpu.vector_store %arg8[%swap3A_1496, %swap3A_1497, %swap3A_1498], %swap3A_1501 {strides = array<i32>} : memref<2x80x128xf32, #tpu.memory_space<vmem>>, vector<1x1x16xf32>,
          %get3A_1502 = arith.index_cast %and3A_118 : i32 to index
          %get3A_1503 = arith.index_cast %add3A_1441 : i32 to index
          %get3A_1504 = arith.constant 80 : index
          %get3A_1505 = tpu.vector_load %arg8[%get3A_1502, %get3A_1503, %get3A_1504] {strides = array<i32>} : memref<2x80x128xf32, #tpu.memory_space<vmem>>, vector<1x1x16xf32>,
          %get3A_1506 = vector.shape_cast %get3A_1505 : vector<1x1x16xf32> to vector<16xf32>
          %mul3A_1507 = arith.mulf %get3A_1506, %gather3A_1437 : vector<16xf32>
          %swap3A_1508 = arith.index_cast %and3A_118 : i32 to index
          %swap3A_1509 = arith.index_cast %add3A_1441 : i32 to index
          %swap3A_1510 = arith.constant 80 : index
          %swap3A_1511 = tpu.vector_load %arg8[%swap3A_1508, %swap3A_1509, %swap3A_1510] {strides = array<i32>} : memref<2x80x128xf32, #tpu.memory_space<vmem>>, vector<1x1x16xf32>,
          %swap3A_1512 = vector.shape_cast %swap3A_1511 : vector<1x1x16xf32> to vector<16xf32>
          %swap3A_1513 = vector.shape_cast %mul3A_1507 : vector<16xf32> to vector<1x1x16xf32>
          tpu.vector_store %arg8[%swap3A_1508, %swap3A_1509, %swap3A_1510], %swap3A_1513 {strides = array<i32>} : memref<2x80x128xf32, #tpu.memory_space<vmem>>, vector<1x1x16xf32>,
          %get3A_1514 = arith.index_cast %and3A_118 : i32 to index
          %get3A_1515 = arith.index_cast %add3A_1441 : i32 to index
          %get3A_1516 = arith.constant 96 : index
          %get3A_1517 = tpu.vector_load %arg8[%get3A_1514, %get3A_1515, %get3A_1516] {strides = array<i32>} : memref<2x80x128xf32, #tpu.memory_space<vmem>>, vector<1x1x16xf32>,
          %get3A_1518 = vector.shape_cast %get3A_1517 : vector<1x1x16xf32> to vector<16xf32>
          %mul3A_1519 = arith.mulf %get3A_1518, %gather3A_1437 : vector<16xf32>
          %swap3A_1520 = arith.index_cast %and3A_118 : i32 to index
          %swap3A_1521 = arith.index_cast %add3A_1441 : i32 to index
          %swap3A_1522 = arith.constant 96 : index
          %swap3A_1523 = tpu.vector_load %arg8[%swap3A_1520, %swap3A_1521, %swap3A_1522] {strides = array<i32>} : memref<2x80x128xf32, #tpu.memory_space<vmem>>, vector<1x1x16xf32>,
          %swap3A_1524 = vector.shape_cast %swap3A_1523 : vector<1x1x16xf32> to vector<16xf32>
          %swap3A_1525 = vector.shape_cast %mul3A_1519 : vector<16xf32> to vector<1x1x16xf32>
          tpu.vector_store %arg8[%swap3A_1520, %swap3A_1521, %swap3A_1522], %swap3A_1525 {strides = array<i32>} : memref<2x80x128xf32, #tpu.memory_space<vmem>>, vector<1x1x16xf32>,
          %get3A_1526 = arith.index_cast %and3A_118 : i32 to index
          %get3A_1527 = arith.index_cast %add3A_1441 : i32 to index
          %get3A_1528 = arith.constant 112 : index
          %get3A_1529 = tpu.vector_load %arg8[%get3A_1526, %get3A_1527, %get3A_1528] {strides = array<i32>} : memref<2x80x128xf32, #tpu.memory_space<vmem>>, vector<1x1x16xf32>,
          %get3A_1530 = vector.shape_cast %get3A_1529 : vector<1x1x16xf32> to vector<16xf32>
          %mul3A_1531 = arith.mulf %get3A_1530, %gather3A_1437 : vector<16xf32>
          %swap3A_1532 = arith.index_cast %and3A_118 : i32 to index
          %swap3A_1533 = arith.index_cast %add3A_1441 : i32 to index
          %swap3A_1534 = arith.constant 112 : index
          %swap3A_1535 = tpu.vector_load %arg8[%swap3A_1532, %swap3A_1533, %swap3A_1534] {strides = array<i32>} : memref<2x80x128xf32, #tpu.memory_space<vmem>>, vector<1x1x16xf32>,
          %swap3A_1536 = vector.shape_cast %swap3A_1535 : vector<1x1x16xf32> to vector<16xf32>
          %swap3A_1537 = vector.shape_cast %mul3A_1531 : vector<16xf32> to vector<1x1x16xf32>
          tpu.vector_store %arg8[%swap3A_1532, %swap3A_1533, %swap3A_1534], %swap3A_1537 {strides = array<i32>} : memref<2x80x128xf32, #tpu.memory_space<vmem>>, vector<1x1x16xf32>,
          %add3A_1538 = arith.constant 13 : i32
          %add3A_1539 = vector.broadcast %add3A_1538 : i32 to vector<16xi32>
          %add3A_1540 = arith.addi %mul3A_47, %add3A_1539 : vector<16xi32>
          %reshape3A_1541 = vector.shape_cast %add3A_1540 : vector<16xi32> to vector<16x1xi32>
          %gather3A_1542 = vector.shape_cast %reshape3A_1541 : vector<16x1xi32> to vector<16xi32>
          %gather3A_1543 = tpu.dynamic_gather %get3A_162[%gather3A_1542] in [0] : vector<16xf32>, vector<16xi32> -> vector<16xf32>
          %mul3A_1544 = arith.constant 16 : i32
          %mul3A_1545 = arith.muli %scan3A_157, %mul3A_1544 : i32
          %add3A_1546 = arith.constant 13 : i32
          %add3A_1547 = arith.addi %mul3A_1545, %add3A_1546 : i32
          %get3A_1548 = arith.index_cast %and3A_118 : i32 to index
          %get3A_1549 = arith.index_cast %add3A_1547 : i32 to index
          %get3A_1550 = arith.constant 0 : index
          %get3A_1551 = tpu.vector_load %arg8[%get3A_1548, %get3A_1549, %get3A_1550] {strides = array<i32>} : memref<2x80x128xf32, #tpu.memory_space<vmem>>, vector<1x1x16xf32>,
          %get3A_1552 = vector.shape_cast %get3A_1551 : vector<1x1x16xf32> to vector<16xf32>
          %mul3A_1553 = arith.mulf %get3A_1552, %gather3A_1543 : vector<16xf32>
          %swap3A_1554 = arith.index_cast %and3A_118 : i32 to index
          %swap3A_1555 = arith.index_cast %add3A_1547 : i32 to index
          %swap3A_1556 = arith.constant 0 : index
          %swap3A_1557 = tpu.vector_load %arg8[%swap3A_1554, %swap3A_1555, %swap3A_1556] {strides = array<i32>} : memref<2x80x128xf32, #tpu.memory_space<vmem>>, vector<1x1x16xf32>,
          %swap3A_1558 = vector.shape_cast %swap3A_1557 : vector<1x1x16xf32> to vector<16xf32>
          %swap3A_1559 = vector.shape_cast %mul3A_1553 : vector<16xf32> to vector<1x1x16xf32>
          tpu.vector_store %arg8[%swap3A_1554, %swap3A_1555, %swap3A_1556], %swap3A_1559 {strides = array<i32>} : memref<2x80x128xf32, #tpu.memory_space<vmem>>, vector<1x1x16xf32>,
          %get3A_1560 = arith.index_cast %and3A_118 : i32 to index
          %get3A_1561 = arith.index_cast %add3A_1547 : i32 to index
          %get3A_1562 = arith.constant 16 : index
          %get3A_1563 = tpu.vector_load %arg8[%get3A_1560, %get3A_1561, %get3A_1562] {strides = array<i32>} : memref<2x80x128xf32, #tpu.memory_space<vmem>>, vector<1x1x16xf32>,
          %get3A_1564 = vector.shape_cast %get3A_1563 : vector<1x1x16xf32> to vector<16xf32>
          %mul3A_1565 = arith.mulf %get3A_1564, %gather3A_1543 : vector<16xf32>
          %swap3A_1566 = arith.index_cast %and3A_118 : i32 to index
          %swap3A_1567 = arith.index_cast %add3A_1547 : i32 to index
          %swap3A_1568 = arith.constant 16 : index
          %swap3A_1569 = tpu.vector_load %arg8[%swap3A_1566, %swap3A_1567, %swap3A_1568] {strides = array<i32>} : memref<2x80x128xf32, #tpu.memory_space<vmem>>, vector<1x1x16xf32>,
          %swap3A_1570 = vector.shape_cast %swap3A_1569 : vector<1x1x16xf32> to vector<16xf32>
          %swap3A_1571 = vector.shape_cast %mul3A_1565 : vector<16xf32> to vector<1x1x16xf32>
          tpu.vector_store %arg8[%swap3A_1566, %swap3A_1567, %swap3A_1568], %swap3A_1571 {strides = array<i32>} : memref<2x80x128xf32, #tpu.memory_space<vmem>>, vector<1x1x16xf32>,
          %get3A_1572 = arith.index_cast %and3A_118 : i32 to index
          %get3A_1573 = arith.index_cast %add3A_1547 : i32 to index
          %get3A_1574 = arith.constant 32 : index
          %get3A_1575 = tpu.vector_load %arg8[%get3A_1572, %get3A_1573, %get3A_1574] {strides = array<i32>} : memref<2x80x128xf32, #tpu.memory_space<vmem>>, vector<1x1x16xf32>,
          %get3A_1576 = vector.shape_cast %get3A_1575 : vector<1x1x16xf32> to vector<16xf32>
          %mul3A_1577 = arith.mulf %get3A_1576, %gather3A_1543 : vector<16xf32>
          %swap3A_1578 = arith.index_cast %and3A_118 : i32 to index
          %swap3A_1579 = arith.index_cast %add3A_1547 : i32 to index
          %swap3A_1580 = arith.constant 32 : index
          %swap3A_1581 = tpu.vector_load %arg8[%swap3A_1578, %swap3A_1579, %swap3A_1580] {strides = array<i32>} : memref<2x80x128xf32, #tpu.memory_space<vmem>>, vector<1x1x16xf32>,
          %swap3A_1582 = vector.shape_cast %swap3A_1581 : vector<1x1x16xf32> to vector<16xf32>
          %swap3A_1583 = vector.shape_cast %mul3A_1577 : vector<16xf32> to vector<1x1x16xf32>
          tpu.vector_store %arg8[%swap3A_1578, %swap3A_1579, %swap3A_1580], %swap3A_1583 {strides = array<i32>} : memref<2x80x128xf32, #tpu.memory_space<vmem>>, vector<1x1x16xf32>,
          %get3A_1584 = arith.index_cast %and3A_118 : i32 to index
          %get3A_1585 = arith.index_cast %add3A_1547 : i32 to index
          %get3A_1586 = arith.constant 48 : index
          %get3A_1587 = tpu.vector_load %arg8[%get3A_1584, %get3A_1585, %get3A_1586] {strides = array<i32>} : memref<2x80x128xf32, #tpu.memory_space<vmem>>, vector<1x1x16xf32>,
          %get3A_1588 = vector.shape_cast %get3A_1587 : vector<1x1x16xf32> to vector<16xf32>
          %mul3A_1589 = arith.mulf %get3A_1588, %gather3A_1543 : vector<16xf32>
          %swap3A_1590 = arith.index_cast %and3A_118 : i32 to index
          %swap3A_1591 = arith.index_cast %add3A_1547 : i32 to index
          %swap3A_1592 = arith.constant 48 : index
          %swap3A_1593 = tpu.vector_load %arg8[%swap3A_1590, %swap3A_1591, %swap3A_1592] {strides = array<i32>} : memref<2x80x128xf32, #tpu.memory_space<vmem>>, vector<1x1x16xf32>,
          %swap3A_1594 = vector.shape_cast %swap3A_1593 : vector<1x1x16xf32> to vector<16xf32>
          %swap3A_1595 = vector.shape_cast %mul3A_1589 : vector<16xf32> to vector<1x1x16xf32>
          tpu.vector_store %arg8[%swap3A_1590, %swap3A_1591, %swap3A_1592], %swap3A_1595 {strides = array<i32>} : memref<2x80x128xf32, #tpu.memory_space<vmem>>, vector<1x1x16xf32>,
          %get3A_1596 = arith.index_cast %and3A_118 : i32 to index
          %get3A_1597 = arith.index_cast %add3A_1547 : i32 to index
          %get3A_1598 = arith.constant 64 : index
          %get3A_1599 = tpu.vector_load %arg8[%get3A_1596, %get3A_1597, %get3A_1598] {strides = array<i32>} : memref<2x80x128xf32, #tpu.memory_space<vmem>>, vector<1x1x16xf32>,
          %get3A_1600 = vector.shape_cast %get3A_1599 : vector<1x1x16xf32> to vector<16xf32>
          %mul3A_1601 = arith.mulf %get3A_1600, %gather3A_1543 : vector<16xf32>
          %swap3A_1602 = arith.index_cast %and3A_118 : i32 to index
          %swap3A_1603 = arith.index_cast %add3A_1547 : i32 to index
          %swap3A_1604 = arith.constant 64 : index
          %swap3A_1605 = tpu.vector_load %arg8[%swap3A_1602, %swap3A_1603, %swap3A_1604] {strides = array<i32>} : memref<2x80x128xf32, #tpu.memory_space<vmem>>, vector<1x1x16xf32>,
          %swap3A_1606 = vector.shape_cast %swap3A_1605 : vector<1x1x16xf32> to vector<16xf32>
          %swap3A_1607 = vector.shape_cast %mul3A_1601 : vector<16xf32> to vector<1x1x16xf32>
          tpu.vector_store %arg8[%swap3A_1602, %swap3A_1603, %swap3A_1604], %swap3A_1607 {strides = array<i32>} : memref<2x80x128xf32, #tpu.memory_space<vmem>>, vector<1x1x16xf32>,
          %get3A_1608 = arith.index_cast %and3A_118 : i32 to index
          %get3A_1609 = arith.index_cast %add3A_1547 : i32 to index
          %get3A_1610 = arith.constant 80 : index
          %get3A_1611 = tpu.vector_load %arg8[%get3A_1608, %get3A_1609, %get3A_1610] {strides = array<i32>} : memref<2x80x128xf32, #tpu.memory_space<vmem>>, vector<1x1x16xf32>,
          %get3A_1612 = vector.shape_cast %get3A_1611 : vector<1x1x16xf32> to vector<16xf32>
          %mul3A_1613 = arith.mulf %get3A_1612, %gather3A_1543 : vector<16xf32>
          %swap3A_1614 = arith.index_cast %and3A_118 : i32 to index
          %swap3A_1615 = arith.index_cast %add3A_1547 : i32 to index
          %swap3A_1616 = arith.constant 80 : index
          %swap3A_1617 = tpu.vector_load %arg8[%swap3A_1614, %swap3A_1615, %swap3A_1616] {strides = array<i32>} : memref<2x80x128xf32, #tpu.memory_space<vmem>>, vector<1x1x16xf32>,
          %swap3A_1618 = vector.shape_cast %swap3A_1617 : vector<1x1x16xf32> to vector<16xf32>
          %swap3A_1619 = vector.shape_cast %mul3A_1613 : vector<16xf32> to vector<1x1x16xf32>
          tpu.vector_store %arg8[%swap3A_1614, %swap3A_1615, %swap3A_1616], %swap3A_1619 {strides = array<i32>} : memref<2x80x128xf32, #tpu.memory_space<vmem>>, vector<1x1x16xf32>,
          %get3A_1620 = arith.index_cast %and3A_118 : i32 to index
          %get3A_1621 = arith.index_cast %add3A_1547 : i32 to index
          %get3A_1622 = arith.constant 96 : index
          %get3A_1623 = tpu.vector_load %arg8[%get3A_1620, %get3A_1621, %get3A_1622] {strides = array<i32>} : memref<2x80x128xf32, #tpu.memory_space<vmem>>, vector<1x1x16xf32>,
          %get3A_1624 = vector.shape_cast %get3A_1623 : vector<1x1x16xf32> to vector<16xf32>
          %mul3A_1625 = arith.mulf %get3A_1624, %gather3A_1543 : vector<16xf32>
          %swap3A_1626 = arith.index_cast %and3A_118 : i32 to index
          %swap3A_1627 = arith.index_cast %add3A_1547 : i32 to index
          %swap3A_1628 = arith.constant 96 : index
          %swap3A_1629 = tpu.vector_load %arg8[%swap3A_1626, %swap3A_1627, %swap3A_1628] {strides = array<i32>} : memref<2x80x128xf32, #tpu.memory_space<vmem>>, vector<1x1x16xf32>,
          %swap3A_1630 = vector.shape_cast %swap3A_1629 : vector<1x1x16xf32> to vector<16xf32>
          %swap3A_1631 = vector.shape_cast %mul3A_1625 : vector<16xf32> to vector<1x1x16xf32>
          tpu.vector_store %arg8[%swap3A_1626, %swap3A_1627, %swap3A_1628], %swap3A_1631 {strides = array<i32>} : memref<2x80x128xf32, #tpu.memory_space<vmem>>, vector<1x1x16xf32>,
          %get3A_1632 = arith.index_cast %and3A_118 : i32 to index
          %get3A_1633 = arith.index_cast %add3A_1547 : i32 to index
          %get3A_1634 = arith.constant 112 : index
          %get3A_1635 = tpu.vector_load %arg8[%get3A_1632, %get3A_1633, %get3A_1634] {strides = array<i32>} : memref<2x80x128xf32, #tpu.memory_space<vmem>>, vector<1x1x16xf32>,
          %get3A_1636 = vector.shape_cast %get3A_1635 : vector<1x1x16xf32> to vector<16xf32>
          %mul3A_1637 = arith.mulf %get3A_1636, %gather3A_1543 : vector<16xf32>
          %swap3A_1638 = arith.index_cast %and3A_118 : i32 to index
          %swap3A_1639 = arith.index_cast %add3A_1547 : i32 to index
          %swap3A_1640 = arith.constant 112 : index
          %swap3A_1641 = tpu.vector_load %arg8[%swap3A_1638, %swap3A_1639, %swap3A_1640] {strides = array<i32>} : memref<2x80x128xf32, #tpu.memory_space<vmem>>, vector<1x1x16xf32>,
          %swap3A_1642 = vector.shape_cast %swap3A_1641 : vector<1x1x16xf32> to vector<16xf32>
          %swap3A_1643 = vector.shape_cast %mul3A_1637 : vector<16xf32> to vector<1x1x16xf32>
          tpu.vector_store %arg8[%swap3A_1638, %swap3A_1639, %swap3A_1640], %swap3A_1643 {strides = array<i32>} : memref<2x80x128xf32, #tpu.memory_space<vmem>>, vector<1x1x16xf32>,
          %add3A_1644 = arith.constant 14 : i32
          %add3A_1645 = vector.broadcast %add3A_1644 : i32 to vector<16xi32>
          %add3A_1646 = arith.addi %mul3A_47, %add3A_1645 : vector<16xi32>
          %reshape3A_1647 = vector.shape_cast %add3A_1646 : vector<16xi32> to vector<16x1xi32>
          %gather3A_1648 = vector.shape_cast %reshape3A_1647 : vector<16x1xi32> to vector<16xi32>
          %gather3A_1649 = tpu.dynamic_gather %get3A_162[%gather3A_1648] in [0] : vector<16xf32>, vector<16xi32> -> vector<16xf32>
          %mul3A_1650 = arith.constant 16 : i32
          %mul3A_1651 = arith.muli %scan3A_157, %mul3A_1650 : i32
          %add3A_1652 = arith.constant 14 : i32
          %add3A_1653 = arith.addi %mul3A_1651, %add3A_1652 : i32
          %get3A_1654 = arith.index_cast %and3A_118 : i32 to index
          %get3A_1655 = arith.index_cast %add3A_1653 : i32 to index
          %get3A_1656 = arith.constant 0 : index
          %get3A_1657 = tpu.vector_load %arg8[%get3A_1654, %get3A_1655, %get3A_1656] {strides = array<i32>} : memref<2x80x128xf32, #tpu.memory_space<vmem>>, vector<1x1x16xf32>,
          %get3A_1658 = vector.shape_cast %get3A_1657 : vector<1x1x16xf32> to vector<16xf32>
          %mul3A_1659 = arith.mulf %get3A_1658, %gather3A_1649 : vector<16xf32>
          %swap3A_1660 = arith.index_cast %and3A_118 : i32 to index
          %swap3A_1661 = arith.index_cast %add3A_1653 : i32 to index
          %swap3A_1662 = arith.constant 0 : index
          %swap3A_1663 = tpu.vector_load %arg8[%swap3A_1660, %swap3A_1661, %swap3A_1662] {strides = array<i32>} : memref<2x80x128xf32, #tpu.memory_space<vmem>>, vector<1x1x16xf32>,
          %swap3A_1664 = vector.shape_cast %swap3A_1663 : vector<1x1x16xf32> to vector<16xf32>
          %swap3A_1665 = vector.shape_cast %mul3A_1659 : vector<16xf32> to vector<1x1x16xf32>
          tpu.vector_store %arg8[%swap3A_1660, %swap3A_1661, %swap3A_1662], %swap3A_1665 {strides = array<i32>} : memref<2x80x128xf32, #tpu.memory_space<vmem>>, vector<1x1x16xf32>,
          %get3A_1666 = arith.index_cast %and3A_118 : i32 to index
          %get3A_1667 = arith.index_cast %add3A_1653 : i32 to index
          %get3A_1668 = arith.constant 16 : index
          %get3A_1669 = tpu.vector_load %arg8[%get3A_1666, %get3A_1667, %get3A_1668] {strides = array<i32>} : memref<2x80x128xf32, #tpu.memory_space<vmem>>, vector<1x1x16xf32>,
          %get3A_1670 = vector.shape_cast %get3A_1669 : vector<1x1x16xf32> to vector<16xf32>
          %mul3A_1671 = arith.mulf %get3A_1670, %gather3A_1649 : vector<16xf32>
          %swap3A_1672 = arith.index_cast %and3A_118 : i32 to index
          %swap3A_1673 = arith.index_cast %add3A_1653 : i32 to index
          %swap3A_1674 = arith.constant 16 : index
          %swap3A_1675 = tpu.vector_load %arg8[%swap3A_1672, %swap3A_1673, %swap3A_1674] {strides = array<i32>} : memref<2x80x128xf32, #tpu.memory_space<vmem>>, vector<1x1x16xf32>,
          %swap3A_1676 = vector.shape_cast %swap3A_1675 : vector<1x1x16xf32> to vector<16xf32>
          %swap3A_1677 = vector.shape_cast %mul3A_1671 : vector<16xf32> to vector<1x1x16xf32>
          tpu.vector_store %arg8[%swap3A_1672, %swap3A_1673, %swap3A_1674], %swap3A_1677 {strides = array<i32>} : memref<2x80x128xf32, #tpu.memory_space<vmem>>, vector<1x1x16xf32>,
          %get3A_1678 = arith.index_cast %and3A_118 : i32 to index
          %get3A_1679 = arith.index_cast %add3A_1653 : i32 to index
          %get3A_1680 = arith.constant 32 : index
          %get3A_1681 = tpu.vector_load %arg8[%get3A_1678, %get3A_1679, %get3A_1680] {strides = array<i32>} : memref<2x80x128xf32, #tpu.memory_space<vmem>>, vector<1x1x16xf32>,
          %get3A_1682 = vector.shape_cast %get3A_1681 : vector<1x1x16xf32> to vector<16xf32>
          %mul3A_1683 = arith.mulf %get3A_1682, %gather3A_1649 : vector<16xf32>
          %swap3A_1684 = arith.index_cast %and3A_118 : i32 to index
          %swap3A_1685 = arith.index_cast %add3A_1653 : i32 to index
          %swap3A_1686 = arith.constant 32 : index
          %swap3A_1687 = tpu.vector_load %arg8[%swap3A_1684, %swap3A_1685, %swap3A_1686] {strides = array<i32>} : memref<2x80x128xf32, #tpu.memory_space<vmem>>, vector<1x1x16xf32>,
          %swap3A_1688 = vector.shape_cast %swap3A_1687 : vector<1x1x16xf32> to vector<16xf32>
          %swap3A_1689 = vector.shape_cast %mul3A_1683 : vector<16xf32> to vector<1x1x16xf32>
          tpu.vector_store %arg8[%swap3A_1684, %swap3A_1685, %swap3A_1686], %swap3A_1689 {strides = array<i32>} : memref<2x80x128xf32, #tpu.memory_space<vmem>>, vector<1x1x16xf32>,
          %get3A_1690 = arith.index_cast %and3A_118 : i32 to index
          %get3A_1691 = arith.index_cast %add3A_1653 : i32 to index
          %get3A_1692 = arith.constant 48 : index
          %get3A_1693 = tpu.vector_load %arg8[%get3A_1690, %get3A_1691, %get3A_1692] {strides = array<i32>} : memref<2x80x128xf32, #tpu.memory_space<vmem>>, vector<1x1x16xf32>,
          %get3A_1694 = vector.shape_cast %get3A_1693 : vector<1x1x16xf32> to vector<16xf32>
          %mul3A_1695 = arith.mulf %get3A_1694, %gather3A_1649 : vector<16xf32>
          %swap3A_1696 = arith.index_cast %and3A_118 : i32 to index
          %swap3A_1697 = arith.index_cast %add3A_1653 : i32 to index
          %swap3A_1698 = arith.constant 48 : index
          %swap3A_1699 = tpu.vector_load %arg8[%swap3A_1696, %swap3A_1697, %swap3A_1698] {strides = array<i32>} : memref<2x80x128xf32, #tpu.memory_space<vmem>>, vector<1x1x16xf32>,
          %swap3A_1700 = vector.shape_cast %swap3A_1699 : vector<1x1x16xf32> to vector<16xf32>
          %swap3A_1701 = vector.shape_cast %mul3A_1695 : vector<16xf32> to vector<1x1x16xf32>
          tpu.vector_store %arg8[%swap3A_1696, %swap3A_1697, %swap3A_1698], %swap3A_1701 {strides = array<i32>} : memref<2x80x128xf32, #tpu.memory_space<vmem>>, vector<1x1x16xf32>,
          %get3A_1702 = arith.index_cast %and3A_118 : i32 to index
          %get3A_1703 = arith.index_cast %add3A_1653 : i32 to index
          %get3A_1704 = arith.constant 64 : index
          %get3A_1705 = tpu.vector_load %arg8[%get3A_1702, %get3A_1703, %get3A_1704] {strides = array<i32>} : memref<2x80x128xf32, #tpu.memory_space<vmem>>, vector<1x1x16xf32>,
          %get3A_1706 = vector.shape_cast %get3A_1705 : vector<1x1x16xf32> to vector<16xf32>
          %mul3A_1707 = arith.mulf %get3A_1706, %gather3A_1649 : vector<16xf32>
          %swap3A_1708 = arith.index_cast %and3A_118 : i32 to index
          %swap3A_1709 = arith.index_cast %add3A_1653 : i32 to index
          %swap3A_1710 = arith.constant 64 : index
          %swap3A_1711 = tpu.vector_load %arg8[%swap3A_1708, %swap3A_1709, %swap3A_1710] {strides = array<i32>} : memref<2x80x128xf32, #tpu.memory_space<vmem>>, vector<1x1x16xf32>,
          %swap3A_1712 = vector.shape_cast %swap3A_1711 : vector<1x1x16xf32> to vector<16xf32>
          %swap3A_1713 = vector.shape_cast %mul3A_1707 : vector<16xf32> to vector<1x1x16xf32>
          tpu.vector_store %arg8[%swap3A_1708, %swap3A_1709, %swap3A_1710], %swap3A_1713 {strides = array<i32>} : memref<2x80x128xf32, #tpu.memory_space<vmem>>, vector<1x1x16xf32>,
          %get3A_1714 = arith.index_cast %and3A_118 : i32 to index
          %get3A_1715 = arith.index_cast %add3A_1653 : i32 to index
          %get3A_1716 = arith.constant 80 : index
          %get3A_1717 = tpu.vector_load %arg8[%get3A_1714, %get3A_1715, %get3A_1716] {strides = array<i32>} : memref<2x80x128xf32, #tpu.memory_space<vmem>>, vector<1x1x16xf32>,
          %get3A_1718 = vector.shape_cast %get3A_1717 : vector<1x1x16xf32> to vector<16xf32>
          %mul3A_1719 = arith.mulf %get3A_1718, %gather3A_1649 : vector<16xf32>
          %swap3A_1720 = arith.index_cast %and3A_118 : i32 to index
          %swap3A_1721 = arith.index_cast %add3A_1653 : i32 to index
          %swap3A_1722 = arith.constant 80 : index
          %swap3A_1723 = tpu.vector_load %arg8[%swap3A_1720, %swap3A_1721, %swap3A_1722] {strides = array<i32>} : memref<2x80x128xf32, #tpu.memory_space<vmem>>, vector<1x1x16xf32>,
          %swap3A_1724 = vector.shape_cast %swap3A_1723 : vector<1x1x16xf32> to vector<16xf32>
          %swap3A_1725 = vector.shape_cast %mul3A_1719 : vector<16xf32> to vector<1x1x16xf32>
          tpu.vector_store %arg8[%swap3A_1720, %swap3A_1721, %swap3A_1722], %swap3A_1725 {strides = array<i32>} : memref<2x80x128xf32, #tpu.memory_space<vmem>>, vector<1x1x16xf32>,
          %get3A_1726 = arith.index_cast %and3A_118 : i32 to index
          %get3A_1727 = arith.index_cast %add3A_1653 : i32 to index
          %get3A_1728 = arith.constant 96 : index
          %get3A_1729 = tpu.vector_load %arg8[%get3A_1726, %get3A_1727, %get3A_1728] {strides = array<i32>} : memref<2x80x128xf32, #tpu.memory_space<vmem>>, vector<1x1x16xf32>,
          %get3A_1730 = vector.shape_cast %get3A_1729 : vector<1x1x16xf32> to vector<16xf32>
          %mul3A_1731 = arith.mulf %get3A_1730, %gather3A_1649 : vector<16xf32>
          %swap3A_1732 = arith.index_cast %and3A_118 : i32 to index
          %swap3A_1733 = arith.index_cast %add3A_1653 : i32 to index
          %swap3A_1734 = arith.constant 96 : index
          %swap3A_1735 = tpu.vector_load %arg8[%swap3A_1732, %swap3A_1733, %swap3A_1734] {strides = array<i32>} : memref<2x80x128xf32, #tpu.memory_space<vmem>>, vector<1x1x16xf32>,
          %swap3A_1736 = vector.shape_cast %swap3A_1735 : vector<1x1x16xf32> to vector<16xf32>
          %swap3A_1737 = vector.shape_cast %mul3A_1731 : vector<16xf32> to vector<1x1x16xf32>
          tpu.vector_store %arg8[%swap3A_1732, %swap3A_1733, %swap3A_1734], %swap3A_1737 {strides = array<i32>} : memref<2x80x128xf32, #tpu.memory_space<vmem>>, vector<1x1x16xf32>,
          %get3A_1738 = arith.index_cast %and3A_118 : i32 to index
          %get3A_1739 = arith.index_cast %add3A_1653 : i32 to index
          %get3A_1740 = arith.constant 112 : index
          %get3A_1741 = tpu.vector_load %arg8[%get3A_1738, %get3A_1739, %get3A_1740] {strides = array<i32>} : memref<2x80x128xf32, #tpu.memory_space<vmem>>, vector<1x1x16xf32>,
          %get3A_1742 = vector.shape_cast %get3A_1741 : vector<1x1x16xf32> to vector<16xf32>
          %mul3A_1743 = arith.mulf %get3A_1742, %gather3A_1649 : vector<16xf32>
          %swap3A_1744 = arith.index_cast %and3A_118 : i32 to index
          %swap3A_1745 = arith.index_cast %add3A_1653 : i32 to index
          %swap3A_1746 = arith.constant 112 : index
          %swap3A_1747 = tpu.vector_load %arg8[%swap3A_1744, %swap3A_1745, %swap3A_1746] {strides = array<i32>} : memref<2x80x128xf32, #tpu.memory_space<vmem>>, vector<1x1x16xf32>,
          %swap3A_1748 = vector.shape_cast %swap3A_1747 : vector<1x1x16xf32> to vector<16xf32>
          %swap3A_1749 = vector.shape_cast %mul3A_1743 : vector<16xf32> to vector<1x1x16xf32>
          tpu.vector_store %arg8[%swap3A_1744, %swap3A_1745, %swap3A_1746], %swap3A_1749 {strides = array<i32>} : memref<2x80x128xf32, #tpu.memory_space<vmem>>, vector<1x1x16xf32>,
          %add3A_1750 = arith.constant 15 : i32
          %add3A_1751 = vector.broadcast %add3A_1750 : i32 to vector<16xi32>
          %add3A_1752 = arith.addi %mul3A_47, %add3A_1751 : vector<16xi32>
          %reshape3A_1753 = vector.shape_cast %add3A_1752 : vector<16xi32> to vector<16x1xi32>
          %gather3A_1754 = vector.shape_cast %reshape3A_1753 : vector<16x1xi32> to vector<16xi32>
          %gather3A_1755 = tpu.dynamic_gather %get3A_162[%gather3A_1754] in [0] : vector<16xf32>, vector<16xi32> -> vector<16xf32>
          %mul3A_1756 = arith.constant 16 : i32
          %mul3A_1757 = arith.muli %scan3A_157, %mul3A_1756 : i32
          %add3A_1758 = arith.constant 15 : i32
          %add3A_1759 = arith.addi %mul3A_1757, %add3A_1758 : i32
          %get3A_1760 = arith.index_cast %and3A_118 : i32 to index
          %get3A_1761 = arith.index_cast %add3A_1759 : i32 to index
          %get3A_1762 = arith.constant 0 : index
          %get3A_1763 = tpu.vector_load %arg8[%get3A_1760, %get3A_1761, %get3A_1762] {strides = array<i32>} : memref<2x80x128xf32, #tpu.memory_space<vmem>>, vector<1x1x16xf32>,
          %get3A_1764 = vector.shape_cast %get3A_1763 : vector<1x1x16xf32> to vector<16xf32>
          %mul3A_1765 = arith.mulf %get3A_1764, %gather3A_1755 : vector<16xf32>
          %swap3A_1766 = arith.index_cast %and3A_118 : i32 to index
          %swap3A_1767 = arith.index_cast %add3A_1759 : i32 to index
          %swap3A_1768 = arith.constant 0 : index
          %swap3A_1769 = tpu.vector_load %arg8[%swap3A_1766, %swap3A_1767, %swap3A_1768] {strides = array<i32>} : memref<2x80x128xf32, #tpu.memory_space<vmem>>, vector<1x1x16xf32>,
          %swap3A_1770 = vector.shape_cast %swap3A_1769 : vector<1x1x16xf32> to vector<16xf32>
          %swap3A_1771 = vector.shape_cast %mul3A_1765 : vector<16xf32> to vector<1x1x16xf32>
          tpu.vector_store %arg8[%swap3A_1766, %swap3A_1767, %swap3A_1768], %swap3A_1771 {strides = array<i32>} : memref<2x80x128xf32, #tpu.memory_space<vmem>>, vector<1x1x16xf32>,
          %get3A_1772 = arith.index_cast %and3A_118 : i32 to index
          %get3A_1773 = arith.index_cast %add3A_1759 : i32 to index
          %get3A_1774 = arith.constant 16 : index
          %get3A_1775 = tpu.vector_load %arg8[%get3A_1772, %get3A_1773, %get3A_1774] {strides = array<i32>} : memref<2x80x128xf32, #tpu.memory_space<vmem>>, vector<1x1x16xf32>,
          %get3A_1776 = vector.shape_cast %get3A_1775 : vector<1x1x16xf32> to vector<16xf32>
          %mul3A_1777 = arith.mulf %get3A_1776, %gather3A_1755 : vector<16xf32>
          %swap3A_1778 = arith.index_cast %and3A_118 : i32 to index
          %swap3A_1779 = arith.index_cast %add3A_1759 : i32 to index
          %swap3A_1780 = arith.constant 16 : index
          %swap3A_1781 = tpu.vector_load %arg8[%swap3A_1778, %swap3A_1779, %swap3A_1780] {strides = array<i32>} : memref<2x80x128xf32, #tpu.memory_space<vmem>>, vector<1x1x16xf32>,
          %swap3A_1782 = vector.shape_cast %swap3A_1781 : vector<1x1x16xf32> to vector<16xf32>
          %swap3A_1783 = vector.shape_cast %mul3A_1777 : vector<16xf32> to vector<1x1x16xf32>
          tpu.vector_store %arg8[%swap3A_1778, %swap3A_1779, %swap3A_1780], %swap3A_1783 {strides = array<i32>} : memref<2x80x128xf32, #tpu.memory_space<vmem>>, vector<1x1x16xf32>,
          %get3A_1784 = arith.index_cast %and3A_118 : i32 to index
          %get3A_1785 = arith.index_cast %add3A_1759 : i32 to index
          %get3A_1786 = arith.constant 32 : index
          %get3A_1787 = tpu.vector_load %arg8[%get3A_1784, %get3A_1785, %get3A_1786] {strides = array<i32>} : memref<2x80x128xf32, #tpu.memory_space<vmem>>, vector<1x1x16xf32>,
          %get3A_1788 = vector.shape_cast %get3A_1787 : vector<1x1x16xf32> to vector<16xf32>
          %mul3A_1789 = arith.mulf %get3A_1788, %gather3A_1755 : vector<16xf32>
          %swap3A_1790 = arith.index_cast %and3A_118 : i32 to index
          %swap3A_1791 = arith.index_cast %add3A_1759 : i32 to index
          %swap3A_1792 = arith.constant 32 : index
          %swap3A_1793 = tpu.vector_load %arg8[%swap3A_1790, %swap3A_1791, %swap3A_1792] {strides = array<i32>} : memref<2x80x128xf32, #tpu.memory_space<vmem>>, vector<1x1x16xf32>,
          %swap3A_1794 = vector.shape_cast %swap3A_1793 : vector<1x1x16xf32> to vector<16xf32>
          %swap3A_1795 = vector.shape_cast %mul3A_1789 : vector<16xf32> to vector<1x1x16xf32>
          tpu.vector_store %arg8[%swap3A_1790, %swap3A_1791, %swap3A_1792], %swap3A_1795 {strides = array<i32>} : memref<2x80x128xf32, #tpu.memory_space<vmem>>, vector<1x1x16xf32>,
          %get3A_1796 = arith.index_cast %and3A_118 : i32 to index
          %get3A_1797 = arith.index_cast %add3A_1759 : i32 to index
          %get3A_1798 = arith.constant 48 : index
          %get3A_1799 = tpu.vector_load %arg8[%get3A_1796, %get3A_1797, %get3A_1798] {strides = array<i32>} : memref<2x80x128xf32, #tpu.memory_space<vmem>>, vector<1x1x16xf32>,
          %get3A_1800 = vector.shape_cast %get3A_1799 : vector<1x1x16xf32> to vector<16xf32>
          %mul3A_1801 = arith.mulf %get3A_1800, %gather3A_1755 : vector<16xf32>
          %swap3A_1802 = arith.index_cast %and3A_118 : i32 to index
          %swap3A_1803 = arith.index_cast %add3A_1759 : i32 to index
          %swap3A_1804 = arith.constant 48 : index
          %swap3A_1805 = tpu.vector_load %arg8[%swap3A_1802, %swap3A_1803, %swap3A_1804] {strides = array<i32>} : memref<2x80x128xf32, #tpu.memory_space<vmem>>, vector<1x1x16xf32>,
          %swap3A_1806 = vector.shape_cast %swap3A_1805 : vector<1x1x16xf32> to vector<16xf32>
          %swap3A_1807 = vector.shape_cast %mul3A_1801 : vector<16xf32> to vector<1x1x16xf32>
          tpu.vector_store %arg8[%swap3A_1802, %swap3A_1803, %swap3A_1804], %swap3A_1807 {strides = array<i32>} : memref<2x80x128xf32, #tpu.memory_space<vmem>>, vector<1x1x16xf32>,
          %get3A_1808 = arith.index_cast %and3A_118 : i32 to index
          %get3A_1809 = arith.index_cast %add3A_1759 : i32 to index
          %get3A_1810 = arith.constant 64 : index
          %get3A_1811 = tpu.vector_load %arg8[%get3A_1808, %get3A_1809, %get3A_1810] {strides = array<i32>} : memref<2x80x128xf32, #tpu.memory_space<vmem>>, vector<1x1x16xf32>,
          %get3A_1812 = vector.shape_cast %get3A_1811 : vector<1x1x16xf32> to vector<16xf32>
          %mul3A_1813 = arith.mulf %get3A_1812, %gather3A_1755 : vector<16xf32>
          %swap3A_1814 = arith.index_cast %and3A_118 : i32 to index
          %swap3A_1815 = arith.index_cast %add3A_1759 : i32 to index
          %swap3A_1816 = arith.constant 64 : index
          %swap3A_1817 = tpu.vector_load %arg8[%swap3A_1814, %swap3A_1815, %swap3A_1816] {strides = array<i32>} : memref<2x80x128xf32, #tpu.memory_space<vmem>>, vector<1x1x16xf32>,
          %swap3A_1818 = vector.shape_cast %swap3A_1817 : vector<1x1x16xf32> to vector<16xf32>
          %swap3A_1819 = vector.shape_cast %mul3A_1813 : vector<16xf32> to vector<1x1x16xf32>
          tpu.vector_store %arg8[%swap3A_1814, %swap3A_1815, %swap3A_1816], %swap3A_1819 {strides = array<i32>} : memref<2x80x128xf32, #tpu.memory_space<vmem>>, vector<1x1x16xf32>,
          %get3A_1820 = arith.index_cast %and3A_118 : i32 to index
          %get3A_1821 = arith.index_cast %add3A_1759 : i32 to index
          %get3A_1822 = arith.constant 80 : index
          %get3A_1823 = tpu.vector_load %arg8[%get3A_1820, %get3A_1821, %get3A_1822] {strides = array<i32>} : memref<2x80x128xf32, #tpu.memory_space<vmem>>, vector<1x1x16xf32>,
          %get3A_1824 = vector.shape_cast %get3A_1823 : vector<1x1x16xf32> to vector<16xf32>
          %mul3A_1825 = arith.mulf %get3A_1824, %gather3A_1755 : vector<16xf32>
          %swap3A_1826 = arith.index_cast %and3A_118 : i32 to index
          %swap3A_1827 = arith.index_cast %add3A_1759 : i32 to index
          %swap3A_1828 = arith.constant 80 : index
          %swap3A_1829 = tpu.vector_load %arg8[%swap3A_1826, %swap3A_1827, %swap3A_1828] {strides = array<i32>} : memref<2x80x128xf32, #tpu.memory_space<vmem>>, vector<1x1x16xf32>,
          %swap3A_1830 = vector.shape_cast %swap3A_1829 : vector<1x1x16xf32> to vector<16xf32>
          %swap3A_1831 = vector.shape_cast %mul3A_1825 : vector<16xf32> to vector<1x1x16xf32>
          tpu.vector_store %arg8[%swap3A_1826, %swap3A_1827, %swap3A_1828], %swap3A_1831 {strides = array<i32>} : memref<2x80x128xf32, #tpu.memory_space<vmem>>, vector<1x1x16xf32>,
          %get3A_1832 = arith.index_cast %and3A_118 : i32 to index
          %get3A_1833 = arith.index_cast %add3A_1759 : i32 to index
          %get3A_1834 = arith.constant 96 : index
          %get3A_1835 = tpu.vector_load %arg8[%get3A_1832, %get3A_1833, %get3A_1834] {strides = array<i32>} : memref<2x80x128xf32, #tpu.memory_space<vmem>>, vector<1x1x16xf32>,
          %get3A_1836 = vector.shape_cast %get3A_1835 : vector<1x1x16xf32> to vector<16xf32>
          %mul3A_1837 = arith.mulf %get3A_1836, %gather3A_1755 : vector<16xf32>
          %swap3A_1838 = arith.index_cast %and3A_118 : i32 to index
          %swap3A_1839 = arith.index_cast %add3A_1759 : i32 to index
          %swap3A_1840 = arith.constant 96 : index
          %swap3A_1841 = tpu.vector_load %arg8[%swap3A_1838, %swap3A_1839, %swap3A_1840] {strides = array<i32>} : memref<2x80x128xf32, #tpu.memory_space<vmem>>, vector<1x1x16xf32>,
          %swap3A_1842 = vector.shape_cast %swap3A_1841 : vector<1x1x16xf32> to vector<16xf32>
          %swap3A_1843 = vector.shape_cast %mul3A_1837 : vector<16xf32> to vector<1x1x16xf32>
          tpu.vector_store %arg8[%swap3A_1838, %swap3A_1839, %swap3A_1840], %swap3A_1843 {strides = array<i32>} : memref<2x80x128xf32, #tpu.memory_space<vmem>>, vector<1x1x16xf32>,
          %get3A_1844 = arith.index_cast %and3A_118 : i32 to index
          %get3A_1845 = arith.index_cast %add3A_1759 : i32 to index
          %get3A_1846 = arith.constant 112 : index
          %get3A_1847 = tpu.vector_load %arg8[%get3A_1844, %get3A_1845, %get3A_1846] {strides = array<i32>} : memref<2x80x128xf32, #tpu.memory_space<vmem>>, vector<1x1x16xf32>,
          %get3A_1848 = vector.shape_cast %get3A_1847 : vector<1x1x16xf32> to vector<16xf32>
          %mul3A_1849 = arith.mulf %get3A_1848, %gather3A_1755 : vector<16xf32>
          %swap3A_1850 = arith.index_cast %and3A_118 : i32 to index
          %swap3A_1851 = arith.index_cast %add3A_1759 : i32 to index
          %swap3A_1852 = arith.constant 112 : index
          %swap3A_1853 = tpu.vector_load %arg8[%swap3A_1850, %swap3A_1851, %swap3A_1852] {strides = array<i32>} : memref<2x80x128xf32, #tpu.memory_space<vmem>>, vector<1x1x16xf32>,
          %swap3A_1854 = vector.shape_cast %swap3A_1853 : vector<1x1x16xf32> to vector<16xf32>
          %swap3A_1855 = vector.shape_cast %mul3A_1849 : vector<16xf32> to vector<1x1x16xf32>
          tpu.vector_store %arg8[%swap3A_1850, %swap3A_1851, %swap3A_1852], %swap3A_1855 {strides = array<i32>} : memref<2x80x128xf32, #tpu.memory_space<vmem>>, vector<1x1x16xf32>,
        }
        %scan3A_143 = arith.constant 5 : i32
        %dma_start3A_144 = arith.constant 1 : i32
        %dma_start3A_145 = arith.constant 0 : i32
        %dma_start3A_146 = arith.constant 0 : i32
        %dma_start3A_147 = tpu.memref_slice %arg8[%and3A_118, %dma_start3A_145, %dma_start3A_146] : memref<2x80x128xf32, #tpu.memory_space<vmem>> -> memref<1x80x128xf32, #tpu.memory_space<vmem>>
        %dma_start3A_148 = tpu.memref_squeeze %dma_start3A_147 : memref<1x80x128xf32, #tpu.memory_space<vmem>> -> memref<80x128xf32, #tpu.memory_space<vmem>>
        %dma_start3A_149 = arith.constant 0 : i32
        %dma_start3A_150 = tpu.memref_slice %arg6[%dma_start3A_144, %scan3A_117, %dma_start3A_149] : memref<2x16x80xi32, #tpu.memory_space<vmem>> -> memref<1x1x80xi32, #tpu.memory_space<vmem>>
        %dma_start3A_151 = tpu.memref_squeeze %dma_start3A_150 : memref<1x1x80xi32, #tpu.memory_space<vmem>> -> memref<80xi32, #tpu.memory_space<vmem>>
        %dma_start3A_152 = arith.constant 0 : i32
        %dma_start3A_153 = arith.constant 0 : i32
        %dma_start3A_154 = tpu.memref_slice %arg9[%dma_start3A_152, %dma_start3A_153] : memref<10000x128xf32, #tpu.memory_space<vmem_shared>> -> memref<10000x128xf32, #tpu.memory_space<vmem_shared>>
        %dma_start3A_155 = tpu.memref_slice %arg11[%and3A_118] : memref<2x!tpu.dma_semaphore, #tpu.memory_space<semaphore_mem>> -> memref<1x!tpu.dma_semaphore, #tpu.memory_space<semaphore_mem>>
        %dma_start3A_156 = tpu.memref_squeeze %dma_start3A_155 : memref<1x!tpu.dma_semaphore, #tpu.memory_space<semaphore_mem>> -> memref<!tpu.dma_semaphore, #tpu.memory_space<semaphore_mem>>
        tpu.enqueue_indirect_dma source(%dma_start3A_148 : memref<80x128xf32, #tpu.memory_space<vmem>>) target(%dma_start3A_154 : memref<10000x128xf32, #tpu.memory_space<vmem_shared>>) offsets(%dma_start3A_151 : memref<80xi32, #tpu.memory_space<vmem>>) semaphore(%dma_start3A_156 : memref<!tpu.dma_semaphore, #tpu.memory_space<semaphore_mem>>) {add = true}
      }
      %scan3A_85 = arith.constant 16 : i32
      %dma_wait3A = arith.constant 0 : i32
      %dma_wait3A_86 = arith.constant 1 : i32
      %dma_wait3A_87 = arith.constant 14 : i32
      %dma_wait3A_88 = arith.constant 0 : i32
      %dma_wait3A_89 = arith.constant 0 : i32
      %dma_wait3A_90 = arith.constant 0 : i32
      %dma_wait3A_91 = tpu.memref_slice %arg8[%dma_wait3A, %dma_wait3A_89, %dma_wait3A_90] : memref<2x80x128xf32, #tpu.memory_space<vmem>> -> memref<1x80x128xf32, #tpu.memory_space<vmem>>
      %dma_wait3A_92 = tpu.memref_squeeze %dma_wait3A_91 : memref<1x80x128xf32, #tpu.memory_space<vmem>> -> memref<80x128xf32, #tpu.memory_space<vmem>>
      %dma_wait3A_93 = arith.constant 0 : i32
      %dma_wait3A_94 = tpu.memref_slice %arg6[%dma_wait3A_86, %dma_wait3A_87, %dma_wait3A_93] : memref<2x16x80xi32, #tpu.memory_space<vmem>> -> memref<1x1x80xi32, #tpu.memory_space<vmem>>
      %dma_wait3A_95 = tpu.memref_squeeze %dma_wait3A_94 : memref<1x1x80xi32, #tpu.memory_space<vmem>> -> memref<80xi32, #tpu.memory_space<vmem>>
      %dma_wait3A_96 = arith.constant 0 : i32
      %dma_wait3A_97 = arith.constant 0 : i32
      %dma_wait3A_98 = tpu.memref_slice %arg9[%dma_wait3A_96, %dma_wait3A_97] : memref<10000x128xf32, #tpu.memory_space<vmem_shared>> -> memref<10000x128xf32, #tpu.memory_space<vmem_shared>>
      %dma_wait3A_99 = tpu.memref_slice %arg11[%dma_wait3A_88] : memref<2x!tpu.dma_semaphore, #tpu.memory_space<semaphore_mem>> -> memref<1x!tpu.dma_semaphore, #tpu.memory_space<semaphore_mem>>
      %dma_wait3A_100 = tpu.memref_squeeze %dma_wait3A_99 : memref<1x!tpu.dma_semaphore, #tpu.memory_space<semaphore_mem>> -> memref<!tpu.dma_semaphore, #tpu.memory_space<semaphore_mem>>
      tpu.wait_indirect_dma semaphore(%dma_wait3A_100 : memref<!tpu.dma_semaphore, #tpu.memory_space<semaphore_mem>>) src(%dma_wait3A_92 : memref<80x128xf32, #tpu.memory_space<vmem>>) dst(%dma_wait3A_98 : memref<10000x128xf32, #tpu.memory_space<vmem_shared>>)
      %dma_wait3A_101 = arith.constant 1 : i32
      %dma_wait3A_102 = arith.constant 1 : i32
      %dma_wait3A_103 = arith.constant 15 : i32
      %dma_wait3A_104 = arith.constant 1 : i32
      %dma_wait3A_105 = arith.constant 0 : i32
      %dma_wait3A_106 = arith.constant 0 : i32
      %dma_wait3A_107 = tpu.memref_slice %arg8[%dma_wait3A_101, %dma_wait3A_105, %dma_wait3A_106] : memref<2x80x128xf32, #tpu.memory_space<vmem>> -> memref<1x80x128xf32, #tpu.memory_space<vmem>>
      %dma_wait3A_108 = tpu.memref_squeeze %dma_wait3A_107 : memref<1x80x128xf32, #tpu.memory_space<vmem>> -> memref<80x128xf32, #tpu.memory_space<vmem>>
      %dma_wait3A_109 = arith.constant 0 : i32
      %dma_wait3A_110 = tpu.memref_slice %arg6[%dma_wait3A_102, %dma_wait3A_103, %dma_wait3A_109] : memref<2x16x80xi32, #tpu.memory_space<vmem>> -> memref<1x1x80xi32, #tpu.memory_space<vmem>>
      %dma_wait3A_111 = tpu.memref_squeeze %dma_wait3A_110 : memref<1x1x80xi32, #tpu.memory_space<vmem>> -> memref<80xi32, #tpu.memory_space<vmem>>
      %dma_wait3A_112 = arith.constant 0 : i32
      %dma_wait3A_113 = arith.constant 0 : i32
      %dma_wait3A_114 = tpu.memref_slice %arg9[%dma_wait3A_112, %dma_wait3A_113] : memref<10000x128xf32, #tpu.memory_space<vmem_shared>> -> memref<10000x128xf32, #tpu.memory_space<vmem_shared>>
      %dma_wait3A_115 = tpu.memref_slice %arg11[%dma_wait3A_104] : memref<2x!tpu.dma_semaphore, #tpu.memory_space<semaphore_mem>> -> memref<1x!tpu.dma_semaphore, #tpu.memory_space<semaphore_mem>>
      %dma_wait3A_116 = tpu.memref_squeeze %dma_wait3A_115 : memref<1x!tpu.dma_semaphore, #tpu.memory_space<semaphore_mem>> -> memref<!tpu.dma_semaphore, #tpu.memory_space<semaphore_mem>>
      tpu.wait_indirect_dma semaphore(%dma_wait3A_116 : memref<!tpu.dma_semaphore, #tpu.memory_space<semaphore_mem>>) src(%dma_wait3A_108 : memref<80x128xf32, #tpu.memory_space<vmem>>) dst(%dma_wait3A_114 : memref<10000x128xf32, #tpu.memory_space<vmem_shared>>)
    }
    %scan3A_53 = arith.constant 16 : i32
    %barrier3A_54 = arith.constant 0 : index
    tpu.barrier barrier_id(%barrier3A_54)
    %mul3A_55 = arith.constant 624 : i32
    %mul3A_56 = arith.muli %arg1, %mul3A_55 : i32
    %mul3A_57 = arith.constant 624 : i32
    %mul3A_58 = arith.muli %arg1, %mul3A_57 : i32
    "tpu.region"() ({
      %run_scoped3A_64 = tpu.sem_alloc : memref<!tpu.dma_semaphore, #tpu.memory_space<semaphore_mem>>
      %dma_start3A = arith.constant 0 : i32
      %dma_start3A_65 = tpu.memref_slice %arg5[%arg0, %mul3A_58, %dma_start3A] : memref<2x10000x128xf32, #tpu.memory_space<hbm>> -> memref<1x624x128xf32, #tpu.memory_space<hbm>>
      %dma_start3A_66 = tpu.memref_squeeze %dma_start3A_65 : memref<1x624x128xf32, #tpu.memory_space<hbm>> -> memref<624x128xf32, #tpu.memory_space<hbm>>
      %dma_start3A_67 = arith.constant 0 : i32
      %dma_start3A_68 = tpu.memref_slice %arg9[%mul3A_56, %dma_start3A_67] : memref<10000x128xf32, #tpu.memory_space<vmem_shared>> -> memref<624x128xf32, #tpu.memory_space<vmem_shared>>
      tpu.enqueue_dma source(%dma_start3A_68 : memref<624x128xf32, #tpu.memory_space<vmem_shared>>) target(%dma_start3A_66 : memref<624x128xf32, #tpu.memory_space<hbm>>) target_semaphore(%run_scoped3A_64 : memref<!tpu.dma_semaphore, #tpu.memory_space<semaphore_mem>>)
      %dma_wait3A = arith.constant 0 : i32
      %dma_wait3A_69 = tpu.memref_slice %arg5[%arg0, %mul3A_58, %dma_wait3A] : memref<2x10000x128xf32, #tpu.memory_space<hbm>> -> memref<1x624x128xf32, #tpu.memory_space<hbm>>
      %dma_wait3A_70 = tpu.memref_squeeze %dma_wait3A_69 : memref<1x624x128xf32, #tpu.memory_space<hbm>> -> memref<624x128xf32, #tpu.memory_space<hbm>>
      %dma_wait3A_71 = arith.constant 0 : i32
      %dma_wait3A_72 = tpu.memref_slice %arg9[%mul3A_56, %dma_wait3A_71] : memref<10000x128xf32, #tpu.memory_space<vmem_shared>> -> memref<624x128xf32, #tpu.memory_space<vmem_shared>>
      tpu.wait_dma2 semaphore(%run_scoped3A_64 : memref<!tpu.dma_semaphore, #tpu.memory_space<semaphore_mem>>) src(%dma_wait3A_72 : memref<624x128xf32, #tpu.memory_space<vmem_shared>>) dst(%dma_wait3A_70 : memref<624x128xf32, #tpu.memory_space<hbm>>)
      tpu.yield
    }) : () -> ()
    %eq3A_59 = arith.constant 0 : i32
    %eq3A_60 = arith.cmpi eq, %arg1, %eq3A_59 : i32
    %convert_element_type3A_61 = arith.extui %eq3A_60 : i1 to i32
    %cond3A_62 = arith.constant 0 : i32
    %cond3A_63 = arith.cmpi ne, %convert_element_type3A_61, %cond3A_62 : i32
    scf.if %cond3A_63 {
      "tpu.region"() ({
        %run_scoped3A_64 = tpu.sem_alloc : memref<!tpu.dma_semaphore, #tpu.memory_space<semaphore_mem>>
        %dma_start3A = arith.constant 9984 : i32
        %dma_start3A_65 = arith.constant 0 : i32
        %dma_start3A_66 = tpu.memref_slice %arg5[%arg0, %dma_start3A, %dma_start3A_65] : memref<2x10000x128xf32, #tpu.memory_space<hbm>> -> memref<1x16x128xf32, #tpu.memory_space<hbm>>
        %dma_start3A_67 = tpu.memref_squeeze %dma_start3A_66 : memref<1x16x128xf32, #tpu.memory_space<hbm>> -> memref<16x128xf32, #tpu.memory_space<hbm>>
        %dma_start3A_68 = arith.constant 9984 : i32
        %dma_start3A_69 = arith.constant 0 : i32
        %dma_start3A_70 = tpu.memref_slice %arg9[%dma_start3A_68, %dma_start3A_69] : memref<10000x128xf32, #tpu.memory_space<vmem_shared>> -> memref<16x128xf32, #tpu.memory_space<vmem_shared>>
        tpu.enqueue_dma source(%dma_start3A_70 : memref<16x128xf32, #tpu.memory_space<vmem_shared>>) target(%dma_start3A_67 : memref<16x128xf32, #tpu.memory_space<hbm>>) target_semaphore(%run_scoped3A_64 : memref<!tpu.dma_semaphore, #tpu.memory_space<semaphore_mem>>)
        %dma_wait3A = arith.constant 9984 : i32
        %dma_wait3A_71 = arith.constant 0 : i32
        %dma_wait3A_72 = tpu.memref_slice %arg5[%arg0, %dma_wait3A, %dma_wait3A_71] : memref<2x10000x128xf32, #tpu.memory_space<hbm>> -> memref<1x16x128xf32, #tpu.memory_space<hbm>>
        %dma_wait3A_73 = tpu.memref_squeeze %dma_wait3A_72 : memref<1x16x128xf32, #tpu.memory_space<hbm>> -> memref<16x128xf32, #tpu.memory_space<hbm>>
        %dma_wait3A_74 = arith.constant 9984 : i32
        %dma_wait3A_75 = arith.constant 0 : i32
        %dma_wait3A_76 = tpu.memref_slice %arg9[%dma_wait3A_74, %dma_wait3A_75] : memref<10000x128xf32, #tpu.memory_space<vmem_shared>> -> memref<16x128xf32, #tpu.memory_space<vmem_shared>>
        tpu.wait_dma2 semaphore(%run_scoped3A_64 : memref<!tpu.dma_semaphore, #tpu.memory_space<semaphore_mem>>) src(%dma_wait3A_76 : memref<16x128xf32, #tpu.memory_space<vmem_shared>>) dst(%dma_wait3A_73 : memref<16x128xf32, #tpu.memory_space<hbm>>)
        tpu.yield
      }) : () -> ()
    } else {
    }
    return
  }
}

module attributes {stable_mosaic.version = 14 : i64} {
  func.func @_matmul_body(%arg0: i32, %arg1: i32, %arg2: memref<400x128xf32, #tpu.memory_space<vmem>>, %arg3: memref<1x128x128xf32, #tpu.memory_space<vmem>>, %arg4: memref<1x400x128xf32, #tpu.memory_space<vmem>>) attributes {dimension_semantics = [#tpu.dimension_semantics<arbitrary>, #tpu.dimension_semantics<arbitrary>], iteration_bounds = array<i64: 2, 25>, scalar_prefetch = 0 : i64, scratch_operands = 0 : i64, tpu.core_type = #tpu.core_type<tc>, window_params = [{transform_indices = @transform_0, window_bounds = array<i64: 400, 128>}, {transform_indices = @transform_1, window_bounds = array<i64: 1, 128, 128>}, {transform_indices = @transform_2, window_bounds = array<i64: 1, 400, 128>}]} {
    %get3A = arith.constant 0 : index
    %get3A_0 = arith.constant 0 : index
    %get3A_1 = vector.load %arg2[%get3A, %get3A_0] : memref<400x128xf32, #tpu.memory_space<vmem>>, vector<400x128xf32>
    %get3A_2 = arith.constant 0 : index
    %get3A_3 = arith.constant 0 : index
    %get3A_4 = arith.constant 0 : index
    %get3A_5 = vector.load %arg3[%get3A_2, %get3A_3, %get3A_4] : memref<1x128x128xf32, #tpu.memory_space<vmem>>, vector<1x128x128xf32>
    %get3A_6 = vector.shape_cast %get3A_5 : vector<1x128x128xf32> to vector<128x128xf32>
    %dot_general3A = arith.constant dense<0.000000e+00> : vector<400x128xf32>
    %dot_general3A_7 = tpu.matmul %get3A_1, %get3A_6, %dot_general3A {dimension_numbers = #tpu.dot_dimension_numbers<[1], [0], [0], [1], [0, 0, 1, 1], [], []>, transpose_lhs_hint = false} : vector<400x128xf32>, vector<128x128xf32>, vector<400x128xf32> -> vector<400x128xf32>
    %swap3A = arith.constant 0 : index
    %swap3A_8 = arith.constant 0 : index
    %swap3A_9 = arith.constant 0 : index
    %swap3A_10 = vector.load %arg4[%swap3A, %swap3A_8, %swap3A_9] : memref<1x400x128xf32, #tpu.memory_space<vmem>>, vector<1x400x128xf32>
    %swap3A_11 = vector.shape_cast %swap3A_10 : vector<1x400x128xf32> to vector<400x128xf32>
    %swap3A_12 = vector.shape_cast %dot_general3A_7 : vector<400x128xf32> to vector<1x400x128xf32>
    tpu.vector_store %arg4[%swap3A, %swap3A_8, %swap3A_9], %swap3A_12 {strides = array<i32>} : memref<1x400x128xf32, #tpu.memory_space<vmem>>, vector<1x400x128xf32>,
    return
  }
  func.func @transform_0(%arg0: i32, %arg1: i32) -> (i32, i32) {
    %c0_i32 = arith.constant 0 : i32
    %c0_i32_0 = arith.constant 0 : i32
    return %arg1, %c0_i32 : i32, i32
  }
  func.func @transform_1(%arg0: i32, %arg1: i32) -> (i32, i32, i32) {
    %c0_i32 = arith.constant 0 : i32
    %c0_i32_0 = arith.constant 0 : i32
    %c0_i32_1 = arith.constant 0 : i32
    return %arg0, %c0_i32, %c0_i32_0 : i32, i32, i32
  }
  func.func @transform_2(%arg0: i32, %arg1: i32) -> (i32, i32, i32) {
    %c0_i32 = arith.constant 0 : i32
    %c0_i32_0 = arith.constant 0 : i32
    return %arg0, %arg1, %c0_i32 : i32, i32, i32
  }
}

module attributes {stable_mosaic.version = 14 : i64} {
  func.func @_add_body(%arg0: i32, %arg1: memref<2x400x128xf32, #tpu.memory_space<vmem>>, %arg2: memref<400x128xf32, #tpu.memory_space<vmem>>) attributes {dimension_semantics = [#tpu.dimension_semantics<arbitrary>], iteration_bounds = array<i64: 25>, scalar_prefetch = 0 : i64, scratch_operands = 0 : i64, tpu.core_type = #tpu.core_type<tc>, window_params = [{transform_indices = @transform_0, window_bounds = array<i64: 2, 400, 128>}, {transform_indices = @transform_1, window_bounds = array<i64: 400, 128>}]} {
    %get3A = arith.constant 0 : index
    %get3A_0 = arith.constant 0 : index
    %get3A_1 = arith.constant 0 : index
    %get3A_2 = vector.load %arg1[%get3A, %get3A_0, %get3A_1] : memref<2x400x128xf32, #tpu.memory_space<vmem>>, vector<1x400x128xf32>
    %get3A_3 = vector.shape_cast %get3A_2 : vector<1x400x128xf32> to vector<400x128xf32>
    %get3A_4 = arith.constant 1 : index
    %get3A_5 = arith.constant 0 : index
    %get3A_6 = arith.constant 0 : index
    %get3A_7 = vector.load %arg1[%get3A_4, %get3A_5, %get3A_6] : memref<2x400x128xf32, #tpu.memory_space<vmem>>, vector<1x400x128xf32>
    %get3A_8 = vector.shape_cast %get3A_7 : vector<1x400x128xf32> to vector<400x128xf32>
    %add3A = arith.addf %get3A_3, %get3A_8 : vector<400x128xf32>
    %swap3A = arith.constant 0 : index
    %swap3A_9 = arith.constant 0 : index
    %swap3A_10 = vector.load %arg2[%swap3A, %swap3A_9] : memref<400x128xf32, #tpu.memory_space<vmem>>, vector<400x128xf32>
    tpu.vector_store %arg2[%swap3A, %swap3A_9], %add3A {strides = array<i32>} : memref<400x128xf32, #tpu.memory_space<vmem>>, vector<400x128xf32>,
    return
  }
  func.func @transform_0(%arg0: i32) -> (i32, i32, i32) {
    %c0_i32 = arith.constant 0 : i32
    %c0_i32_0 = arith.constant 0 : i32
    %c0_i32_1 = arith.constant 0 : i32
    return %c0_i32, %arg0, %c0_i32_0 : i32, i32, i32
  }
  func.func @transform_1(%arg0: i32) -> (i32, i32) {
    %c0_i32 = arith.constant 0 : i32
    %c0_i32_0 = arith.constant 0 : i32
    return %arg0, %c0_i32 : i32, i32
  }
}

</mosaic_0001>

<sc_bundles>
// kernel: kernel.5.cloned.1.call-start
scs
__scs_entry_jumppad:
0x0: {  	(pc) =	sbr.rel $0x88, $3  }
0x1: {  	(tag) =	ssettag $0x0;
	lr =	simm.s32 $0x1  }
0x2: {  	[smem:$0x3F9A] =	sst lr;
	_ =	strace $0xD0000000  }
0x3: {  	_ = 	snop  }
0x4: {  	_ = 	snop  }
0x5: {  	_ = 	snop  }
0x6: {  	_ = 	snop  }
0x7: {  	_ = 	snop  }
__scs_overlays_trampoline_lowered:
0x8: {  	[smem:$0x3FA9] =	sst s0  }
0x9: {  	[smem:$0x3FAA] =	sst s1  }
0xa: {  	[smem:$0x3FAB] =	sst s2  }
0xb: {  	[smem:$0x3FAC] =	sst s3  }
0xc: {  	[smem:$0x3FAD] =	sst s4  }
0xd: {  	[smem:$0x3FAE] =	sst s5  }
0xe: {  	[smem:$0x3FAF] =	sst s6  }
0xf: {  	[smem:$0x3FB0] =	sst s7  }
0x10: {  	[smem:$0x3FB1] =	sst s8  }
0x11: {  	[smem:$0x3FB2] =	sst s9;
	s0 =	simm.s32 @!p0 $0x0  }
0x12: {  	s1 =	sld [smem:$0x3F98];
	s0 =	simm.s32 @p0 $0x1  }
0x13: {  	[smem:$0x3FB3] =	sst s0;
	s0 =	simm.s32 @!p1 $0x0  }
0x14: {  	s2 =	sld [smem:$0x3F97];
	s0 =	simm.s32 @p1 $0x1  }
0x15: {  	[smem:$0x3FB4] =	sst s0;
	s0 =	simm.s32 @!p2 $0x0  }
0x16: {  	s3 =	sld [smem:$0x3FDB];
	s0 =	simm.s32 @p2 $0x1  }
0x17: {  	s4 =	simm.s32 $0x1BF5;
	[smem:$0x3FB6] =	sst s0  }
0x18: {  	s0 =	sld [smem:$0x3F99];
	_ =	swait.ge [sflag:s4], $0x0  }
0x19: {  	s7 =	sld [smem:$0x3F9A]  }
0x1a: {  	s8 =	sadd.s32 $0xFFFFE003, lr  }
0x1b: {  	s9 =	sadd.s32 $0xFFFFFEF7, lr;
	s5 =	simm.s32 $0xFFFFFFFF;
	p2 =	slt.u32 s8, $0xFFFFF086  }
0x1c: {  	p1 =	slt.u32 s9, $0xF7A;
	s5 =	simm.s32 @!p2 $0x0  }
0x1d: {  	s5 =	simm.s32 @p1 $0x1;
	p0 =	seq.s32 s7, s2  }
0x1e: {  	s7 =	smul.u32 @!p0 $0xF7A, s2;
	p2 =	seq.s32 @!p0 s5, $0x0  }
0x1f: {  	s9 =	smul.u32 $0xF7A, s1;
	s8 =	simm.s32 @!p0 $0x1BF5;
	p2 =	por !p2, p0  }
0x20: {  	[sflag:s8] =	ssyncset.s32 @!p0 $0xFFFFF086;
	s6 =	sadd.s32 @!p0 s3, s7;
	s7 =	simm.s32 @!p0 $0x108  }
0x21: {  	s3 =	sadd.s32 s3, s9;
	s6 =	sadd.s32 @!p0 $0x88, s6;
	s7 =	simm.s32 @p2 $0x1082  }
0x22: {  	[simem:s7], [sflag:s8] =	dma.local @!p0 [hbm:s6], $0xF7A  }
0x23: {  	s9 =	sor.u32 $0xD0000000, s2;
	s6 =	simm.s32 $0x108;
	_ =	swait.ge @!p0 [sflag:s8], $0x0  }
0x24: {  	s3 =	sadd.s32 $0x88, s3;
	s6 =	simm.s32 @!p1 $0x1082;
	[sflag:s4] =	ssyncset.s32 $0xFFFFF086  }
0x25: {  	[simem:s6], [sflag:s4] =	dma.local [hbm:s3], $0xF7A  }
0x26: {  	[smem:$0x3F9A] =	sst s1;
	(tag) =	ssettag s2;
	_ =	strace s9  }
0x27: {  	s1 =	sld [smem:$0x3FAA]  }
0x28: {  	s2 =	sld [smem:$0x3FAB]  }
0x29: {  	s4 =	sld [smem:$0x3FAD]  }
0x2a: {  	p0 =	seq.s32 s5, $0x0;
	s5 =	sld [smem:$0x3FAE]  }
0x2b: {  	s6 =	sld [smem:$0x3FAF]  }
0x2c: {  	s7 =	sld [smem:$0x3FB0]  }
0x2d: {  	s3 =	simm.s32 $0x108;
	s8 =	sld [smem:$0x3FB1]  }
0x2e: {  	s3 =	simm.s32 @!p0 $0x1082;
	s9 =	sld [smem:$0x3FB2]  }
0x2f: {  	lr =	sadd.s32 s0, s3;
	s0 =	sld [smem:$0x3FA9]  }
0x30: {  	s3 =	sld [smem:$0x3FAC]  }
0x31: {  	[smem:$0x3FB5] =	sst s10  }
0x32: {  	s10 =	sld [smem:$0x3FB3];
	_ =	sdelay $0x3  }
0x33: {  	p0 =	seq.s32 s10, $0x1;
	s10 =	sld [smem:$0x3FB5];
	_ =	sdelay $0x3  }
0x34: {  	[smem:$0x3FB5] =	sst s10  }
0x35: {  	s10 =	sld [smem:$0x3FB4];
	_ =	sdelay $0x3  }
0x36: {  	p1 =	seq.s32 s10, $0x1;
	s10 =	sld [smem:$0x3FB5];
	_ =	sdelay $0x3  }
0x37: {  	[smem:$0x3FB5] =	sst s10  }
0x38: {  	s10 =	sld [smem:$0x3FB6]  }
0x39: {  	_ = 	snop;
	(pc) =	sbr.ind lr, $3  }
0x3a: {  	_ = 	snop  }
0x3b: {  	_ = 	snop  }
0x3c: {  	p2 =	seq.s32 s10, $0x1;
	s10 =	sld [smem:$0x3FB5]  }
0x3d: {  	_ =	shalt  }
0x3e: {  	_ =	shalt  }
0x3f: {  	_ =	shalt  }
0x40: {  	_ =	shalt  }
0x41: {  	_ =	shalt  }
0x42: {  	_ =	shalt  }
0x43: {  	_ =	shalt  }
0x44: {  	_ =	shalt  }
0x45: {  	_ =	shalt  }
0x46: {  	_ =	shalt  }
0x47: {  	_ =	shalt  }
0x48: {  	_ =	shalt  }
0x49: {  	_ =	shalt  }
0x4a: {  	_ =	shalt  }
0x4b: {  	_ =	shalt  }
0x4c: {  	_ =	shalt  }
0x4d: {  	_ =	shalt  }
0x4e: {  	_ =	shalt  }
0x4f: {  	_ =	shalt  }
0x50: {  	_ =	shalt  }
0x51: {  	_ =	shalt  }
0x52: {  	_ =	shalt  }
0x53: {  	_ =	shalt  }
0x54: {  	_ =	shalt  }
0x55: {  	_ =	shalt  }
0x56: {  	_ =	shalt  }
0x57: {  	_ =	shalt  }
0x58: {  	_ =	shalt  }
0x59: {  	_ =	shalt  }
0x5a: {  	_ =	shalt  }
0x5b: {  	_ =	shalt  }
0x5c: {  	_ =	shalt  }
0x5d: {  	_ =	shalt  }
0x5e: {  	_ =	shalt  }
0x5f: {  	_ =	shalt  }
0x60: {  	_ =	shalt  }
0x61: {  	_ =	shalt  }
0x62: {  	_ =	shalt  }
0x63: {  	_ =	shalt  }
0x64: {  	_ =	shalt  }
0x65: {  	_ =	shalt  }
0x66: {  	_ =	shalt  }
0x67: {  	_ =	shalt  }
0x68: {  	_ =	shalt  }
0x69: {  	_ =	shalt  }
0x6a: {  	_ =	shalt  }
0x6b: {  	_ =	shalt  }
0x6c: {  	_ =	shalt  }
0x6d: {  	_ =	shalt  }
0x6e: {  	_ =	shalt  }
0x6f: {  	_ =	shalt  }
0x70: {  	_ =	shalt  }
0x71: {  	_ =	shalt  }
0x72: {  	_ =	shalt  }
0x73: {  	_ =	shalt  }
0x74: {  	_ =	shalt  }
0x75: {  	_ =	shalt  }
0x76: {  	_ =	shalt  }
0x77: {  	_ =	shalt  }
0x78: {  	_ =	shalt  }
0x79: {  	_ =	shalt  }
0x7a: {  	_ =	shalt  }
0x7b: {  	_ =	shalt  }
0x7c: {  	_ =	shalt  }
0x7d: {  	_ =	shalt  }
0x7e: {  	_ =	shalt  }
0x7f: {  	_ =	shalt  }
0x80: {  	_ =	shalt  }
0x81: {  	_ =	shalt  }
0x82: {  	_ =	shalt  }
0x83: {  	_ =	shalt  }
0x84: {  	_ =	shalt  }
0x85: {  	_ =	shalt  }
0x86: {  	_ =	shalt  }
0x87: {  	_ =	shalt  }
.Lfunc_end0:
.L_simem_size_0:
called_computation_lowered:
.L_overlay_start_0:
0x88: {  	s2 =	sld [smem:$0x3FD9]  }
0x89: {  	s3 =	sld [smem:$0x3FFE];
	_ =	sdelay $0x1  }
0x8a: {  	s1 =	srdreg.scid  }
0x8b: {  	s0 =	sand.u32 $0x1, s1  }
0x8c: {  	s17 =	sshll.u32 s0, $0xA;
	s2 =	sadd.s32 s3, s2  }
0x8d: {  	s2 =	sadd.s32 s2, s17  }
0x8e: {  	[smem:$0x3FC1] =	sst s2  }
0x8f: {  	_ = 	snop  }
0x90: {  	s2 =	sld [smem:$0x3FD0];
	(tm) =	ssettm $0x1  }
0x91: {  	s18 =	sld [smem:$0x3FFB];
	_ =	sdelay $0x3  }
0x92: {  	_ =	strace s18  }
0x93: {  	s3 =	sld [smem:$0x3FFC];
	_ =	sdelay $0x3  }
0x94: {  	_ =	strace s3  }
0x95: {  	s3 =	sld [smem:$0x3FFD];
	_ =	sdelay $0x3  }
0x96: {  	_ =	strace s3  }
0x97: {  	_ =	strace $0x8FFFFFFF  }
0x98: {  	s19 =	sld [smem:$0x3FDB];
	_ =	sdelay $0x1  }
0x99: {  	s4 =	simm.s32 $_scs_section_size  }
0x9a: {  	s5 =	simm.s32 $_size__tile_overlayer_lowered;
	s6 =	simm.s32 $_tile_overlayer_lowered  }
0x9b: {  	s22 =	simm.s32 $0x1BFF;
	s21 =	sshll.u32 s6, $0x1;
	s3 =	sadd.s32 s4, s19  }
0x9c: {  	s7 =	simm.s32 $0x0;
	s20 =	sshll.u32 s5, $0x1;
	s5 =	sadd.s32 s21, s3  }
0x9d: {  	[timem:s7], [sflag:s22] =	dma.local [hbm:s5], s20  }
0x9e: {  	_ =	swait.ge [sflag:s22], s20  }
0x9f: {  	s4 =	ssub.s32 $0x0, s20;
	[sflag:s22] =	ssyncset.done $0x0  }
0xa0: {  	[sflag:s22] =	ssyncadd.s32 s4;
	_ =	sdelay $0x1  }
0xa1: {  	s23 =	simm.s32 $0x1B8B  }
0xa2: {  	_ =	swait.ge [sflag:s23], $0x1  }
0xa3: {  	[sflag:s23] =	ssyncset.done $0x0  }
0xa4: {  	s25 =	simm.s32 $0x1B8E;
	s24 =	sld [smem:$0x3FFE];
	[sflag:s23] =	ssyncadd.s32 $0xFFFFFFFF  }
0xa5: {  	s26 =	simm.s32 $execute0_lowered;
	[smem:$0x3FD2] =	sst s25  }
0xa6: {  	s5 =	sshll.u32 s26, $0x1;
	_ =	strace $0x80000046;
	[dreg:$0x1] =	wrdreg $0xFFFFFFFF  }
0xa7: {  	s28 =	simm.s32 $_size_execute0_lowered;
	s3 =	sadd.s32 s3, s5;
	[dreg:$0x0] =	wrdreg $0x0  }
0xa8: {  	s5 =	sshll.u32 s28, $0x1;
	[dreg:$0x2] =	wrdreg s3  }
0xa9: {  	[dreg:$0x3] =	wrdreg s5  }
0xaa: {  	[dreg:$0x4] =	wrdreg $0xC0  }
0xab: {  	_ =	task [dreg:s7], $0x5FFFF  }
0xac: {  	[dreg:$0x1] =	wrdreg $0xFFFFFFFF  }
0xad: {  	[dreg:$0x0] =	wrdreg $0x60  }
0xae: {  	[dreg:$0x2] =	wrdreg s24  }
0xaf: {  	[dreg:$0x3] =	wrdreg s2  }
0xb0: {  	[dreg:$0x4] =	wrdreg $0x68000  }
0xb1: {  	[dreg:$0x5] =	wrdreg $0x9  }
0xb2: {  	_ =	task.clear_ibuf [dreg:s7], $0x6FFFF;
	_ =	strace $0x90000046  }
0xb3: {  	s29 =	simm.s32 $0x9;
	_ =	strace $0x80000048  }
0xb4: {  	_ =	swait.ge [sflag:s29], $0x1  }
0xb5: {  	[sflag:s29] =	ssyncadd.s32 $0xFFFFFFFF  }
0xb6: {  	_ =	strace $0x90000048  }
0xb7: {  	_ =	sfence  }
0xb8: {  	s30 =	sld [smem:$0x0];
	_ =	sdelay $0x2  }
0xb9: {  	s31 =	sshll.u32 s1, $0xD;
	s1 =	sshrl.u32 s1, $0x2  }
0xba: {  	s3 =	sand.u32 $0x4000, s31;
	s1 =	sadd.s32 s1, s30  }
0xbb: {  	s0 =	sor.u32 s3, s0;
	s1 =	sshll.u32 s1, $0x11  }
0xbc: {  	s0 =	sor.u32 s1, s0  }
0xbd: {  	s0 =	sadd.s32 $0x8F2B, s0  }
0xbe: {  	[sflag:s0] =	ssyncadd.remote.s32 $0x1  }
0xbf: {  	_ =	sfence.sel $0xFFFF  }
0xc0: {  	[dreg:$0x0] =	wrdreg $0xFFFFFFFF;
	(pc) =	sbr.abs _section_cstart, $3  }
0xc1: {  	[dreg:$0x1] =	wrdreg $0xFFFFFFFF  }
0xc2: {  	_ =	task.clear_ibuf [dreg:s7], $0x2FFFF;
	_ =	strace $0x9FFFFFFF  }
0xc3: {  	(tm) =	ssettm $0x7FFFFFFF  }
tec
execute0_lowered:
.L_overlay_start_1:
0x0: {  	(tag) =	ssettag $0x1  }
0x1: {  	s0 =	rddreg [dreg:$0x0]  }
0x2: {  	s3 =	rddreg [dreg:$0x1]  }
0x3: {  	s1 =	rddreg [dreg:$0x2];
	s2 =	simm.s32 $0x0  }
0x4: {  	s20 =	stileid.u32;
	s5 =	srdreg.scid;
	s21 =	simm.s32 $0x1000  }
0x5: {  	s22 =	simm.s32 $0x50;
	s23 =	simm.s32 $0x3;
	s24 =	simm.s32 $0x4  }
0x6: {  	s25 =	simm.s32 $0x0;
	[smem:$0x7FF] =	sst s2;
	s6 =	smul.u32 $0x4E000, s20  }
0x7: {  	s4 =	sadd.s32 $0x41600, s0;
	s15 =	sand.u32 $0x1, s5;
	s30 =	sshll.u32 s20, $0xD  }
0x8: {  	s17 =	smul.u32 $0x13800, s20;
	s19 =	sshll.u32 s20, $0xC;
	p0 =	sne.s32 s20, $0x0  }
0x9: {  	s20 =	simm.s32 $0x5;
	_ =	strace $0x80000047;
	s7 =	ssub.s32 $0x2, s15  }
0xa: {  	s12 =	sadd.s32 s30, s0;
	s0 =	sadd.s32 $0x8F800, s0;
	s13 =	sshll.u32 s15, $0x11  }
0xb: {  	s16 =	smul.u32 $0x138800, s15;
	s15 =	sshll.u32 s15, $0x10;
	s3 =	sadd.s32 s3, s19  }
0xc: {  	s19 =	simm.s32 $0x1800;
	s6 =	sshrl.u32 s6, $0x2;
	s8 =	sshrl.u32 s7, $0x1  }
0xd: {  	s14 =	sadd.s32 s13, s12;
	s13 =	sadd.s32 $0x138000, s1;
	s15 =	sadd.s32 s15, s3  }
0xe: {  	v0 =	vimm.f32 $0.0e+00;
	v1 =	vimm.s32 $0x0;
	s5 =	sadd.s32 s6, s1;
	s18 =	ssub.s32 s7, s8;
	s14 =	sadd.s32 $0x1600, s14  }
0xf: {  	v2 =	vimm.s32 $0x1;
	v3 =	vimm.s32 $0x2;
	v4 =	vimm.s32 $0x3;
	s17 =	sadd.s32 s17, s16;
	s31 =	sshrl.u32 s16, $0x3;
	s6 =	sadd.s32 $0x2800, s5  }
0x10: {  	v5 =	vimm.s32 $0x4;
	v6 =	vimm.s32 $0x5;
	v7 =	vimm.s32 $0x6;
	s7 =	sadd.s32 $0x5000, s5;
	s8 =	sadd.s32 $0x7800, s5;
	s9 =	sadd.s32 $0xA000, s5  }
0x11: {  	v8 =	vimm.s32 $0x7;
	v9 =	vimm.s32 $0x8;
	v10 =	vimm.s32 $0x9;
	s10 =	sadd.s32 $0xC800, s5;
	s11 =	sadd.s32 $0xF000, s5;
	s17 =	sshrl.u32 s17, $0x3  }
0x12: {  	v11 =	vimm.s32 $0xA;
	v12 =	vimm.s32 $0xB;
	v13 =	vimm.s32 $0xC;
	s12 =	sadd.s32 $0x11800, s5;
	s16 =	sadd.s32 s0, s17;
	s0 =	sadd.s32 s0, s31  }
0x13: {  	v14 =	vimm.s32 $0xD;
	v15 =	vimm.s32 $0xE;
	v16 =	vimm.s32 $0xF;
	s18 =	smax.u32 s18, $0x1;
	[dreg:$0x4] =	wrdreg s6;
	s17 =	sadd.s32 $0x27000, s0  }
.LBB2_1:
0x14: {  	s0 =	simm.s32 $0x0;
	s3 =	simm.s32 $0x200  }
.LBB2_2:
0x15: {  	p1 =	sne.s32 s3, $0x9E00;
	[tilespmem:s0+$0x1870] =	vst v0  }
0x16: {  	[tilespmem:s0+$0x1800] =	vst v0  }
0x17: {  	[tilespmem:s0+$0x1810] =	vst v0  }
.Ltmp0:
0x18: {  	[tilespmem:s0+$0x1820] =	vst v0;
	(pc) =	sbr.rel @p1 .LBB2_2-.Ltmp0, $4  }
0x19: {  	[tilespmem:s0+$0x1830] =	vst v0  }
0x1a: {  	[tilespmem:s0+$0x1840] =	vst v0  }
0x1b: {  	[tilespmem:s0+$0x1850] =	vst v0  }
0x1c: {  	[tilespmem:s0+$0x1860] =	vst v0;
	s0 =	sshra.s32 s3, $0x2;
	s3 =	sadd.s32 $0x200, s3  }
0x1d: {  	[tilespmem:s0+$0x1870] =	vst v0  }
0x1e: {  	[tilespmem:s0+$0x1800] =	vst v0  }
0x1f: {  	[tilespmem:s0+$0x1810] =	vst v0  }
0x20: {  	[tilespmem:s0+$0x1820] =	vst v0  }
0x21: {  	[tilespmem:s0+$0x1830] =	vst v0  }
0x22: {  	[tilespmem:s0+$0x1840] =	vst v0  }
0x23: {  	[tilespmem:s0+$0x1850] =	vst v0  }
0x24: {  	[tilespmem:s0+$0x1860] =	vst v0  }
0x25: {  	[spmem:s5] =	stream.linear.scatter [tilespmem:s19], [sflag:$0x5], $0x2800, $0x38;
	[tilespmem:$0x1A080] =	vst v63  }
0x26: {  	_ =	swait.ge [sflag:s20], $0x2800  }
0x27: {  	[sflag:s20] =	ssyncset.done $0x0  }
0x28: {  	s31 =	rddreg [dreg:$0x4];
	[sflag:s20] =	ssyncadd.s32 $0xFFFFD800  }
0x29: {  	[spmem:s31] =	stream.linear.scatter [tilespmem:s19], [sflag:$0x5], $0x2800, $0x38;
	[tilespmem:$0x1A080] =	vst v63  }
0x2a: {  	_ =	swait.ge [sflag:s20], $0x2800  }
0x2b: {  	[sflag:s20] =	ssyncset.done $0x0  }
0x2c: {  	[sflag:s20] =	ssyncadd.s32 $0xFFFFD800  }
0x2d: {  	[spmem:s7] =	stream.linear.scatter [tilespmem:s19], [sflag:$0x5], $0x2800, $0x38;
	[tilespmem:$0x1A080] =	vst v63  }
0x2e: {  	_ =	swait.ge [sflag:s20], $0x2800  }
0x2f: {  	[sflag:s20] =	ssyncset.done $0x0  }
0x30: {  	[sflag:s20] =	ssyncadd.s32 $0xFFFFD800  }
0x31: {  	[spmem:s8] =	stream.linear.scatter [tilespmem:s19], [sflag:$0x5], $0x2800, $0x38;
	[tilespmem:$0x1A080] =	vst v63  }
0x32: {  	_ =	swait.ge [sflag:s20], $0x2800  }
0x33: {  	[sflag:s20] =	ssyncset.done $0x0  }
0x34: {  	[sflag:s20] =	ssyncadd.s32 $0xFFFFD800  }
0x35: {  	[spmem:s9] =	stream.linear.scatter [tilespmem:s19], [sflag:$0x5], $0x2800, $0x38;
	[tilespmem:$0x1A080] =	vst v63  }
0x36: {  	_ =	swait.ge [sflag:s20], $0x2800  }
0x37: {  	[sflag:s20] =	ssyncset.done $0x0  }
0x38: {  	[sflag:s20] =	ssyncadd.s32 $0xFFFFD800  }
0x39: {  	[spmem:s10] =	stream.linear.scatter [tilespmem:s19], [sflag:$0x5], $0x2800, $0x38;
	[tilespmem:$0x1A080] =	vst v63  }
0x3a: {  	_ =	swait.ge [sflag:s20], $0x2800  }
0x3b: {  	[sflag:s20] =	ssyncset.done $0x0  }
0x3c: {  	[sflag:s20] =	ssyncadd.s32 $0xFFFFD800  }
0x3d: {  	[spmem:s11] =	stream.linear.scatter [tilespmem:s19], [sflag:$0x5], $0x2800, $0x38;
	[tilespmem:$0x1A080] =	vst v63  }
0x3e: {  	_ =	swait.ge [sflag:s20], $0x2800  }
0x3f: {  	[sflag:s20] =	ssyncset.done $0x0  }
0x40: {  	[sflag:s20] =	ssyncadd.s32 $0xFFFFD800  }
0x41: {  	[spmem:s12] =	stream.linear.scatter [tilespmem:s19], [sflag:$0x5], $0x2000, $0x38;
	[tilespmem:$0x1A080] =	vst v63  }
0x42: {  	_ =	swait.ge [sflag:s20], $0x2000  }
0x43: {  	[sflag:s20] =	ssyncset.done $0x0  }
0x44: {  	s0 =	simm.s32 @!p0 $0x1800;
	[sflag:s20] =	ssyncadd.s32 $0xFFFFE000  }
0x45: {  	[spmem:s13] =	stream.linear.scatter @!p0 [tilespmem:s0], [sflag:$0x5], $0x800, $0x38;
	[tilespmem:$0x1A080] =	vst v63  }
0x46: {  	s0 =	simm.s32 @!p0 $0x5  }
0x47: {  	_ =	swait.ge @!p0 [sflag:s0], $0x800  }
0x48: {  	[sflag:s0] =	ssyncset.done @!p0 $0x0  }
0x49: {  	[sflag:s0] =	ssyncadd.s32 @!p0 $0xFFFFF800  }
0x4a: {  	s26 =	simm.s32 $0x0;
	[bflag:$0x0] =	sbarrier.arrive $0xFFFF  }
.LBB2_4:
0x4b: {  	s0 =	sshll.u32 s26, $0x9  }
0x4c: {  	s0 =	sadd.s32 s0, s14  }
0x4d: {  	[tilespmem:s25], [sflag:$0x5] =	stream.linear.gather [hbm4b:s0+s25], $0x1000, $0x38;
	[tilespmem:$0x1A080] =	vst v63  }
0x4e: {  	_ =	swait.ge [sflag:s20], $0x1000  }
0x4f: {  	s31 =	sshll.u32 s26, $0x8;
	[sflag:s20] =	ssyncset.done $0x0  }
0x50: {  	s0 =	sadd.s32 s31, s15;
	[sflag:s20] =	ssyncadd.s32 $0xFFFFF000  }
0x51: {  	[tilespmem:s21], [sflag:$0x5] =	stream.linear.gather [hbm4b:s0+s25], $0x800, $0x38;
	[tilespmem:$0x1A080] =	vst v63  }
0x52: {  	_ =	swait.ge [sflag:s20], $0x800  }
0x53: {  	[sflag:s20] =	ssyncset.done $0x0  }
0x54: {  	s28 =	simm.s32 $0x0;
	[sflag:s20] =	ssyncadd.s32 $0xFFFFF800  }
0x55: {  	[tilespmem:s19], [sflag:$0x1] =	stream.indirect.gather [hbm4b:s4+s22], $0x80, s25, s22, $0xb8;
	[tilespmem:$0x1A080] =	vst v63  }
.LBB2_5:
0x56: {  	p1 =	seq.s32 s28, $0x0  }
.Ltmp1:
0x57: {  	_ = 	snop;
	(pc) =	sbr.rel @p1 .LBB2_8-.Ltmp1, $3  }
0x58: {  	_ =	sdelay $0x1  }
0x59: {  	s29 =	sand.u32 $0x1, s28  }
0x5a: {  	s0 =	sxor.u32 $0x1, s29  }
0x5b: {  	p1 =	seq.s32 s28, $0xF  }
.Ltmp2:
0x5c: {  	_ = 	snop;
	(pc) =	sbr.rel @p1 .LBB2_9-.Ltmp2, $2  }
0x5d: {  	_ =	sdelay $0x2  }
0x5e: {  	s3 =	simm.s32 $0x1E00  }
0x5f: {  	s3 =	sadd.s32 $0x3, s0  }
0x60: {  	_ =	swait.ge [sflag:s3], $0x2800  }
0x61: {  	[sflag:s3] =	ssyncset.done $0x0  }
0x62: {  	[sflag:s3] =	ssyncadd.s32 $0xFFFFD800  }
.LBB2_8:
0x63: {  	s30 =	smul.u32 $0xA000, s0  }
0x64: {  	s3 =	sshll.u32 s28, $0x9  }
0x65: {  	s31 =	sshrl.u32 s3, $0x2;
	s30 =	sshrl.u32 s30, $0x2  }
0x66: {  	s6 =	sadd.s32 $0x1, s0;
	s31 =	sadd.s32 $0x80, s31;
	s30 =	sadd.s32 $0x1800, s30  }
0x67: {  	[tilespmem:s30], [sflag:s6] =	stream.indirect.gather [hbm4b:s4+s22], $0x80, s31, s22, $0xb8;
	[tilespmem:$0x1A080] =	vst v63  }
.LBB2_9:
0x68: {  	s0 =	smul.u32 $0xA000, s29;
	s30 =	sshrl.u32 s3, $0x2  }
0x69: {  	s6 =	sadd.s32 $0x1, s29;
	s3 =	sadd.s32 $0x1000, s30  }
0x6a: {  	_ =	swait.ge [sflag:s6], $0x2800;
	s0 =	sshrl.u32 s0, $0x2;
	v17 =	vmov s3  }
0x6b: {  	[sflag:s6] =	ssyncset.done $0x0;
	s31 =	sadd.s32 $0x1800, s0  }
0x6c: {  	[sflag:s6] =	ssyncadd.s32 $0xFFFFD800;
	s0 =	simm.s32 $0x0;
	v18 =	vmov s31  }
.LBB2_10:
0x6d: {  	s3 =	sshll.u32 s0, $0x4  }
0x6e: {  	s3 =	sand.u32 $0x3FFFFFF0, s3  }
0x6f: {  	s6 =	sshll.u32 s0, $0xD;
	v19 =	vld.idx.msk [tilespmem:v17+s3+$0x0 ss:$0x1], $0xffff  }
0x70: {  	s3 =	sshra.s32 s6, $0x2  }
0x71: {  	v20 =	vld.idx.msk [tilespmem:v18+s3+$0x0 ss:$0x1], $0xffff;
	_ =	sdelay $0x2  }
0x72: {  	v21 =	vperm.xlane v19, v1;
	_ =	sdelay $0x1  }
0x73: {  	v20 =	vmul.f32 v20, v21;
	_ =	sdelay $0x1  }
0x74: {  	[tilespmem:v18+s3+$0x0 ss:$0x1] =	vst.idx.msk $0xffff, v20  }
0x75: {  	v20 =	vld.idx.msk [tilespmem:v18+s3+$0x10 ss:$0x1], $0xffff;
	_ =	sdelay $0x4  }
0x76: {  	v20 =	vmul.f32 v20, v21;
	_ =	sdelay $0x1  }
0x77: {  	[tilespmem:v18+s3+$0x10 ss:$0x1] =	vst.idx.msk $0xffff, v20  }
0x78: {  	v20 =	vld.idx.msk [tilespmem:v18+s3+$0x20 ss:$0x1], $0xffff;
	_ =	sdelay $0x4  }
0x79: {  	v20 =	vmul.f32 v20, v21;
	_ =	sdelay $0x1  }
0x7a: {  	[tilespmem:v18+s3+$0x20 ss:$0x1] =	vst.idx.msk $0xffff, v20  }
0x7b: {  	v20 =	vld.idx.msk [tilespmem:v18+s3+$0x30 ss:$0x1], $0xffff;
	_ =	sdelay $0x4  }
0x7c: {  	v20 =	vmul.f32 v20, v21;
	_ =	sdelay $0x1  }
0x7d: {  	[tilespmem:v18+s3+$0x30 ss:$0x1] =	vst.idx.msk $0xffff, v20  }
0x7e: {  	v20 =	vld.idx.msk [tilespmem:v18+s3+$0x40 ss:$0x1], $0xffff;
	_ =	sdelay $0x4  }
0x7f: {  	v20 =	vmul.f32 v20, v21;
	_ =	sdelay $0x1  }
0x80: {  	[tilespmem:v18+s3+$0x40 ss:$0x1] =	vst.idx.msk $0xffff, v20  }
0x81: {  	v20 =	vld.idx.msk [tilespmem:v18+s3+$0x50 ss:$0x1], $0xffff;
	_ =	sdelay $0x4  }
0x82: {  	v20 =	vmul.f32 v20, v21;
	_ =	sdelay $0x1  }
0x83: {  	[tilespmem:v18+s3+$0x50 ss:$0x1] =	vst.idx.msk $0xffff, v20  }
0x84: {  	v20 =	vld.idx.msk [tilespmem:v18+s3+$0x60 ss:$0x1], $0xffff;
	_ =	sdelay $0x4  }
0x85: {  	v20 =	vmul.f32 v20, v21;
	_ =	sdelay $0x1  }
0x86: {  	[tilespmem:v18+s3+$0x60 ss:$0x1] =	vst.idx.msk $0xffff, v20  }
0x87: {  	v20 =	vld.idx.msk [tilespmem:v18+s3+$0x70 ss:$0x1], $0xffff;
	_ =	sdelay $0x4  }
0x88: {  	v20 =	vmul.f32 v20, v21;
	_ =	sdelay $0x1  }
0x89: {  	[tilespmem:v18+s3+$0x70 ss:$0x1] =	vst.idx.msk $0xffff, v20  }
0x8a: {  	v20 =	vld.idx.msk [tilespmem:v18+s3+$0x80 ss:$0x1], $0xffff;
	_ =	sdelay $0x2  }
0x8b: {  	v50 =	vperm.xlane v19, v2;
	_ =	sdelay $0x1  }
0x8c: {  	v20 =	vmul.f32 v20, v50;
	_ =	sdelay $0x1  }
0x8d: {  	[tilespmem:v18+s3+$0x80 ss:$0x1] =	vst.idx.msk $0xffff, v20  }
0x8e: {  	v20 =	vld.idx.msk [tilespmem:v18+s3+$0x90 ss:$0x1], $0xffff;
	_ =	sdelay $0x4  }
0x8f: {  	v20 =	vmul.f32 v20, v50;
	_ =	sdelay $0x1  }
0x90: {  	[tilespmem:v18+s3+$0x90 ss:$0x1] =	vst.idx.msk $0xffff, v20  }
0x91: {  	v20 =	vld.idx.msk [tilespmem:v18+s3+$0xA0 ss:$0x1], $0xffff;
	_ =	sdelay $0x4  }
0x92: {  	v20 =	vmul.f32 v20, v50;
	_ =	sdelay $0x1  }
0x93: {  	[tilespmem:v18+s3+$0xA0 ss:$0x1] =	vst.idx.msk $0xffff, v20  }
0x94: {  	v20 =	vld.idx.msk [tilespmem:v18+s3+$0xB0 ss:$0x1], $0xffff;
	_ =	sdelay $0x4  }
0x95: {  	v20 =	vmul.f32 v20, v50;
	_ =	sdelay $0x1  }
0x96: {  	[tilespmem:v18+s3+$0xB0 ss:$0x1] =	vst.idx.msk $0xffff, v20  }
0x97: {  	v20 =	vld.idx.msk [tilespmem:v18+s3+$0xC0 ss:$0x1], $0xffff;
	_ =	sdelay $0x4  }
0x98: {  	v20 =	vmul.f32 v20, v50;
	_ =	sdelay $0x1  }
0x99: {  	[tilespmem:v18+s3+$0xC0 ss:$0x1] =	vst.idx.msk $0xffff, v20  }
0x9a: {  	v20 =	vld.idx.msk [tilespmem:v18+s3+$0xD0 ss:$0x1], $0xffff;
	_ =	sdelay $0x4  }
0x9b: {  	v20 =	vmul.f32 v20, v50;
	_ =	sdelay $0x1  }
0x9c: {  	[tilespmem:v18+s3+$0xD0 ss:$0x1] =	vst.idx.msk $0xffff, v20  }
0x9d: {  	v20 =	vld.idx.msk [tilespmem:v18+s3+$0xE0 ss:$0x1], $0xffff;
	_ =	sdelay $0x4  }
0x9e: {  	v20 =	vmul.f32 v20, v50;
	_ =	sdelay $0x1  }
0x9f: {  	[tilespmem:v18+s3+$0xE0 ss:$0x1] =	vst.idx.msk $0xffff, v20  }
0xa0: {  	v20 =	vld.idx.msk [tilespmem:v18+s3+$0xF0 ss:$0x1], $0xffff;
	_ =	sdelay $0x4  }
0xa1: {  	v20 =	vmul.f32 v20, v50;
	_ =	sdelay $0x1  }
0xa2: {  	[tilespmem:v18+s3+$0xF0 ss:$0x1] =	vst.idx.msk $0xffff, v20  }
0xa3: {  	v20 =	vld.idx.msk [tilespmem:v18+s3+$0x100 ss:$0x1], $0xffff;
	_ =	sdelay $0x2  }
0xa4: {  	v51 =	vperm.xlane v19, v3;
	_ =	sdelay $0x1  }
0xa5: {  	v20 =	vmul.f32 v20, v51;
	_ =	sdelay $0x1  }
0xa6: {  	[tilespmem:v18+s3+$0x100 ss:$0x1] =	vst.idx.msk $0xffff, v20  }
0xa7: {  	v20 =	vld.idx.msk [tilespmem:v18+s3+$0x110 ss:$0x1], $0xffff;
	_ =	sdelay $0x4  }
0xa8: {  	v20 =	vmul.f32 v20, v51;
	_ =	sdelay $0x1  }
0xa9: {  	[tilespmem:v18+s3+$0x110 ss:$0x1] =	vst.idx.msk $0xffff, v20  }
0xaa: {  	v20 =	vld.idx.msk [tilespmem:v18+s3+$0x120 ss:$0x1], $0xffff;
	_ =	sdelay $0x4  }
0xab: {  	v20 =	vmul.f32 v20, v51;
	_ =	sdelay $0x1  }
0xac: {  	[tilespmem:v18+s3+$0x120 ss:$0x1] =	vst.idx.msk $0xffff, v20  }
0xad: {  	v20 =	vld.idx.msk [tilespmem:v18+s3+$0x130 ss:$0x1], $0xffff;
	_ =	sdelay $0x4  }
0xae: {  	v20 =	vmul.f32 v20, v51;
	_ =	sdelay $0x1  }
0xaf: {  	[tilespmem:v18+s3+$0x130 ss:$0x1] =	vst.idx.msk $0xffff, v20  }
0xb0: {  	v20 =	vld.idx.msk [tilespmem:v18+s3+$0x140 ss:$0x1], $0xffff;
	_ =	sdelay $0x4  }
0xb1: {  	v20 =	vmul.f32 v20, v51;
	_ =	sdelay $0x1  }
0xb2: {  	[tilespmem:v18+s3+$0x140 ss:$0x1] =	vst.idx.msk $0xffff, v20  }
0xb3: {  	v20 =	vld.idx.msk [tilespmem:v18+s3+$0x150 ss:$0x1], $0xffff;
	_ =	sdelay $0x4  }
0xb4: {  	v20 =	vmul.f32 v20, v51;
	_ =	sdelay $0x1  }
0xb5: {  	[tilespmem:v18+s3+$0x150 ss:$0x1] =	vst.idx.msk $0xffff, v20  }
0xb6: {  	v20 =	vld.idx.msk [tilespmem:v18+s3+$0x160 ss:$0x1], $0xffff;
	_ =	sdelay $0x4  }
0xb7: {  	v20 =	vmul.f32 v20, v51;
	_ =	sdelay $0x1  }
0xb8: {  	[tilespmem:v18+s3+$0x160 ss:$0x1] =	vst.idx.msk $0xffff, v20  }
0xb9: {  	v20 =	vld.idx.msk [tilespmem:v18+s3+$0x170 ss:$0x1], $0xffff;
	_ =	sdelay $0x4  }
0xba: {  	v20 =	vmul.f32 v20, v51;
	_ =	sdelay $0x1  }
0xbb: {  	[tilespmem:v18+s3+$0x170 ss:$0x1] =	vst.idx.msk $0xffff, v20  }
0xbc: {  	v20 =	vld.idx.msk [tilespmem:v18+s3+$0x180 ss:$0x1], $0xffff;
	_ =	sdelay $0x2  }
0xbd: {  	v52 =	vperm.xlane v19, v4;
	_ =	sdelay $0x1  }
0xbe: {  	v20 =	vmul.f32 v20, v52;
	_ =	sdelay $0x1  }
0xbf: {  	[tilespmem:v18+s3+$0x180 ss:$0x1] =	vst.idx.msk $0xffff, v20  }
0xc0: {  	v20 =	vld.idx.msk [tilespmem:v18+s3+$0x190 ss:$0x1], $0xffff;
	_ =	sdelay $0x4  }
0xc1: {  	v20 =	vmul.f32 v20, v52;
	_ =	sdelay $0x1  }
0xc2: {  	[tilespmem:v18+s3+$0x190 ss:$0x1] =	vst.idx.msk $0xffff, v20  }
0xc3: {  	v20 =	vld.idx.msk [tilespmem:v18+s3+$0x1A0 ss:$0x1], $0xffff;
	_ =	sdelay $0x4  }
0xc4: {  	v20 =	vmul.f32 v20, v52;
	_ =	sdelay $0x1  }
0xc5: {  	[tilespmem:v18+s3+$0x1A0 ss:$0x1] =	vst.idx.msk $0xffff, v20  }
0xc6: {  	v20 =	vld.idx.msk [tilespmem:v18+s3+$0x1B0 ss:$0x1], $0xffff;
	_ =	sdelay $0x4  }
0xc7: {  	v20 =	vmul.f32 v20, v52;
	_ =	sdelay $0x1  }
0xc8: {  	[tilespmem:v18+s3+$0x1B0 ss:$0x1] =	vst.idx.msk $0xffff, v20  }
0xc9: {  	v20 =	vld.idx.msk [tilespmem:v18+s3+$0x1C0 ss:$0x1], $0xffff;
	_ =	sdelay $0x4  }
0xca: {  	v20 =	vmul.f32 v20, v52;
	_ =	sdelay $0x1  }
0xcb: {  	[tilespmem:v18+s3+$0x1C0 ss:$0x1] =	vst.idx.msk $0xffff, v20  }
0xcc: {  	v20 =	vld.idx.msk [tilespmem:v18+s3+$0x1D0 ss:$0x1], $0xffff;
	_ =	sdelay $0x4  }
0xcd: {  	v20 =	vmul.f32 v20, v52;
	_ =	sdelay $0x1  }
0xce: {  	[tilespmem:v18+s3+$0x1D0 ss:$0x1] =	vst.idx.msk $0xffff, v20  }
0xcf: {  	v20 =	vld.idx.msk [tilespmem:v18+s3+$0x1E0 ss:$0x1], $0xffff;
	_ =	sdelay $0x4  }
0xd0: {  	v20 =	vmul.f32 v20, v52;
	_ =	sdelay $0x1  }
0xd1: {  	[tilespmem:v18+s3+$0x1E0 ss:$0x1] =	vst.idx.msk $0xffff, v20  }
0xd2: {  	v20 =	vld.idx.msk [tilespmem:v18+s3+$0x1F0 ss:$0x1], $0xffff;
	_ =	sdelay $0x4  }
0xd3: {  	v20 =	vmul.f32 v20, v52;
	_ =	sdelay $0x1  }
0xd4: {  	[tilespmem:v18+s3+$0x1F0 ss:$0x1] =	vst.idx.msk $0xffff, v20  }
0xd5: {  	v20 =	vld.idx.msk [tilespmem:v18+s3+$0x200 ss:$0x1], $0xffff;
	_ =	sdelay $0x2  }
0xd6: {  	v53 =	vperm.xlane v19, v5;
	_ =	sdelay $0x1  }
0xd7: {  	v20 =	vmul.f32 v20, v53;
	_ =	sdelay $0x1  }
0xd8: {  	[tilespmem:v18+s3+$0x200 ss:$0x1] =	vst.idx.msk $0xffff, v20  }
0xd9: {  	v20 =	vld.idx.msk [tilespmem:v18+s3+$0x210 ss:$0x1], $0xffff;
	_ =	sdelay $0x4  }
0xda: {  	v20 =	vmul.f32 v20, v53;
	_ =	sdelay $0x1  }
0xdb: {  	[tilespmem:v18+s3+$0x210 ss:$0x1] =	vst.idx.msk $0xffff, v20  }
0xdc: {  	v20 =	vld.idx.msk [tilespmem:v18+s3+$0x220 ss:$0x1], $0xffff;
	_ =	sdelay $0x4  }
0xdd: {  	v20 =	vmul.f32 v20, v53;
	_ =	sdelay $0x1  }
0xde: {  	[tilespmem:v18+s3+$0x220 ss:$0x1] =	vst.idx.msk $0xffff, v20  }
0xdf: {  	v20 =	vld.idx.msk [tilespmem:v18+s3+$0x230 ss:$0x1], $0xffff;
	_ =	sdelay $0x4  }
0xe0: {  	v20 =	vmul.f32 v20, v53;
	_ =	sdelay $0x1  }
0xe1: {  	[tilespmem:v18+s3+$0x230 ss:$0x1] =	vst.idx.msk $0xffff, v20  }
0xe2: {  	v20 =	vld.idx.msk [tilespmem:v18+s3+$0x240 ss:$0x1], $0xffff;
	_ =	sdelay $0x4  }
0xe3: {  	v20 =	vmul.f32 v20, v53;
	_ =	sdelay $0x1  }
0xe4: {  	[tilespmem:v18+s3+$0x240 ss:$0x1] =	vst.idx.msk $0xffff, v20  }
0xe5: {  	v20 =	vld.idx.msk [tilespmem:v18+s3+$0x250 ss:$0x1], $0xffff;
	_ =	sdelay $0x4  }
0xe6: {  	v20 =	vmul.f32 v20, v53;
	_ =	sdelay $0x1  }
0xe7: {  	[tilespmem:v18+s3+$0x250 ss:$0x1] =	vst.idx.msk $0xffff, v20  }
0xe8: {  	v20 =	vld.idx.msk [tilespmem:v18+s3+$0x260 ss:$0x1], $0xffff;
	_ =	sdelay $0x4  }
0xe9: {  	v20 =	vmul.f32 v20, v53;
	_ =	sdelay $0x1  }
0xea: {  	[tilespmem:v18+s3+$0x260 ss:$0x1] =	vst.idx.msk $0xffff, v20  }
0xeb: {  	v20 =	vld.idx.msk [tilespmem:v18+s3+$0x270 ss:$0x1], $0xffff;
	_ =	sdelay $0x4  }
0xec: {  	v20 =	vmul.f32 v20, v53;
	_ =	sdelay $0x1  }
0xed: {  	[tilespmem:v18+s3+$0x270 ss:$0x1] =	vst.idx.msk $0xffff, v20  }
0xee: {  	v20 =	vld.idx.msk [tilespmem:v18+s3+$0x280 ss:$0x1], $0xffff;
	_ =	sdelay $0x2  }
0xef: {  	v54 =	vperm.xlane v19, v6;
	_ =	sdelay $0x1  }
0xf0: {  	v20 =	vmul.f32 v20, v54;
	_ =	sdelay $0x1  }
0xf1: {  	[tilespmem:v18+s3+$0x280 ss:$0x1] =	vst.idx.msk $0xffff, v20  }
0xf2: {  	v20 =	vld.idx.msk [tilespmem:v18+s3+$0x290 ss:$0x1], $0xffff;
	_ =	sdelay $0x4  }
0xf3: {  	v20 =	vmul.f32 v20, v54;
	_ =	sdelay $0x1  }
0xf4: {  	[tilespmem:v18+s3+$0x290 ss:$0x1] =	vst.idx.msk $0xffff, v20  }
0xf5: {  	v20 =	vld.idx.msk [tilespmem:v18+s3+$0x2A0 ss:$0x1], $0xffff;
	_ =	sdelay $0x4  }
0xf6: {  	v20 =	vmul.f32 v20, v54;
	_ =	sdelay $0x1  }
0xf7: {  	[tilespmem:v18+s3+$0x2A0 ss:$0x1] =	vst.idx.msk $0xffff, v20  }
0xf8: {  	v20 =	vld.idx.msk [tilespmem:v18+s3+$0x2B0 ss:$0x1], $0xffff;
	_ =	sdelay $0x4  }
0xf9: {  	v20 =	vmul.f32 v20, v54;
	_ =	sdelay $0x1  }
0xfa: {  	[tilespmem:v18+s3+$0x2B0 ss:$0x1] =	vst.idx.msk $0xffff, v20  }
0xfb: {  	v20 =	vld.idx.msk [tilespmem:v18+s3+$0x2C0 ss:$0x1], $0xffff;
	_ =	sdelay $0x4  }
0xfc: {  	v20 =	vmul.f32 v20, v54;
	_ =	sdelay $0x1  }
0xfd: {  	[tilespmem:v18+s3+$0x2C0 ss:$0x1] =	vst.idx.msk $0xffff, v20  }
0xfe: {  	v20 =	vld.idx.msk [tilespmem:v18+s3+$0x2D0 ss:$0x1], $0xffff;
	_ =	sdelay $0x4  }
0xff: {  	v20 =	vmul.f32 v20, v54;
	_ =	sdelay $0x1  }
0x100: {  	[tilespmem:v18+s3+$0x2D0 ss:$0x1] =	vst.idx.msk $0xffff, v20  }
0x101: {  	v20 =	vld.idx.msk [tilespmem:v18+s3+$0x2E0 ss:$0x1], $0xffff;
	_ =	sdelay $0x4  }
0x102: {  	v20 =	vmul.f32 v20, v54;
	_ =	sdelay $0x1  }
0x103: {  	[tilespmem:v18+s3+$0x2E0 ss:$0x1] =	vst.idx.msk $0xffff, v20  }
0x104: {  	v20 =	vld.idx.msk [tilespmem:v18+s3+$0x2F0 ss:$0x1], $0xffff;
	_ =	sdelay $0x4  }
0x105: {  	v20 =	vmul.f32 v20, v54;
	_ =	sdelay $0x1  }
0x106: {  	[tilespmem:v18+s3+$0x2F0 ss:$0x1] =	vst.idx.msk $0xffff, v20  }
0x107: {  	v20 =	vld.idx.msk [tilespmem:v18+s3+$0x300 ss:$0x1], $0xffff;
	_ =	sdelay $0x2  }
0x108: {  	v55 =	vperm.xlane v19, v7;
	_ =	sdelay $0x1  }
0x109: {  	v20 =	vmul.f32 v20, v55;
	_ =	sdelay $0x1  }
0x10a: {  	[tilespmem:v18+s3+$0x300 ss:$0x1] =	vst.idx.msk $0xffff, v20  }
0x10b: {  	v20 =	vld.idx.msk [tilespmem:v18+s3+$0x310 ss:$0x1], $0xffff;
	_ =	sdelay $0x4  }
0x10c: {  	v20 =	vmul.f32 v20, v55;
	_ =	sdelay $0x1  }
0x10d: {  	[tilespmem:v18+s3+$0x310 ss:$0x1] =	vst.idx.msk $0xffff, v20  }
0x10e: {  	v20 =	vld.idx.msk [tilespmem:v18+s3+$0x320 ss:$0x1], $0xffff;
	_ =	sdelay $0x4  }
0x10f: {  	v20 =	vmul.f32 v20, v55;
	_ =	sdelay $0x1  }
0x110: {  	[tilespmem:v18+s3+$0x320 ss:$0x1] =	vst.idx.msk $0xffff, v20  }
0x111: {  	v20 =	vld.idx.msk [tilespmem:v18+s3+$0x330 ss:$0x1], $0xffff;
	_ =	sdelay $0x4  }
0x112: {  	v20 =	vmul.f32 v20, v55;
	_ =	sdelay $0x1  }
0x113: {  	[tilespmem:v18+s3+$0x330 ss:$0x1] =	vst.idx.msk $0xffff, v20  }
0x114: {  	v20 =	vld.idx.msk [tilespmem:v18+s3+$0x340 ss:$0x1], $0xffff;
	_ =	sdelay $0x4  }
0x115: {  	v20 =	vmul.f32 v20, v55;
	_ =	sdelay $0x1  }
0x116: {  	[tilespmem:v18+s3+$0x340 ss:$0x1] =	vst.idx.msk $0xffff, v20  }
0x117: {  	v20 =	vld.idx.msk [tilespmem:v18+s3+$0x350 ss:$0x1], $0xffff;
	_ =	sdelay $0x4  }
0x118: {  	v20 =	vmul.f32 v20, v55;
	_ =	sdelay $0x1  }
0x119: {  	[tilespmem:v18+s3+$0x350 ss:$0x1] =	vst.idx.msk $0xffff, v20  }
0x11a: {  	v20 =	vld.idx.msk [tilespmem:v18+s3+$0x360 ss:$0x1], $0xffff;
	_ =	sdelay $0x4  }
0x11b: {  	v20 =	vmul.f32 v20, v55;
	_ =	sdelay $0x1  }
0x11c: {  	[tilespmem:v18+s3+$0x360 ss:$0x1] =	vst.idx.msk $0xffff, v20  }
0x11d: {  	v20 =	vld.idx.msk [tilespmem:v18+s3+$0x370 ss:$0x1], $0xffff;
	_ =	sdelay $0x4  }
0x11e: {  	v20 =	vmul.f32 v20, v55;
	_ =	sdelay $0x1  }
0x11f: {  	[tilespmem:v18+s3+$0x370 ss:$0x1] =	vst.idx.msk $0xffff, v20  }
0x120: {  	v20 =	vld.idx.msk [tilespmem:v18+s3+$0x380 ss:$0x1], $0xffff;
	_ =	sdelay $0x2  }
0x121: {  	v56 =	vperm.xlane v19, v8;
	_ =	sdelay $0x1  }
0x122: {  	v20 =	vmul.f32 v20, v56;
	_ =	sdelay $0x1  }
0x123: {  	[tilespmem:v18+s3+$0x380 ss:$0x1] =	vst.idx.msk $0xffff, v20  }
0x124: {  	v20 =	vld.idx.msk [tilespmem:v18+s3+$0x390 ss:$0x1], $0xffff;
	_ =	sdelay $0x4  }
0x125: {  	v20 =	vmul.f32 v20, v56;
	_ =	sdelay $0x1  }
0x126: {  	[tilespmem:v18+s3+$0x390 ss:$0x1] =	vst.idx.msk $0xffff, v20  }
0x127: {  	v20 =	vld.idx.msk [tilespmem:v18+s3+$0x3A0 ss:$0x1], $0xffff;
	_ =	sdelay $0x4  }
0x128: {  	v20 =	vmul.f32 v20, v56;
	_ =	sdelay $0x1  }
0x129: {  	[tilespmem:v18+s3+$0x3A0 ss:$0x1] =	vst.idx.msk $0xffff, v20  }
0x12a: {  	v20 =	vld.idx.msk [tilespmem:v18+s3+$0x3B0 ss:$0x1], $0xffff;
	_ =	sdelay $0x4  }
0x12b: {  	v20 =	vmul.f32 v20, v56;
	_ =	sdelay $0x1  }
0x12c: {  	[tilespmem:v18+s3+$0x3B0 ss:$0x1] =	vst.idx.msk $0xffff, v20  }
0x12d: {  	v20 =	vld.idx.msk [tilespmem:v18+s3+$0x3C0 ss:$0x1], $0xffff;
	_ =	sdelay $0x4  }
0x12e: {  	v20 =	vmul.f32 v20, v56;
	_ =	sdelay $0x1  }
0x12f: {  	[tilespmem:v18+s3+$0x3C0 ss:$0x1] =	vst.idx.msk $0xffff, v20  }
0x130: {  	v20 =	vld.idx.msk [tilespmem:v18+s3+$0x3D0 ss:$0x1], $0xffff;
	_ =	sdelay $0x4  }
0x131: {  	v20 =	vmul.f32 v20, v56;
	_ =	sdelay $0x1  }
0x132: {  	[tilespmem:v18+s3+$0x3D0 ss:$0x1] =	vst.idx.msk $0xffff, v20  }
0x133: {  	v20 =	vld.idx.msk [tilespmem:v18+s3+$0x3E0 ss:$0x1], $0xffff;
	_ =	sdelay $0x4  }
0x134: {  	v20 =	vmul.f32 v20, v56;
	_ =	sdelay $0x1  }
0x135: {  	[tilespmem:v18+s3+$0x3E0 ss:$0x1] =	vst.idx.msk $0xffff, v20  }
0x136: {  	v20 =	vld.idx.msk [tilespmem:v18+s3+$0x3F0 ss:$0x1], $0xffff;
	_ =	sdelay $0x4  }
0x137: {  	v20 =	vmul.f32 v20, v56;
	_ =	sdelay $0x1  }
0x138: {  	[tilespmem:v18+s3+$0x3F0 ss:$0x1] =	vst.idx.msk $0xffff, v20  }
0x139: {  	v20 =	vld.idx.msk [tilespmem:v18+s3+$0x400 ss:$0x1], $0xffff;
	_ =	sdelay $0x2  }
0x13a: {  	v57 =	vperm.xlane v19, v9;
	_ =	sdelay $0x1  }
0x13b: {  	v20 =	vmul.f32 v20, v57;
	_ =	sdelay $0x1  }
0x13c: {  	[tilespmem:v18+s3+$0x400 ss:$0x1] =	vst.idx.msk $0xffff, v20  }
0x13d: {  	v20 =	vld.idx.msk [tilespmem:v18+s3+$0x410 ss:$0x1], $0xffff;
	_ =	sdelay $0x4  }
0x13e: {  	v20 =	vmul.f32 v20, v57;
	_ =	sdelay $0x1  }
0x13f: {  	[tilespmem:v18+s3+$0x410 ss:$0x1] =	vst.idx.msk $0xffff, v20  }
0x140: {  	v20 =	vld.idx.msk [tilespmem:v18+s3+$0x420 ss:$0x1], $0xffff;
	_ =	sdelay $0x4  }
0x141: {  	v20 =	vmul.f32 v20, v57;
	_ =	sdelay $0x1  }
0x142: {  	[tilespmem:v18+s3+$0x420 ss:$0x1] =	vst.idx.msk $0xffff, v20  }
0x143: {  	v20 =	vld.idx.msk [tilespmem:v18+s3+$0x430 ss:$0x1], $0xffff;
	_ =	sdelay $0x4  }
0x144: {  	v20 =	vmul.f32 v20, v57;
	_ =	sdelay $0x1  }
0x145: {  	[tilespmem:v18+s3+$0x430 ss:$0x1] =	vst.idx.msk $0xffff, v20  }
0x146: {  	v20 =	vld.idx.msk [tilespmem:v18+s3+$0x440 ss:$0x1], $0xffff;
	_ =	sdelay $0x4  }
0x147: {  	v20 =	vmul.f32 v20, v57;
	_ =	sdelay $0x1  }
0x148: {  	[tilespmem:v18+s3+$0x440 ss:$0x1] =	vst.idx.msk $0xffff, v20  }
0x149: {  	v20 =	vld.idx.msk [tilespmem:v18+s3+$0x450 ss:$0x1], $0xffff;
	_ =	sdelay $0x4  }
0x14a: {  	v20 =	vmul.f32 v20, v57;
	_ =	sdelay $0x1  }
0x14b: {  	[tilespmem:v18+s3+$0x450 ss:$0x1] =	vst.idx.msk $0xffff, v20  }
0x14c: {  	v20 =	vld.idx.msk [tilespmem:v18+s3+$0x460 ss:$0x1], $0xffff;
	_ =	sdelay $0x4  }
0x14d: {  	v20 =	vmul.f32 v20, v57;
	_ =	sdelay $0x1  }
0x14e: {  	[tilespmem:v18+s3+$0x460 ss:$0x1] =	vst.idx.msk $0xffff, v20  }
0x14f: {  	v20 =	vld.idx.msk [tilespmem:v18+s3+$0x470 ss:$0x1], $0xffff;
	_ =	sdelay $0x4  }
0x150: {  	v20 =	vmul.f32 v20, v57;
	_ =	sdelay $0x1  }
0x151: {  	[tilespmem:v18+s3+$0x470 ss:$0x1] =	vst.idx.msk $0xffff, v20  }
0x152: {  	v20 =	vld.idx.msk [tilespmem:v18+s3+$0x480 ss:$0x1], $0xffff;
	_ =	sdelay $0x2  }
0x153: {  	v58 =	vperm.xlane v19, v10;
	_ =	sdelay $0x1  }
0x154: {  	v20 =	vmul.f32 v20, v58;
	_ =	sdelay $0x1  }
0x155: {  	[tilespmem:v18+s3+$0x480 ss:$0x1] =	vst.idx.msk $0xffff, v20  }
0x156: {  	v20 =	vld.idx.msk [tilespmem:v18+s3+$0x490 ss:$0x1], $0xffff;
	_ =	sdelay $0x4  }
0x157: {  	v20 =	vmul.f32 v20, v58;
	_ =	sdelay $0x1  }
0x158: {  	[tilespmem:v18+s3+$0x490 ss:$0x1] =	vst.idx.msk $0xffff, v20  }
0x159: {  	v20 =	vld.idx.msk [tilespmem:v18+s3+$0x4A0 ss:$0x1], $0xffff;
	_ =	sdelay $0x4  }
0x15a: {  	v20 =	vmul.f32 v20, v58;
	_ =	sdelay $0x1  }
0x15b: {  	[tilespmem:v18+s3+$0x4A0 ss:$0x1] =	vst.idx.msk $0xffff, v20  }
0x15c: {  	v20 =	vld.idx.msk [tilespmem:v18+s3+$0x4B0 ss:$0x1], $0xffff;
	_ =	sdelay $0x4  }
0x15d: {  	v20 =	vmul.f32 v20, v58;
	_ =	sdelay $0x1  }
0x15e: {  	[tilespmem:v18+s3+$0x4B0 ss:$0x1] =	vst.idx.msk $0xffff, v20  }
0x15f: {  	v20 =	vld.idx.msk [tilespmem:v18+s3+$0x4C0 ss:$0x1], $0xffff;
	_ =	sdelay $0x4  }
0x160: {  	v20 =	vmul.f32 v20, v58;
	_ =	sdelay $0x1  }
0x161: {  	[tilespmem:v18+s3+$0x4C0 ss:$0x1] =	vst.idx.msk $0xffff, v20  }
0x162: {  	v20 =	vld.idx.msk [tilespmem:v18+s3+$0x4D0 ss:$0x1], $0xffff;
	_ =	sdelay $0x4  }
0x163: {  	v20 =	vmul.f32 v20, v58;
	_ =	sdelay $0x1  }
0x164: {  	[tilespmem:v18+s3+$0x4D0 ss:$0x1] =	vst.idx.msk $0xffff, v20  }
0x165: {  	v20 =	vld.idx.msk [tilespmem:v18+s3+$0x4E0 ss:$0x1], $0xffff;
	_ =	sdelay $0x4  }
0x166: {  	v20 =	vmul.f32 v20, v58;
	_ =	sdelay $0x1  }
0x167: {  	[tilespmem:v18+s3+$0x4E0 ss:$0x1] =	vst.idx.msk $0xffff, v20  }
0x168: {  	v20 =	vld.idx.msk [tilespmem:v18+s3+$0x4F0 ss:$0x1], $0xffff;
	_ =	sdelay $0x4  }
0x169: {  	v20 =	vmul.f32 v20, v58;
	_ =	sdelay $0x1  }
0x16a: {  	[tilespmem:v18+s3+$0x4F0 ss:$0x1] =	vst.idx.msk $0xffff, v20  }
0x16b: {  	v20 =	vld.idx.msk [tilespmem:v18+s3+$0x500 ss:$0x1], $0xffff;
	_ =	sdelay $0x2  }
0x16c: {  	v59 =	vperm.xlane v19, v11;
	_ =	sdelay $0x1  }
0x16d: {  	v20 =	vmul.f32 v20, v59;
	_ =	sdelay $0x1  }
0x16e: {  	[tilespmem:v18+s3+$0x500 ss:$0x1] =	vst.idx.msk $0xffff, v20  }
0x16f: {  	v20 =	vld.idx.msk [tilespmem:v18+s3+$0x510 ss:$0x1], $0xffff;
	_ =	sdelay $0x4  }
0x170: {  	v20 =	vmul.f32 v20, v59;
	_ =	sdelay $0x1  }
0x171: {  	[tilespmem:v18+s3+$0x510 ss:$0x1] =	vst.idx.msk $0xffff, v20  }
0x172: {  	v20 =	vld.idx.msk [tilespmem:v18+s3+$0x520 ss:$0x1], $0xffff;
	_ =	sdelay $0x4  }
0x173: {  	v20 =	vmul.f32 v20, v59;
	_ =	sdelay $0x1  }
0x174: {  	[tilespmem:v18+s3+$0x520 ss:$0x1] =	vst.idx.msk $0xffff, v20  }
0x175: {  	v20 =	vld.idx.msk [tilespmem:v18+s3+$0x530 ss:$0x1], $0xffff;
	_ =	sdelay $0x4  }
0x176: {  	v20 =	vmul.f32 v20, v59;
	_ =	sdelay $0x1  }
0x177: {  	[tilespmem:v18+s3+$0x530 ss:$0x1] =	vst.idx.msk $0xffff, v20  }
0x178: {  	v20 =	vld.idx.msk [tilespmem:v18+s3+$0x540 ss:$0x1], $0xffff;
	_ =	sdelay $0x4  }
0x179: {  	v20 =	vmul.f32 v20, v59;
	_ =	sdelay $0x1  }
0x17a: {  	[tilespmem:v18+s3+$0x540 ss:$0x1] =	vst.idx.msk $0xffff, v20  }
0x17b: {  	v20 =	vld.idx.msk [tilespmem:v18+s3+$0x550 ss:$0x1], $0xffff;
	_ =	sdelay $0x4  }
0x17c: {  	v20 =	vmul.f32 v20, v59;
	_ =	sdelay $0x1  }
0x17d: {  	[tilespmem:v18+s3+$0x550 ss:$0x1] =	vst.idx.msk $0xffff, v20  }
0x17e: {  	v20 =	vld.idx.msk [tilespmem:v18+s3+$0x560 ss:$0x1], $0xffff;
	_ =	sdelay $0x4  }
0x17f: {  	v20 =	vmul.f32 v20, v59;
	_ =	sdelay $0x1  }
0x180: {  	[tilespmem:v18+s3+$0x560 ss:$0x1] =	vst.idx.msk $0xffff, v20  }
0x181: {  	v20 =	vld.idx.msk [tilespmem:v18+s3+$0x570 ss:$0x1], $0xffff;
	_ =	sdelay $0x4  }
0x182: {  	v20 =	vmul.f32 v20, v59;
	_ =	sdelay $0x1  }
0x183: {  	[tilespmem:v18+s3+$0x570 ss:$0x1] =	vst.idx.msk $0xffff, v20  }
0x184: {  	v20 =	vld.idx.msk [tilespmem:v18+s3+$0x580 ss:$0x1], $0xffff;
	_ =	sdelay $0x2  }
0x185: {  	v60 =	vperm.xlane v19, v12;
	_ =	sdelay $0x1  }
0x186: {  	v20 =	vmul.f32 v20, v60;
	_ =	sdelay $0x1  }
0x187: {  	[tilespmem:v18+s3+$0x580 ss:$0x1] =	vst.idx.msk $0xffff, v20  }
0x188: {  	v20 =	vld.idx.msk [tilespmem:v18+s3+$0x590 ss:$0x1], $0xffff;
	_ =	sdelay $0x4  }
0x189: {  	v20 =	vmul.f32 v20, v60;
	_ =	sdelay $0x1  }
0x18a: {  	[tilespmem:v18+s3+$0x590 ss:$0x1] =	vst.idx.msk $0xffff, v20  }
0x18b: {  	v20 =	vld.idx.msk [tilespmem:v18+s3+$0x5A0 ss:$0x1], $0xffff;
	_ =	sdelay $0x4  }
0x18c: {  	v20 =	vmul.f32 v20, v60;
	_ =	sdelay $0x1  }
0x18d: {  	[tilespmem:v18+s3+$0x5A0 ss:$0x1] =	vst.idx.msk $0xffff, v20  }
0x18e: {  	v20 =	vld.idx.msk [tilespmem:v18+s3+$0x5B0 ss:$0x1], $0xffff;
	_ =	sdelay $0x4  }
0x18f: {  	v20 =	vmul.f32 v20, v60;
	_ =	sdelay $0x1  }
0x190: {  	[tilespmem:v18+s3+$0x5B0 ss:$0x1] =	vst.idx.msk $0xffff, v20  }
0x191: {  	v20 =	vld.idx.msk [tilespmem:v18+s3+$0x5C0 ss:$0x1], $0xffff;
	_ =	sdelay $0x4  }
0x192: {  	v20 =	vmul.f32 v20, v60;
	_ =	sdelay $0x1  }
0x193: {  	[tilespmem:v18+s3+$0x5C0 ss:$0x1] =	vst.idx.msk $0xffff, v20  }
0x194: {  	v20 =	vld.idx.msk [tilespmem:v18+s3+$0x5D0 ss:$0x1], $0xffff;
	_ =	sdelay $0x4  }
0x195: {  	v20 =	vmul.f32 v20, v60;
	_ =	sdelay $0x1  }
0x196: {  	[tilespmem:v18+s3+$0x5D0 ss:$0x1] =	vst.idx.msk $0xffff, v20  }
0x197: {  	v20 =	vld.idx.msk [tilespmem:v18+s3+$0x5E0 ss:$0x1], $0xffff;
	_ =	sdelay $0x4  }
0x198: {  	v20 =	vmul.f32 v20, v60;
	_ =	sdelay $0x1  }
0x199: {  	[tilespmem:v18+s3+$0x5E0 ss:$0x1] =	vst.idx.msk $0xffff, v20  }
0x19a: {  	v20 =	vld.idx.msk [tilespmem:v18+s3+$0x5F0 ss:$0x1], $0xffff;
	_ =	sdelay $0x4  }
0x19b: {  	v20 =	vmul.f32 v20, v60;
	_ =	sdelay $0x1  }
0x19c: {  	[tilespmem:v18+s3+$0x5F0 ss:$0x1] =	vst.idx.msk $0xffff, v20  }
0x19d: {  	v20 =	vld.idx.msk [tilespmem:v18+s3+$0x600 ss:$0x1], $0xffff;
	_ =	sdelay $0x2  }
0x19e: {  	v61 =	vperm.xlane v19, v13;
	_ =	sdelay $0x1  }
0x19f: {  	v20 =	vmul.f32 v20, v61;
	_ =	sdelay $0x1  }
0x1a0: {  	[tilespmem:v18+s3+$0x600 ss:$0x1] =	vst.idx.msk $0xffff, v20  }
0x1a1: {  	v20 =	vld.idx.msk [tilespmem:v18+s3+$0x610 ss:$0x1], $0xffff;
	_ =	sdelay $0x4  }
0x1a2: {  	v20 =	vmul.f32 v20, v61;
	_ =	sdelay $0x1  }
0x1a3: {  	[tilespmem:v18+s3+$0x610 ss:$0x1] =	vst.idx.msk $0xffff, v20  }
0x1a4: {  	v20 =	vld.idx.msk [tilespmem:v18+s3+$0x620 ss:$0x1], $0xffff;
	_ =	sdelay $0x4  }
0x1a5: {  	v20 =	vmul.f32 v20, v61;
	_ =	sdelay $0x1  }
0x1a6: {  	[tilespmem:v18+s3+$0x620 ss:$0x1] =	vst.idx.msk $0xffff, v20  }
0x1a7: {  	v20 =	vld.idx.msk [tilespmem:v18+s3+$0x630 ss:$0x1], $0xffff;
	_ =	sdelay $0x4  }
0x1a8: {  	v20 =	vmul.f32 v20, v61;
	_ =	sdelay $0x1  }
0x1a9: {  	[tilespmem:v18+s3+$0x630 ss:$0x1] =	vst.idx.msk $0xffff, v20  }
0x1aa: {  	v20 =	vld.idx.msk [tilespmem:v18+s3+$0x640 ss:$0x1], $0xffff;
	_ =	sdelay $0x4  }
0x1ab: {  	v20 =	vmul.f32 v20, v61;
	_ =	sdelay $0x1  }
0x1ac: {  	[tilespmem:v18+s3+$0x640 ss:$0x1] =	vst.idx.msk $0xffff, v20  }
0x1ad: {  	v20 =	vld.idx.msk [tilespmem:v18+s3+$0x650 ss:$0x1], $0xffff;
	_ =	sdelay $0x4  }
0x1ae: {  	v20 =	vmul.f32 v20, v61;
	_ =	sdelay $0x1  }
0x1af: {  	[tilespmem:v18+s3+$0x650 ss:$0x1] =	vst.idx.msk $0xffff, v20  }
0x1b0: {  	v20 =	vld.idx.msk [tilespmem:v18+s3+$0x660 ss:$0x1], $0xffff;
	_ =	sdelay $0x4  }
0x1b1: {  	v20 =	vmul.f32 v20, v61;
	_ =	sdelay $0x1  }
0x1b2: {  	[tilespmem:v18+s3+$0x660 ss:$0x1] =	vst.idx.msk $0xffff, v20  }
0x1b3: {  	v20 =	vld.idx.msk [tilespmem:v18+s3+$0x670 ss:$0x1], $0xffff;
	_ =	sdelay $0x4  }
0x1b4: {  	v20 =	vmul.f32 v20, v61;
	_ =	sdelay $0x1  }
0x1b5: {  	[tilespmem:v18+s3+$0x670 ss:$0x1] =	vst.idx.msk $0xffff, v20  }
0x1b6: {  	v20 =	vld.idx.msk [tilespmem:v18+s3+$0x680 ss:$0x1], $0xffff;
	_ =	sdelay $0x2  }
0x1b7: {  	v62 =	vperm.xlane v19, v14;
	_ =	sdelay $0x1  }
0x1b8: {  	v20 =	vmul.f32 v20, v62;
	_ =	sdelay $0x1  }
0x1b9: {  	[tilespmem:v18+s3+$0x680 ss:$0x1] =	vst.idx.msk $0xffff, v20  }
0x1ba: {  	v20 =	vld.idx.msk [tilespmem:v18+s3+$0x690 ss:$0x1], $0xffff;
	_ =	sdelay $0x4  }
0x1bb: {  	v20 =	vmul.f32 v20, v62;
	_ =	sdelay $0x1  }
0x1bc: {  	[tilespmem:v18+s3+$0x690 ss:$0x1] =	vst.idx.msk $0xffff, v20  }
0x1bd: {  	v20 =	vld.idx.msk [tilespmem:v18+s3+$0x6A0 ss:$0x1], $0xffff;
	_ =	sdelay $0x4  }
0x1be: {  	v20 =	vmul.f32 v20, v62;
	_ =	sdelay $0x1  }
0x1bf: {  	[tilespmem:v18+s3+$0x6A0 ss:$0x1] =	vst.idx.msk $0xffff, v20  }
0x1c0: {  	v20 =	vld.idx.msk [tilespmem:v18+s3+$0x6B0 ss:$0x1], $0xffff;
	_ =	sdelay $0x4  }
0x1c1: {  	v20 =	vmul.f32 v20, v62;
	_ =	sdelay $0x1  }
0x1c2: {  	[tilespmem:v18+s3+$0x6B0 ss:$0x1] =	vst.idx.msk $0xffff, v20  }
0x1c3: {  	v20 =	vld.idx.msk [tilespmem:v18+s3+$0x6C0 ss:$0x1], $0xffff;
	_ =	sdelay $0x4  }
0x1c4: {  	v20 =	vmul.f32 v20, v62;
	_ =	sdelay $0x1  }
0x1c5: {  	[tilespmem:v18+s3+$0x6C0 ss:$0x1] =	vst.idx.msk $0xffff, v20  }
0x1c6: {  	v20 =	vld.idx.msk [tilespmem:v18+s3+$0x6D0 ss:$0x1], $0xffff;
	_ =	sdelay $0x4  }
0x1c7: {  	v20 =	vmul.f32 v20, v62;
	_ =	sdelay $0x1  }
0x1c8: {  	[tilespmem:v18+s3+$0x6D0 ss:$0x1] =	vst.idx.msk $0xffff, v20  }
0x1c9: {  	v20 =	vld.idx.msk [tilespmem:v18+s3+$0x6E0 ss:$0x1], $0xffff;
	_ =	sdelay $0x4  }
0x1ca: {  	v20 =	vmul.f32 v20, v62;
	_ =	sdelay $0x1  }
0x1cb: {  	[tilespmem:v18+s3+$0x6E0 ss:$0x1] =	vst.idx.msk $0xffff, v20  }
0x1cc: {  	v20 =	vld.idx.msk [tilespmem:v18+s3+$0x6F0 ss:$0x1], $0xffff;
	_ =	sdelay $0x4  }
0x1cd: {  	v20 =	vmul.f32 v20, v62;
	_ =	sdelay $0x1  }
0x1ce: {  	[tilespmem:v18+s3+$0x6F0 ss:$0x1] =	vst.idx.msk $0xffff, v20  }
0x1cf: {  	v20 =	vld.idx.msk [tilespmem:v18+s3+$0x700 ss:$0x1], $0xffff;
	_ =	sdelay $0x2  }
0x1d0: {  	v63 =	vperm.xlane v19, v15;
	_ =	sdelay $0x1  }
0x1d1: {  	v20 =	vmul.f32 v20, v63;
	_ =	sdelay $0x1  }
0x1d2: {  	[tilespmem:v18+s3+$0x700 ss:$0x1] =	vst.idx.msk $0xffff, v20  }
0x1d3: {  	v20 =	vld.idx.msk [tilespmem:v18+s3+$0x710 ss:$0x1], $0xffff;
	_ =	sdelay $0x4  }
0x1d4: {  	v20 =	vmul.f32 v20, v63;
	_ =	sdelay $0x1  }
0x1d5: {  	[tilespmem:v18+s3+$0x710 ss:$0x1] =	vst.idx.msk $0xffff, v20  }
0x1d6: {  	v20 =	vld.idx.msk [tilespmem:v18+s3+$0x720 ss:$0x1], $0xffff;
	_ =	sdelay $0x4  }
0x1d7: {  	v20 =	vmul.f32 v20, v63;
	_ =	sdelay $0x1  }
0x1d8: {  	[tilespmem:v18+s3+$0x720 ss:$0x1] =	vst.idx.msk $0xffff, v20  }
0x1d9: {  	v20 =	vld.idx.msk [tilespmem:v18+s3+$0x730 ss:$0x1], $0xffff;
	_ =	sdelay $0x4  }
0x1da: {  	v20 =	vmul.f32 v20, v63;
	_ =	sdelay $0x1  }
0x1db: {  	[tilespmem:v18+s3+$0x730 ss:$0x1] =	vst.idx.msk $0xffff, v20  }
0x1dc: {  	v20 =	vld.idx.msk [tilespmem:v18+s3+$0x740 ss:$0x1], $0xffff;
	_ =	sdelay $0x4  }
0x1dd: {  	v20 =	vmul.f32 v20, v63;
	_ =	sdelay $0x1  }
0x1de: {  	[tilespmem:v18+s3+$0x740 ss:$0x1] =	vst.idx.msk $0xffff, v20  }
0x1df: {  	v20 =	vld.idx.msk [tilespmem:v18+s3+$0x750 ss:$0x1], $0xffff;
	_ =	sdelay $0x4  }
0x1e0: {  	v20 =	vmul.f32 v20, v63;
	_ =	sdelay $0x1  }
0x1e1: {  	[tilespmem:v18+s3+$0x750 ss:$0x1] =	vst.idx.msk $0xffff, v20  }
0x1e2: {  	v20 =	vld.idx.msk [tilespmem:v18+s3+$0x760 ss:$0x1], $0xffff;
	_ =	sdelay $0x4  }
0x1e3: {  	v20 =	vmul.f32 v20, v63;
	_ =	sdelay $0x1  }
0x1e4: {  	[tilespmem:v18+s3+$0x760 ss:$0x1] =	vst.idx.msk $0xffff, v20  }
0x1e5: {  	v20 =	vld.idx.msk [tilespmem:v18+s3+$0x770 ss:$0x1], $0xffff;
	_ =	sdelay $0x4  }
0x1e6: {  	v20 =	vmul.f32 v20, v63;
	_ =	sdelay $0x1  }
0x1e7: {  	[tilespmem:v18+s3+$0x770 ss:$0x1] =	vst.idx.msk $0xffff, v20  }
0x1e8: {  	v20 =	vld.idx.msk [tilespmem:v18+s3+$0x780 ss:$0x1], $0xffff;
	_ =	sdelay $0x2  }
0x1e9: {  	v19 =	vperm.xlane v19, v16;
	_ =	sdelay $0x1  }
0x1ea: {  	v20 =	vmul.f32 v20, v19;
	_ =	sdelay $0x1  }
0x1eb: {  	[tilespmem:v18+s3+$0x780 ss:$0x1] =	vst.idx.msk $0xffff, v20  }
0x1ec: {  	v20 =	vld.idx.msk [tilespmem:v18+s3+$0x790 ss:$0x1], $0xffff;
	_ =	sdelay $0x4  }
0x1ed: {  	v20 =	vmul.f32 v20, v19;
	_ =	sdelay $0x1  }
0x1ee: {  	[tilespmem:v18+s3+$0x790 ss:$0x1] =	vst.idx.msk $0xffff, v20  }
0x1ef: {  	v20 =	vld.idx.msk [tilespmem:v18+s3+$0x7A0 ss:$0x1], $0xffff;
	_ =	sdelay $0x4  }
0x1f0: {  	v20 =	vmul.f32 v20, v19;
	_ =	sdelay $0x1  }
0x1f1: {  	[tilespmem:v18+s3+$0x7A0 ss:$0x1] =	vst.idx.msk $0xffff, v20  }
0x1f2: {  	v20 =	vld.idx.msk [tilespmem:v18+s3+$0x7B0 ss:$0x1], $0xffff;
	_ =	sdelay $0x4  }
0x1f3: {  	v20 =	vmul.f32 v20, v19;
	_ =	sdelay $0x1  }
0x1f4: {  	[tilespmem:v18+s3+$0x7B0 ss:$0x1] =	vst.idx.msk $0xffff, v20  }
0x1f5: {  	v20 =	vld.idx.msk [tilespmem:v18+s3+$0x7C0 ss:$0x1], $0xffff;
	_ =	sdelay $0x4  }
0x1f6: {  	v20 =	vmul.f32 v20, v19;
	_ =	sdelay $0x1  }
0x1f7: {  	[tilespmem:v18+s3+$0x7C0 ss:$0x1] =	vst.idx.msk $0xffff, v20  }
0x1f8: {  	v20 =	vld.idx.msk [tilespmem:v18+s3+$0x7D0 ss:$0x1], $0xffff;
	_ =	sdelay $0x4  }
0x1f9: {  	v20 =	vmul.f32 v20, v19;
	_ =	sdelay $0x1  }
0x1fa: {  	[tilespmem:v18+s3+$0x7D0 ss:$0x1] =	vst.idx.msk $0xffff, v20  }
0x1fb: {  	v20 =	vld.idx.msk [tilespmem:v18+s3+$0x7E0 ss:$0x1], $0xffff;
	_ =	sdelay $0x4  }
0x1fc: {  	v20 =	vmul.f32 v20, v19;
	_ =	sdelay $0x1  }
0x1fd: {  	[tilespmem:v18+s3+$0x7E0 ss:$0x1] =	vst.idx.msk $0xffff, v20  }
0x1fe: {  	v20 =	vld.idx.msk [tilespmem:v18+s3+$0x7F0 ss:$0x1], $0xffff;
	_ =	sdelay $0x1  }
0x1ff: {  	p1 =	sne.s32 s0, $0x4  }
.Ltmp3:
0x200: {  	_ = 	snop;
	(pc) =	sbr.rel @p1 .LBB2_10-.Ltmp3, $3  }
0x201: {  	_ = 	snop  }
0x202: {  	v19 =	vmul.f32 v20, v19;
	_ =	sdelay $0x1  }
0x203: {  	s0 =	sadd.s32 $0x1, s0;
	[tilespmem:v18+s3+$0x7F0 ss:$0x1] =	vst.idx.msk $0xffff, v19  }
0x204: {  	s28 =	sadd.s32 $0x1, s28  }
0x205: {  	p1 =	sne.s32 s28, $0x10  }
.Ltmp4:
0x206: {  	_ = 	snop;
	(pc) =	sbr.rel @p1 .LBB2_5-.Ltmp4, $3  }
0x207: {  	_ =	sdelay $0x1  }
0x208: {  	s0 =	sadd.s32 $0x800, s30;
	s3 =	sadd.s32 $0x3, s29  }
0x209: {  	[spmem:s1] =	stream.indirect.scatter.add.f32 [tilespmem:s31], [sflag:s3], $0x80, s0, s22, $0xb8;
	[tilespmem:$0x1A080] =	vst v63  }
0x20a: {  	s26 =	sadd.s32 $0x1, s26  }
0x20b: {  	_ =	swait.ge [sflag:s23], $0x2800;
	p1 =	sne.s32 s26, $0x10  }
.Ltmp5:
0x20c: {  	[sflag:s23] =	ssyncset.done $0x0;
	(pc) =	sbr.rel @p1 .LBB2_4-.Ltmp5, $4  }
0x20d: {  	[sflag:s23] =	ssyncadd.s32 $0xFFFFD800  }
0x20e: {  	_ =	swait.ge [sflag:s24], $0x2800  }
0x20f: {  	[sflag:s24] =	ssyncset.done $0x0  }
0x210: {  	[sflag:s24] =	ssyncadd.s32 $0xFFFFD800  }
0x211: {  	s0 =	stileid.u32  }
0x212: {  	s0 =	sshll.u32 s0, $0x6  }
0x213: {  	[bflag:$0x0] =	sbarrier.arrive $0xFFFF;
	s3 =	sshrl.u32 s5, $0x3;
	s0 =	sor.u32 $0x1C05, s0  }
0x214: {  	[hbm:s16], [sflag:s0] =	dma.local [spmem:s3], $0x2700  }
0x215: {  	_ =	swait.ge [sflag:s20], $0x2700  }
0x216: {  	s2 =	sadd.s32 $0x1, s2;
	[sflag:s20] =	ssyncset.done $0x0  }
0x217: {  	p1 =	sne.s32 s2, s18;
	s3 =	sshrl.u32 @!p0 s13, $0x3;
	[sflag:s20] =	ssyncadd.s32 $0xFFFFD900  }
0x218: {  	[hbm:s17], [sflag:s0] =	dma.local @!p0 [spmem:s3], $0x100  }
.Ltmp6:
0x219: {  	_ = 	snop;
	(pc) =	sbr.rel @p1 .LBB2_1-.Ltmp6, $4  }
0x21a: {  	s0 =	simm.s32 @!p0 $0x5  }
0x21b: {  	_ =	swait.ge @!p0 [sflag:s0], $0x100  }
0x21c: {  	[sflag:s0] =	ssyncset.done @!p0 $0x0  }
0x21d: {  	[sflag:s0] =	ssyncadd.s32 @!p0 $0xFFFFFF00  }
0x21e: {  	_ =	sfence.sel $0x180000  }
0x21f: {  	[bflag:$0x0] =	sbarrier.arrive $0xFFFF  }
0x220: {  	_ =	strace $0x90000047  }
0x221: {  	[bflag:$0x2] =	sbarrier.arrive $0xFFFF  }
0x222: {  	s0 =	rddreg [dreg:$0x3]  }
0x223: {  	s0 =	sadd.s32 @!p0 $0x100000, s0  }
0x224: {  	[sflag:s0] =	ssyncadd.tile.s32 @!p0 $0x1;
	_ =	shalt  }
.Lfunc_end2:
_tile_overlayer_lowered:
.L_overlay_start_2:
0x225: {  	(tag) =	ssettag $0x2  }
0x226: {  	s0 =	rddreg [dreg:$0x0];
	s2 =	stileid.u32  }
0x227: {  	s1 =	rddreg [dreg:$0x1];
	p0 =	sne.s32 s2, $0x0  }
0x228: {  	s3 =	rddreg [dreg:$0x2];
	[bflag:$0x3] =	sbarrier.arrive $0xFFFF;
	s2 =	simm.s32 @!p0 $0x1C05  }
0x229: {  	[timem:s3], [sflag:s2] =	dma.local @!p0 [hbm:s0], s1  }
0x22a: {  	s0 =	simm.s32 @!p0 $0x5  }
0x22b: {  	_ =	swait.ge @!p0 [sflag:s0], s1  }
0x22c: {  	s1 =	ssub.s32 @!p0 $0x0, s1;
	[sflag:s0] =	ssyncset.done @!p0 $0x0  }
0x22d: {  	[sflag:s0] =	ssyncadd.s32 @!p0 s1  }
0x22e: {  	[bflag:$0x3] =	sbarrier.arrive $0xFFFF  }
0x22f: {  	_ =	shalt  }

</sc_bundles>
